<compile_context>
chip_gen: v7x
topology: tpu7x:2x2x1
jax: 0.10.2.dev20260603
libtpu: 0.0.44.dev20260713+nightly
codegen_flags: <defaults>
</compile_context>

<pallas_src>
import functools

import jax
import jax.numpy as jnp
from jax import lax
from jax.experimental import pallas as pl
from jax.experimental.pallas import tpu as pltpu
from jax.experimental.pallas import tpu_sc as plsc

NC = 2
NS = 16
NW = NC * NS
L = 16
CH = 128
RING = 6


@functools.partial(jax.jit, static_argnames=("batch", "k"))
def _mf_sc(user, item, uf_t, if_t, user_b, item_b, mu1, *, batch, k):
    b_w = batch // NW
    nch = b_w // CH
    nblk = b_w // L
    nh = k // L

    @functools.partial(
        pl.kernel,
        out_type=jax.ShapeDtypeStruct((batch,), jnp.float32),
        mesh=plsc.VectorSubcoreMesh(
            core_axis_name="c", subcore_axis_name="s",
            num_cores=NC, num_subcores=NS),
        scratch_types=(
            [
                pltpu.VMEM((nch, CH), jnp.int32),
                pltpu.VMEM((nch, CH), jnp.int32),
                pltpu.VMEM((b_w * k,), jnp.float32),
                pltpu.VMEM((b_w * k,), jnp.float32),
                pltpu.VMEM((L * L,), jnp.float32),
                pltpu.VMEM((b_w,), jnp.float32),
                pltpu.VMEM((b_w,), jnp.float32),
                pltpu.VMEM((L,), jnp.float32),
                pltpu.VMEM((b_w,), jnp.float32),
            ]
            + [pltpu.VMEM((k, CH), jnp.float32) for _ in range(2 * RING)]
            + [pltpu.SemaphoreType.DMA for _ in range(2 * RING + 1)]
        ),
        compiler_params=pltpu.CompilerParams(
            needs_layout_passes=False, use_tc_tiling_on_sc=True),
    )
    def body(user_h, item_h, uf_h, if_h, ub_h, ib_h, mu_h, out_h,
             uidx_v, iidx_v, ufr_v, ifr_v, tmp_v, ub_v, ib_v, mu_v, out_v,
             *ws):
        uwin = ws[:RING]
        iwin = ws[RING:2 * RING]
        usem = ws[2 * RING:3 * RING]
        isem = ws[3 * RING:4 * RING]
        bsem = ws[4 * RING]
        wid = lax.axis_index("s") * NC + lax.axis_index("c")
        base = wid * b_w

        pltpu.sync_copy(mu_h, mu_v.at[pl.ds(0, 1)])
        for j in range(nch):
            pltpu.sync_copy(user_h.at[pl.ds(base + j * CH, CH)], uidx_v.at[j])
            pltpu.sync_copy(item_h.at[pl.ds(base + j * CH, CH)], iidx_v.at[j])

        bias_copies = []
        for j in range(nch):
            sl = pl.ds(j * CH, CH)
            bias_copies.append(pltpu.async_copy(
                ub_h.at[uidx_v.at[j]], ub_v.at[sl], bsem))
            bias_copies.append(pltpu.async_copy(
                ib_h.at[iidx_v.at[j]], ib_v.at[sl], bsem))

        kk0 = lax.iota(jnp.int32, L)

        def extract(win, sem, table_h, rows_v, ii, dest):
            pltpu.make_async_copy(
                table_h.at[:, pl.ds(0, CH)], win, sem).wait()
            iiv = jnp.zeros((L,), jnp.int32) + ii
            for h in range(nh):
                col = plsc.load_gather(win, [kk0 + h * L, iiv])
                rows_v[pl.ds(dest * k + h * L, L)] = col

        def blk(g, carry):
            cb = g // (CH // L)
            off = (g % (CH // L)) * L
            uvec = uidx_v[cb, pl.ds(off, L)]
            ivec = iidx_v[cb, pl.ds(off, L)]
            pend_u = [None] * RING
            pend_i = [None] * RING
            for l in range(L):
                su = uvec[l]
                si = ivec[l]
                s = l % RING
                if pend_u[s] is not None:
                    extract(uwin[s], usem[s], uf_h, ufr_v, *pend_u[s])
                    extract(iwin[s], isem[s], if_h, ifr_v, *pend_i[s])
                wu = pl.multiple_of(su & -CH, CH)
                wi = pl.multiple_of(si & -CH, CH)
                pltpu.async_copy(uf_h.at[:, pl.ds(wu, CH)], uwin[s], usem[s])
                pltpu.async_copy(if_h.at[:, pl.ds(wi, CH)], iwin[s], isem[s])
                dest = g * L + l
                pend_u[s] = (su & (CH - 1), dest)
                pend_i[s] = (si & (CH - 1), dest)
            for l in range(L - RING, L):
                s = l % RING
                extract(uwin[s], usem[s], uf_h, ufr_v, *pend_u[s])
                extract(iwin[s], isem[s], if_h, ifr_v, *pend_i[s])
            return carry

        lax.fori_loop(0, nblk, blk, 0)

        for c in bias_copies:
            c.wait()

        mu_s = mu_v[pl.ds(0, L)][0]
        col16 = kk0 * L

        def group(g, carry):
            r0 = g * L
            gb = r0 * k
            for rr in range(L):
                o = gb + rr * k
                t = ufr_v[pl.ds(o, L)] * ifr_v[pl.ds(o, L)]
                for h in range(1, nh):
                    t = t + ufr_v[pl.ds(o + h * L, L)] * ifr_v[pl.ds(o + h * L, L)]
                plsc.store_scatter(tmp_v, [col16 + rr], t)
            acc = ub_v[pl.ds(r0, L)] + ib_v[pl.ds(r0, L)] + mu_s
            for jj in range(L):
                acc = acc + tmp_v[pl.ds(jj * L, L)]
            out_v[pl.ds(r0, L)] = acc
            return carry

        lax.fori_loop(0, nblk, group, 0)
        pltpu.sync_copy(out_v, out_h.at[pl.ds(base, b_w)])

    return body(user, item, uf_t, if_t, user_b, item_b, mu1)


def kernel(user, item, user_f, item_f, user_b, item_b, mu):
    batch = user.shape[0]
    k = user_f.shape[1]
    mu1 = jnp.reshape(mu.astype(jnp.float32), (1,))
    ub = jnp.reshape(user_b, (user_b.shape[0],))
    ib = jnp.reshape(item_b, (item_b.shape[0],))
    return _mf_sc(user, item, user_f.T, item_f.T, ub, ib, mu1,
                  batch=batch, k=k)

# --- scband reference (transcript-rebuilt; emitter-appended) ---
"""Pipeline reference for scband-mf-id-torch-66331474919975 (READ-ONLY COPY).

The authoritative reference and input builder live on the scoring server;
editing this copy changes nothing except your own understanding.
"""

import jax, jax.numpy as jnp
import numpy as np

NUM_USERS = 1000000
NUM_ITEMS = 1000000
K = 32
BATCH = 16384


def setup_inputs(seed: int = 0) -> dict:
    key = jax.random.key(seed)
    k_u, k_i, k_uf, k_if = jax.random.split(key, 4)
    user = jax.random.randint(k_u, (BATCH,), 0, NUM_USERS, dtype=jnp.int64 if jax.config.jax_enable_x64 else jnp.int32)
    item = jax.random.randint(k_i, (BATCH,), 0, NUM_ITEMS, dtype=jnp.int64 if jax.config.jax_enable_x64 else jnp.int32)
    user_f = 0.01 * jax.random.normal(k_uf, (NUM_USERS, K), dtype=jnp.float32)
    item_f = 0.01 * jax.random.normal(k_if, (NUM_ITEMS, K), dtype=jnp.float32)
    user_b = jnp.zeros((NUM_USERS, 1), dtype=jnp.float32)
    item_b = jnp.zeros((NUM_ITEMS, 1), dtype=jnp.float32)
    mu = jnp.asarray(0.0, dtype=jnp.float32)
    return {"user": user, "item": item, "user_f": user_f, "item_f": item_f, "user_b": user_b, "item_b": item_b, "mu": mu}


def reference(user, item, user_f, item_f, user_b, item_b, mu):
    # Biased MF: p = mu + b_u + b_i + <q_u, q_i>
    ub = jnp.take(user_b, user, axis=0)[:, 0]
    ib = jnp.take(item_b, item, axis=0)[:, 0]
    uf = jnp.take(user_f, user, axis=0)
    itf = jnp.take(item_f, item, axis=0)
    p = mu + ub + ib + jnp.sum(uf * itf, axis=1)
    return p

if __name__ == "__main__":
    import jax
    _d = setup_inputs()
    print(jax.jit(kernel)(*tuple(_d.values())))

</pallas_src>

<mosaic_0001>
#map = affine_map<(d0, d1) -> (0)>
#map1 = affine_map<(d0, d1) -> (0, 0)>
module attributes {stable_mosaic.version = 14 : i64} {
  func.func @body(%arg0: i32, %arg1: i32, %arg2: memref<16384xi32, #tpu.memory_space<hbm>>, %arg3: memref<16384xi32, #tpu.memory_space<hbm>>, %arg4: memref<32x1000000xf32, #tpu.memory_space<hbm>>, %arg5: memref<32x1000000xf32, #tpu.memory_space<hbm>>, %arg6: memref<1000000xf32, #tpu.memory_space<hbm>>, %arg7: memref<1000000xf32, #tpu.memory_space<hbm>>, %arg8: memref<1xf32, #tpu.memory_space<hbm>>, %arg9: memref<16384xf32, #tpu.memory_space<hbm>>, %arg10: memref<4x128xi32, #tpu.memory_space<vmem>>, %arg11: memref<4x128xi32, #tpu.memory_space<vmem>>, %arg12: memref<16384xf32, #tpu.memory_space<vmem>>, %arg13: memref<16384xf32, #tpu.memory_space<vmem>>, %arg14: memref<256xf32, #tpu.memory_space<vmem>>, %arg15: memref<512xf32, #tpu.memory_space<vmem>>, %arg16: memref<512xf32, #tpu.memory_space<vmem>>, %arg17: memref<16xf32, #tpu.memory_space<vmem>>, %arg18: memref<512xf32, #tpu.memory_space<vmem>>, %arg19: memref<32x128xf32, #tpu.memory_space<vmem>>, %arg20: memref<32x128xf32, #tpu.memory_space<vmem>>, %arg21: memref<32x128xf32, #tpu.memory_space<vmem>>, %arg22: memref<32x128xf32, #tpu.memory_space<vmem>>, %arg23: memref<32x128xf32, #tpu.memory_space<vmem>>, %arg24: memref<32x128xf32, #tpu.memory_space<vmem>>, %arg25: memref<32x128xf32, #tpu.memory_space<vmem>>, %arg26: memref<32x128xf32, #tpu.memory_space<vmem>>, %arg27: memref<32x128xf32, #tpu.memory_space<vmem>>, %arg28: memref<32x128xf32, #tpu.memory_space<vmem>>, %arg29: memref<32x128xf32, #tpu.memory_space<vmem>>, %arg30: memref<32x128xf32, #tpu.memory_space<vmem>>, %arg31: memref<!tpu.dma_semaphore, #tpu.memory_space<semaphore_mem>>, %arg32: memref<!tpu.dma_semaphore, #tpu.memory_space<semaphore_mem>>, %arg33: memref<!tpu.dma_semaphore, #tpu.memory_space<semaphore_mem>>, %arg34: memref<!tpu.dma_semaphore, #tpu.memory_space<semaphore_mem>>, %arg35: memref<!tpu.dma_semaphore, #tpu.memory_space<semaphore_mem>>, %arg36: memref<!tpu.dma_semaphore, #tpu.memory_space<semaphore_mem>>, %arg37: memref<!tpu.dma_semaphore, #tpu.memory_space<semaphore_mem>>, %arg38: memref<!tpu.dma_semaphore, #tpu.memory_space<semaphore_mem>>, %arg39: memref<!tpu.dma_semaphore, #tpu.memory_space<semaphore_mem>>, %arg40: memref<!tpu.dma_semaphore, #tpu.memory_space<semaphore_mem>>, %arg41: memref<!tpu.dma_semaphore, #tpu.memory_space<semaphore_mem>>, %arg42: memref<!tpu.dma_semaphore, #tpu.memory_space<semaphore_mem>>, %arg43: memref<!tpu.dma_semaphore, #tpu.memory_space<semaphore_mem>>) attributes {dimension_semantics = [#tpu.dimension_semantics<core_parallel>, #tpu.dimension_semantics<subcore_parallel>], iteration_bounds = array<i64: 2, 16>, scalar_prefetch = 0 : i64, scratch_operands = 34 : i64, tpu.core_type = #tpu.core_type<sc_vector_subcore>, window_params = [{transform_indices = #map}, {transform_indices = #map}, {transform_indices = #map1}, {transform_indices = #map1}, {transform_indices = #map}, {transform_indices = #map}, {transform_indices = #map}, {transform_indices = #map}]} {
    %mul3A = arith.constant 2 : i32
    %mul3A_0 = arith.muli %arg1, %mul3A : i32
    %add3A = arith.addi %mul3A_0, %arg0 : i32
    %mul3A_1 = arith.constant 512 : i32
    %mul3A_2 = arith.muli %add3A, %mul3A_1 : i32
    "tpu.region"() ({
      %run_scoped3A_167 = tpu.sem_alloc : memref<!tpu.dma_semaphore, #tpu.memory_space<semaphore_mem>>
      %dma_start3A_168 = arith.constant 0 : i32
      %dma_start3A_169 = tpu.memref_slice %arg17[%dma_start3A_168] : memref<16xf32, #tpu.memory_space<vmem>> -> memref<1xf32, #tpu.memory_space<vmem>>
      %dma_start3A_170 = arith.constant 0 : i32
      %dma_start3A_171 = tpu.memref_slice %arg17[%dma_start3A_170] : memref<16xf32, #tpu.memory_space<vmem>> -> memref<1xf32, #tpu.memory_space<vmem>>
      tpu.enqueue_dma source(%arg8 : memref<1xf32, #tpu.memory_space<hbm>>) target(%dma_start3A_171 : memref<1xf32, #tpu.memory_space<vmem>>) target_semaphore(%run_scoped3A_167 : memref<!tpu.dma_semaphore, #tpu.memory_space<semaphore_mem>>)
      %dma_wait3A_172 = arith.constant 0 : i32
      %dma_wait3A_173 = tpu.memref_slice %arg17[%dma_wait3A_172] : memref<16xf32, #tpu.memory_space<vmem>> -> memref<1xf32, #tpu.memory_space<vmem>>
      %dma_wait3A_174 = arith.constant 0 : i32
      %dma_wait3A_175 = tpu.memref_slice %arg17[%dma_wait3A_174] : memref<16xf32, #tpu.memory_space<vmem>> -> memref<1xf32, #tpu.memory_space<vmem>>
      tpu.wait_dma2 semaphore(%run_scoped3A_167 : memref<!tpu.dma_semaphore, #tpu.memory_space<semaphore_mem>>) src(%arg8 : memref<1xf32, #tpu.memory_space<hbm>>) dst(%dma_wait3A_175 : memref<1xf32, #tpu.memory_space<vmem>>)
      tpu.yield
    }) : () -> ()
    %add3A_3 = arith.constant 0 : i32
    %add3A_4 = arith.addi %mul3A_2, %add3A_3 : i32
    %run_scoped3A = arith.constant 0 : i32
    "tpu.region"() ({
      %run_scoped3A_167 = tpu.sem_alloc : memref<!tpu.dma_semaphore, #tpu.memory_space<semaphore_mem>>
      %dma_start3A_168 = arith.constant 0 : i32
      %dma_start3A_169 = tpu.memref_slice %arg10[%run_scoped3A, %dma_start3A_168] : memref<4x128xi32, #tpu.memory_space<vmem>> -> memref<1x128xi32, #tpu.memory_space<vmem>>
      %dma_start3A_170 = tpu.memref_squeeze %dma_start3A_169 : memref<1x128xi32, #tpu.memory_space<vmem>> -> memref<128xi32, #tpu.memory_space<vmem>>
      %dma_start3A_171 = tpu.memref_slice %arg2[%add3A_4] : memref<16384xi32, #tpu.memory_space<hbm>> -> memref<128xi32, #tpu.memory_space<hbm>>
      %dma_start3A_172 = arith.constant 0 : i32
      %dma_start3A_173 = tpu.memref_slice %arg10[%run_scoped3A, %dma_start3A_172] : memref<4x128xi32, #tpu.memory_space<vmem>> -> memref<1x128xi32, #tpu.memory_space<vmem>>
      %dma_start3A_174 = tpu.memref_squeeze %dma_start3A_173 : memref<1x128xi32, #tpu.memory_space<vmem>> -> memref<128xi32, #tpu.memory_space<vmem>>
      %dma_start3A_175 = tpu.memref_slice %arg2[%add3A_4] : memref<16384xi32, #tpu.memory_space<hbm>> -> memref<128xi32, #tpu.memory_space<hbm>>
      tpu.enqueue_dma source(%dma_start3A_175 : memref<128xi32, #tpu.memory_space<hbm>>) target(%dma_start3A_174 : memref<128xi32, #tpu.memory_space<vmem>>) target_semaphore(%run_scoped3A_167 : memref<!tpu.dma_semaphore, #tpu.memory_space<semaphore_mem>>)
      %dma_wait3A_176 = arith.constant 0 : i32
      %dma_wait3A_177 = tpu.memref_slice %arg10[%run_scoped3A, %dma_wait3A_176] : memref<4x128xi32, #tpu.memory_space<vmem>> -> memref<1x128xi32, #tpu.memory_space<vmem>>
      %dma_wait3A_178 = tpu.memref_squeeze %dma_wait3A_177 : memref<1x128xi32, #tpu.memory_space<vmem>> -> memref<128xi32, #tpu.memory_space<vmem>>
      %dma_wait3A_179 = tpu.memref_slice %arg2[%add3A_4] : memref<16384xi32, #tpu.memory_space<hbm>> -> memref<128xi32, #tpu.memory_space<hbm>>
      %dma_wait3A_180 = arith.constant 0 : i32
      %dma_wait3A_181 = tpu.memref_slice %arg10[%run_scoped3A, %dma_wait3A_180] : memref<4x128xi32, #tpu.memory_space<vmem>> -> memref<1x128xi32, #tpu.memory_space<vmem>>
      %dma_wait3A_182 = tpu.memref_squeeze %dma_wait3A_181 : memref<1x128xi32, #tpu.memory_space<vmem>> -> memref<128xi32, #tpu.memory_space<vmem>>
      %dma_wait3A_183 = tpu.memref_slice %arg2[%add3A_4] : memref<16384xi32, #tpu.memory_space<hbm>> -> memref<128xi32, #tpu.memory_space<hbm>>
      tpu.wait_dma2 semaphore(%run_scoped3A_167 : memref<!tpu.dma_semaphore, #tpu.memory_space<semaphore_mem>>) src(%dma_wait3A_183 : memref<128xi32, #tpu.memory_space<hbm>>) dst(%dma_wait3A_182 : memref<128xi32, #tpu.memory_space<vmem>>)
      tpu.yield
    }) : () -> ()
    %add3A_5 = arith.constant 0 : i32
    %add3A_6 = arith.addi %mul3A_2, %add3A_5 : i32
    %run_scoped3A_7 = arith.constant 0 : i32
    "tpu.region"() ({
      %run_scoped3A_167 = tpu.sem_alloc : memref<!tpu.dma_semaphore, #tpu.memory_space<semaphore_mem>>
      %dma_start3A_168 = arith.constant 0 : i32
      %dma_start3A_169 = tpu.memref_slice %arg11[%run_scoped3A_7, %dma_start3A_168] : memref<4x128xi32, #tpu.memory_space<vmem>> -> memref<1x128xi32, #tpu.memory_space<vmem>>
      %dma_start3A_170 = tpu.memref_squeeze %dma_start3A_169 : memref<1x128xi32, #tpu.memory_space<vmem>> -> memref<128xi32, #tpu.memory_space<vmem>>
      %dma_start3A_171 = tpu.memref_slice %arg3[%add3A_6] : memref<16384xi32, #tpu.memory_space<hbm>> -> memref<128xi32, #tpu.memory_space<hbm>>
      %dma_start3A_172 = arith.constant 0 : i32
      %dma_start3A_173 = tpu.memref_slice %arg11[%run_scoped3A_7, %dma_start3A_172] : memref<4x128xi32, #tpu.memory_space<vmem>> -> memref<1x128xi32, #tpu.memory_space<vmem>>
      %dma_start3A_174 = tpu.memref_squeeze %dma_start3A_173 : memref<1x128xi32, #tpu.memory_space<vmem>> -> memref<128xi32, #tpu.memory_space<vmem>>
      %dma_start3A_175 = tpu.memref_slice %arg3[%add3A_6] : memref<16384xi32, #tpu.memory_space<hbm>> -> memref<128xi32, #tpu.memory_space<hbm>>
      tpu.enqueue_dma source(%dma_start3A_175 : memref<128xi32, #tpu.memory_space<hbm>>) target(%dma_start3A_174 : memref<128xi32, #tpu.memory_space<vmem>>) target_semaphore(%run_scoped3A_167 : memref<!tpu.dma_semaphore, #tpu.memory_space<semaphore_mem>>)
      %dma_wait3A_176 = arith.constant 0 : i32
      %dma_wait3A_177 = tpu.memref_slice %arg11[%run_scoped3A_7, %dma_wait3A_176] : memref<4x128xi32, #tpu.memory_space<vmem>> -> memref<1x128xi32, #tpu.memory_space<vmem>>
      %dma_wait3A_178 = tpu.memref_squeeze %dma_wait3A_177 : memref<1x128xi32, #tpu.memory_space<vmem>> -> memref<128xi32, #tpu.memory_space<vmem>>
      %dma_wait3A_179 = tpu.memref_slice %arg3[%add3A_6] : memref<16384xi32, #tpu.memory_space<hbm>> -> memref<128xi32, #tpu.memory_space<hbm>>
      %dma_wait3A_180 = arith.constant 0 : i32
      %dma_wait3A_181 = tpu.memref_slice %arg11[%run_scoped3A_7, %dma_wait3A_180] : memref<4x128xi32, #tpu.memory_space<vmem>> -> memref<1x128xi32, #tpu.memory_space<vmem>>
      %dma_wait3A_182 = tpu.memref_squeeze %dma_wait3A_181 : memref<1x128xi32, #tpu.memory_space<vmem>> -> memref<128xi32, #tpu.memory_space<vmem>>
      %dma_wait3A_183 = tpu.memref_slice %arg3[%add3A_6] : memref<16384xi32, #tpu.memory_space<hbm>> -> memref<128xi32, #tpu.memory_space<hbm>>
      tpu.wait_dma2 semaphore(%run_scoped3A_167 : memref<!tpu.dma_semaphore, #tpu.memory_space<semaphore_mem>>) src(%dma_wait3A_183 : memref<128xi32, #tpu.memory_space<hbm>>) dst(%dma_wait3A_182 : memref<128xi32, #tpu.memory_space<vmem>>)
      tpu.yield
    }) : () -> ()
    %add3A_8 = arith.constant 128 : i32
    %add3A_9 = arith.addi %mul3A_2, %add3A_8 : i32
    %run_scoped3A_10 = arith.constant 1 : i32
    "tpu.region"() ({
      %run_scoped3A_167 = tpu.sem_alloc : memref<!tpu.dma_semaphore, #tpu.memory_space<semaphore_mem>>
      %dma_start3A_168 = arith.constant 0 : i32
      %dma_start3A_169 = tpu.memref_slice %arg10[%run_scoped3A_10, %dma_start3A_168] : memref<4x128xi32, #tpu.memory_space<vmem>> -> memref<1x128xi32, #tpu.memory_space<vmem>>
      %dma_start3A_170 = tpu.memref_squeeze %dma_start3A_169 : memref<1x128xi32, #tpu.memory_space<vmem>> -> memref<128xi32, #tpu.memory_space<vmem>>
      %dma_start3A_171 = tpu.memref_slice %arg2[%add3A_9] : memref<16384xi32, #tpu.memory_space<hbm>> -> memref<128xi32, #tpu.memory_space<hbm>>
      %dma_start3A_172 = arith.constant 0 : i32
      %dma_start3A_173 = tpu.memref_slice %arg10[%run_scoped3A_10, %dma_start3A_172] : memref<4x128xi32, #tpu.memory_space<vmem>> -> memref<1x128xi32, #tpu.memory_space<vmem>>
      %dma_start3A_174 = tpu.memref_squeeze %dma_start3A_173 : memref<1x128xi32, #tpu.memory_space<vmem>> -> memref<128xi32, #tpu.memory_space<vmem>>
      %dma_start3A_175 = tpu.memref_slice %arg2[%add3A_9] : memref<16384xi32, #tpu.memory_space<hbm>> -> memref<128xi32, #tpu.memory_space<hbm>>
      tpu.enqueue_dma source(%dma_start3A_175 : memref<128xi32, #tpu.memory_space<hbm>>) target(%dma_start3A_174 : memref<128xi32, #tpu.memory_space<vmem>>) target_semaphore(%run_scoped3A_167 : memref<!tpu.dma_semaphore, #tpu.memory_space<semaphore_mem>>)
      %dma_wait3A_176 = arith.constant 0 : i32
      %dma_wait3A_177 = tpu.memref_slice %arg10[%run_scoped3A_10, %dma_wait3A_176] : memref<4x128xi32, #tpu.memory_space<vmem>> -> memref<1x128xi32, #tpu.memory_space<vmem>>
      %dma_wait3A_178 = tpu.memref_squeeze %dma_wait3A_177 : memref<1x128xi32, #tpu.memory_space<vmem>> -> memref<128xi32, #tpu.memory_space<vmem>>
      %dma_wait3A_179 = tpu.memref_slice %arg2[%add3A_9] : memref<16384xi32, #tpu.memory_space<hbm>> -> memref<128xi32, #tpu.memory_space<hbm>>
      %dma_wait3A_180 = arith.constant 0 : i32
      %dma_wait3A_181 = tpu.memref_slice %arg10[%run_scoped3A_10, %dma_wait3A_180] : memref<4x128xi32, #tpu.memory_space<vmem>> -> memref<1x128xi32, #tpu.memory_space<vmem>>
      %dma_wait3A_182 = tpu.memref_squeeze %dma_wait3A_181 : memref<1x128xi32, #tpu.memory_space<vmem>> -> memref<128xi32, #tpu.memory_space<vmem>>
      %dma_wait3A_183 = tpu.memref_slice %arg2[%add3A_9] : memref<16384xi32, #tpu.memory_space<hbm>> -> memref<128xi32, #tpu.memory_space<hbm>>
      tpu.wait_dma2 semaphore(%run_scoped3A_167 : memref<!tpu.dma_semaphore, #tpu.memory_space<semaphore_mem>>) src(%dma_wait3A_183 : memref<128xi32, #tpu.memory_space<hbm>>) dst(%dma_wait3A_182 : memref<128xi32, #tpu.memory_space<vmem>>)
      tpu.yield
    }) : () -> ()
    %add3A_11 = arith.constant 128 : i32
    %add3A_12 = arith.addi %mul3A_2, %add3A_11 : i32
    %run_scoped3A_13 = arith.constant 1 : i32
    "tpu.region"() ({
      %run_scoped3A_167 = tpu.sem_alloc : memref<!tpu.dma_semaphore, #tpu.memory_space<semaphore_mem>>
      %dma_start3A_168 = arith.constant 0 : i32
      %dma_start3A_169 = tpu.memref_slice %arg11[%run_scoped3A_13, %dma_start3A_168] : memref<4x128xi32, #tpu.memory_space<vmem>> -> memref<1x128xi32, #tpu.memory_space<vmem>>
      %dma_start3A_170 = tpu.memref_squeeze %dma_start3A_169 : memref<1x128xi32, #tpu.memory_space<vmem>> -> memref<128xi32, #tpu.memory_space<vmem>>
      %dma_start3A_171 = tpu.memref_slice %arg3[%add3A_12] : memref<16384xi32, #tpu.memory_space<hbm>> -> memref<128xi32, #tpu.memory_space<hbm>>
      %dma_start3A_172 = arith.constant 0 : i32
      %dma_start3A_173 = tpu.memref_slice %arg11[%run_scoped3A_13, %dma_start3A_172] : memref<4x128xi32, #tpu.memory_space<vmem>> -> memref<1x128xi32, #tpu.memory_space<vmem>>
      %dma_start3A_174 = tpu.memref_squeeze %dma_start3A_173 : memref<1x128xi32, #tpu.memory_space<vmem>> -> memref<128xi32, #tpu.memory_space<vmem>>
      %dma_start3A_175 = tpu.memref_slice %arg3[%add3A_12] : memref<16384xi32, #tpu.memory_space<hbm>> -> memref<128xi32, #tpu.memory_space<hbm>>
      tpu.enqueue_dma source(%dma_start3A_175 : memref<128xi32, #tpu.memory_space<hbm>>) target(%dma_start3A_174 : memref<128xi32, #tpu.memory_space<vmem>>) target_semaphore(%run_scoped3A_167 : memref<!tpu.dma_semaphore, #tpu.memory_space<semaphore_mem>>)
      %dma_wait3A_176 = arith.constant 0 : i32
      %dma_wait3A_177 = tpu.memref_slice %arg11[%run_scoped3A_13, %dma_wait3A_176] : memref<4x128xi32, #tpu.memory_space<vmem>> -> memref<1x128xi32, #tpu.memory_space<vmem>>
      %dma_wait3A_178 = tpu.memref_squeeze %dma_wait3A_177 : memref<1x128xi32, #tpu.memory_space<vmem>> -> memref<128xi32, #tpu.memory_space<vmem>>
      %dma_wait3A_179 = tpu.memref_slice %arg3[%add3A_12] : memref<16384xi32, #tpu.memory_space<hbm>> -> memref<128xi32, #tpu.memory_space<hbm>>
      %dma_wait3A_180 = arith.constant 0 : i32
      %dma_wait3A_181 = tpu.memref_slice %arg11[%run_scoped3A_13, %dma_wait3A_180] : memref<4x128xi32, #tpu.memory_space<vmem>> -> memref<1x128xi32, #tpu.memory_space<vmem>>
      %dma_wait3A_182 = tpu.memref_squeeze %dma_wait3A_181 : memref<1x128xi32, #tpu.memory_space<vmem>> -> memref<128xi32, #tpu.memory_space<vmem>>
      %dma_wait3A_183 = tpu.memref_slice %arg3[%add3A_12] : memref<16384xi32, #tpu.memory_space<hbm>> -> memref<128xi32, #tpu.memory_space<hbm>>
      tpu.wait_dma2 semaphore(%run_scoped3A_167 : memref<!tpu.dma_semaphore, #tpu.memory_space<semaphore_mem>>) src(%dma_wait3A_183 : memref<128xi32, #tpu.memory_space<hbm>>) dst(%dma_wait3A_182 : memref<128xi32, #tpu.memory_space<vmem>>)
      tpu.yield
    }) : () -> ()
    %add3A_14 = arith.constant 256 : i32
    %add3A_15 = arith.addi %mul3A_2, %add3A_14 : i32
    %run_scoped3A_16 = arith.constant 2 : i32
    "tpu.region"() ({
      %run_scoped3A_167 = tpu.sem_alloc : memref<!tpu.dma_semaphore, #tpu.memory_space<semaphore_mem>>
      %dma_start3A_168 = arith.constant 0 : i32
      %dma_start3A_169 = tpu.memref_slice %arg10[%run_scoped3A_16, %dma_start3A_168] : memref<4x128xi32, #tpu.memory_space<vmem>> -> memref<1x128xi32, #tpu.memory_space<vmem>>
      %dma_start3A_170 = tpu.memref_squeeze %dma_start3A_169 : memref<1x128xi32, #tpu.memory_space<vmem>> -> memref<128xi32, #tpu.memory_space<vmem>>
      %dma_start3A_171 = tpu.memref_slice %arg2[%add3A_15] : memref<16384xi32, #tpu.memory_space<hbm>> -> memref<128xi32, #tpu.memory_space<hbm>>
      %dma_start3A_172 = arith.constant 0 : i32
      %dma_start3A_173 = tpu.memref_slice %arg10[%run_scoped3A_16, %dma_start3A_172] : memref<4x128xi32, #tpu.memory_space<vmem>> -> memref<1x128xi32, #tpu.memory_space<vmem>>
      %dma_start3A_174 = tpu.memref_squeeze %dma_start3A_173 : memref<1x128xi32, #tpu.memory_space<vmem>> -> memref<128xi32, #tpu.memory_space<vmem>>
      %dma_start3A_175 = tpu.memref_slice %arg2[%add3A_15] : memref<16384xi32, #tpu.memory_space<hbm>> -> memref<128xi32, #tpu.memory_space<hbm>>
      tpu.enqueue_dma source(%dma_start3A_175 : memref<128xi32, #tpu.memory_space<hbm>>) target(%dma_start3A_174 : memref<128xi32, #tpu.memory_space<vmem>>) target_semaphore(%run_scoped3A_167 : memref<!tpu.dma_semaphore, #tpu.memory_space<semaphore_mem>>)
      %dma_wait3A_176 = arith.constant 0 : i32
      %dma_wait3A_177 = tpu.memref_slice %arg10[%run_scoped3A_16, %dma_wait3A_176] : memref<4x128xi32, #tpu.memory_space<vmem>> -> memref<1x128xi32, #tpu.memory_space<vmem>>
      %dma_wait3A_178 = tpu.memref_squeeze %dma_wait3A_177 : memref<1x128xi32, #tpu.memory_space<vmem>> -> memref<128xi32, #tpu.memory_space<vmem>>
      %dma_wait3A_179 = tpu.memref_slice %arg2[%add3A_15] : memref<16384xi32, #tpu.memory_space<hbm>> -> memref<128xi32, #tpu.memory_space<hbm>>
      %dma_wait3A_180 = arith.constant 0 : i32
      %dma_wait3A_181 = tpu.memref_slice %arg10[%run_scoped3A_16, %dma_wait3A_180] : memref<4x128xi32, #tpu.memory_space<vmem>> -> memref<1x128xi32, #tpu.memory_space<vmem>>
      %dma_wait3A_182 = tpu.memref_squeeze %dma_wait3A_181 : memref<1x128xi32, #tpu.memory_space<vmem>> -> memref<128xi32, #tpu.memory_space<vmem>>
      %dma_wait3A_183 = tpu.memref_slice %arg2[%add3A_15] : memref<16384xi32, #tpu.memory_space<hbm>> -> memref<128xi32, #tpu.memory_space<hbm>>
      tpu.wait_dma2 semaphore(%run_scoped3A_167 : memref<!tpu.dma_semaphore, #tpu.memory_space<semaphore_mem>>) src(%dma_wait3A_183 : memref<128xi32, #tpu.memory_space<hbm>>) dst(%dma_wait3A_182 : memref<128xi32, #tpu.memory_space<vmem>>)
      tpu.yield
    }) : () -> ()
    %add3A_17 = arith.constant 256 : i32
    %add3A_18 = arith.addi %mul3A_2, %add3A_17 : i32
    %run_scoped3A_19 = arith.constant 2 : i32
    "tpu.region"() ({
      %run_scoped3A_167 = tpu.sem_alloc : memref<!tpu.dma_semaphore, #tpu.memory_space<semaphore_mem>>
      %dma_start3A_168 = arith.constant 0 : i32
      %dma_start3A_169 = tpu.memref_slice %arg11[%run_scoped3A_19, %dma_start3A_168] : memref<4x128xi32, #tpu.memory_space<vmem>> -> memref<1x128xi32, #tpu.memory_space<vmem>>
      %dma_start3A_170 = tpu.memref_squeeze %dma_start3A_169 : memref<1x128xi32, #tpu.memory_space<vmem>> -> memref<128xi32, #tpu.memory_space<vmem>>
      %dma_start3A_171 = tpu.memref_slice %arg3[%add3A_18] : memref<16384xi32, #tpu.memory_space<hbm>> -> memref<128xi32, #tpu.memory_space<hbm>>
      %dma_start3A_172 = arith.constant 0 : i32
      %dma_start3A_173 = tpu.memref_slice %arg11[%run_scoped3A_19, %dma_start3A_172] : memref<4x128xi32, #tpu.memory_space<vmem>> -> memref<1x128xi32, #tpu.memory_space<vmem>>
      %dma_start3A_174 = tpu.memref_squeeze %dma_start3A_173 : memref<1x128xi32, #tpu.memory_space<vmem>> -> memref<128xi32, #tpu.memory_space<vmem>>
      %dma_start3A_175 = tpu.memref_slice %arg3[%add3A_18] : memref<16384xi32, #tpu.memory_space<hbm>> -> memref<128xi32, #tpu.memory_space<hbm>>
      tpu.enqueue_dma source(%dma_start3A_175 : memref<128xi32, #tpu.memory_space<hbm>>) target(%dma_start3A_174 : memref<128xi32, #tpu.memory_space<vmem>>) target_semaphore(%run_scoped3A_167 : memref<!tpu.dma_semaphore, #tpu.memory_space<semaphore_mem>>)
      %dma_wait3A_176 = arith.constant 0 : i32
      %dma_wait3A_177 = tpu.memref_slice %arg11[%run_scoped3A_19, %dma_wait3A_176] : memref<4x128xi32, #tpu.memory_space<vmem>> -> memref<1x128xi32, #tpu.memory_space<vmem>>
      %dma_wait3A_178 = tpu.memref_squeeze %dma_wait3A_177 : memref<1x128xi32, #tpu.memory_space<vmem>> -> memref<128xi32, #tpu.memory_space<vmem>>
      %dma_wait3A_179 = tpu.memref_slice %arg3[%add3A_18] : memref<16384xi32, #tpu.memory_space<hbm>> -> memref<128xi32, #tpu.memory_space<hbm>>
      %dma_wait3A_180 = arith.constant 0 : i32
      %dma_wait3A_181 = tpu.memref_slice %arg11[%run_scoped3A_19, %dma_wait3A_180] : memref<4x128xi32, #tpu.memory_space<vmem>> -> memref<1x128xi32, #tpu.memory_space<vmem>>
      %dma_wait3A_182 = tpu.memref_squeeze %dma_wait3A_181 : memref<1x128xi32, #tpu.memory_space<vmem>> -> memref<128xi32, #tpu.memory_space<vmem>>
      %dma_wait3A_183 = tpu.memref_slice %arg3[%add3A_18] : memref<16384xi32, #tpu.memory_space<hbm>> -> memref<128xi32, #tpu.memory_space<hbm>>
      tpu.wait_dma2 semaphore(%run_scoped3A_167 : memref<!tpu.dma_semaphore, #tpu.memory_space<semaphore_mem>>) src(%dma_wait3A_183 : memref<128xi32, #tpu.memory_space<hbm>>) dst(%dma_wait3A_182 : memref<128xi32, #tpu.memory_space<vmem>>)
      tpu.yield
    }) : () -> ()
    %add3A_20 = arith.constant 384 : i32
    %add3A_21 = arith.addi %mul3A_2, %add3A_20 : i32
    %run_scoped3A_22 = arith.constant 3 : i32
    "tpu.region"() ({
      %run_scoped3A_167 = tpu.sem_alloc : memref<!tpu.dma_semaphore, #tpu.memory_space<semaphore_mem>>
      %dma_start3A_168 = arith.constant 0 : i32
      %dma_start3A_169 = tpu.memref_slice %arg10[%run_scoped3A_22, %dma_start3A_168] : memref<4x128xi32, #tpu.memory_space<vmem>> -> memref<1x128xi32, #tpu.memory_space<vmem>>
      %dma_start3A_170 = tpu.memref_squeeze %dma_start3A_169 : memref<1x128xi32, #tpu.memory_space<vmem>> -> memref<128xi32, #tpu.memory_space<vmem>>
      %dma_start3A_171 = tpu.memref_slice %arg2[%add3A_21] : memref<16384xi32, #tpu.memory_space<hbm>> -> memref<128xi32, #tpu.memory_space<hbm>>
      %dma_start3A_172 = arith.constant 0 : i32
      %dma_start3A_173 = tpu.memref_slice %arg10[%run_scoped3A_22, %dma_start3A_172] : memref<4x128xi32, #tpu.memory_space<vmem>> -> memref<1x128xi32, #tpu.memory_space<vmem>>
      %dma_start3A_174 = tpu.memref_squeeze %dma_start3A_173 : memref<1x128xi32, #tpu.memory_space<vmem>> -> memref<128xi32, #tpu.memory_space<vmem>>
      %dma_start3A_175 = tpu.memref_slice %arg2[%add3A_21] : memref<16384xi32, #tpu.memory_space<hbm>> -> memref<128xi32, #tpu.memory_space<hbm>>
      tpu.enqueue_dma source(%dma_start3A_175 : memref<128xi32, #tpu.memory_space<hbm>>) target(%dma_start3A_174 : memref<128xi32, #tpu.memory_space<vmem>>) target_semaphore(%run_scoped3A_167 : memref<!tpu.dma_semaphore, #tpu.memory_space<semaphore_mem>>)
      %dma_wait3A_176 = arith.constant 0 : i32
      %dma_wait3A_177 = tpu.memref_slice %arg10[%run_scoped3A_22, %dma_wait3A_176] : memref<4x128xi32, #tpu.memory_space<vmem>> -> memref<1x128xi32, #tpu.memory_space<vmem>>
      %dma_wait3A_178 = tpu.memref_squeeze %dma_wait3A_177 : memref<1x128xi32, #tpu.memory_space<vmem>> -> memref<128xi32, #tpu.memory_space<vmem>>
      %dma_wait3A_179 = tpu.memref_slice %arg2[%add3A_21] : memref<16384xi32, #tpu.memory_space<hbm>> -> memref<128xi32, #tpu.memory_space<hbm>>
      %dma_wait3A_180 = arith.constant 0 : i32
      %dma_wait3A_181 = tpu.memref_slice %arg10[%run_scoped3A_22, %dma_wait3A_180] : memref<4x128xi32, #tpu.memory_space<vmem>> -> memref<1x128xi32, #tpu.memory_space<vmem>>
      %dma_wait3A_182 = tpu.memref_squeeze %dma_wait3A_181 : memref<1x128xi32, #tpu.memory_space<vmem>> -> memref<128xi32, #tpu.memory_space<vmem>>
      %dma_wait3A_183 = tpu.memref_slice %arg2[%add3A_21] : memref<16384xi32, #tpu.memory_space<hbm>> -> memref<128xi32, #tpu.memory_space<hbm>>
      tpu.wait_dma2 semaphore(%run_scoped3A_167 : memref<!tpu.dma_semaphore, #tpu.memory_space<semaphore_mem>>) src(%dma_wait3A_183 : memref<128xi32, #tpu.memory_space<hbm>>) dst(%dma_wait3A_182 : memref<128xi32, #tpu.memory_space<vmem>>)
      tpu.yield
    }) : () -> ()
    %add3A_23 = arith.constant 384 : i32
    %add3A_24 = arith.addi %mul3A_2, %add3A_23 : i32
    %run_scoped3A_25 = arith.constant 3 : i32
    "tpu.region"() ({
      %run_scoped3A_167 = tpu.sem_alloc : memref<!tpu.dma_semaphore, #tpu.memory_space<semaphore_mem>>
      %dma_start3A_168 = arith.constant 0 : i32
      %dma_start3A_169 = tpu.memref_slice %arg11[%run_scoped3A_25, %dma_start3A_168] : memref<4x128xi32, #tpu.memory_space<vmem>> -> memref<1x128xi32, #tpu.memory_space<vmem>>
      %dma_start3A_170 = tpu.memref_squeeze %dma_start3A_169 : memref<1x128xi32, #tpu.memory_space<vmem>> -> memref<128xi32, #tpu.memory_space<vmem>>
      %dma_start3A_171 = tpu.memref_slice %arg3[%add3A_24] : memref<16384xi32, #tpu.memory_space<hbm>> -> memref<128xi32, #tpu.memory_space<hbm>>
      %dma_start3A_172 = arith.constant 0 : i32
      %dma_start3A_173 = tpu.memref_slice %arg11[%run_scoped3A_25, %dma_start3A_172] : memref<4x128xi32, #tpu.memory_space<vmem>> -> memref<1x128xi32, #tpu.memory_space<vmem>>
      %dma_start3A_174 = tpu.memref_squeeze %dma_start3A_173 : memref<1x128xi32, #tpu.memory_space<vmem>> -> memref<128xi32, #tpu.memory_space<vmem>>
      %dma_start3A_175 = tpu.memref_slice %arg3[%add3A_24] : memref<16384xi32, #tpu.memory_space<hbm>> -> memref<128xi32, #tpu.memory_space<hbm>>
      tpu.enqueue_dma source(%dma_start3A_175 : memref<128xi32, #tpu.memory_space<hbm>>) target(%dma_start3A_174 : memref<128xi32, #tpu.memory_space<vmem>>) target_semaphore(%run_scoped3A_167 : memref<!tpu.dma_semaphore, #tpu.memory_space<semaphore_mem>>)
      %dma_wait3A_176 = arith.constant 0 : i32
      %dma_wait3A_177 = tpu.memref_slice %arg11[%run_scoped3A_25, %dma_wait3A_176] : memref<4x128xi32, #tpu.memory_space<vmem>> -> memref<1x128xi32, #tpu.memory_space<vmem>>
      %dma_wait3A_178 = tpu.memref_squeeze %dma_wait3A_177 : memref<1x128xi32, #tpu.memory_space<vmem>> -> memref<128xi32, #tpu.memory_space<vmem>>
      %dma_wait3A_179 = tpu.memref_slice %arg3[%add3A_24] : memref<16384xi32, #tpu.memory_space<hbm>> -> memref<128xi32, #tpu.memory_space<hbm>>
      %dma_wait3A_180 = arith.constant 0 : i32
      %dma_wait3A_181 = tpu.memref_slice %arg11[%run_scoped3A_25, %dma_wait3A_180] : memref<4x128xi32, #tpu.memory_space<vmem>> -> memref<1x128xi32, #tpu.memory_space<vmem>>
      %dma_wait3A_182 = tpu.memref_squeeze %dma_wait3A_181 : memref<1x128xi32, #tpu.memory_space<vmem>> -> memref<128xi32, #tpu.memory_space<vmem>>
      %dma_wait3A_183 = tpu.memref_slice %arg3[%add3A_24] : memref<16384xi32, #tpu.memory_space<hbm>> -> memref<128xi32, #tpu.memory_space<hbm>>
      tpu.wait_dma2 semaphore(%run_scoped3A_167 : memref<!tpu.dma_semaphore, #tpu.memory_space<semaphore_mem>>) src(%dma_wait3A_183 : memref<128xi32, #tpu.memory_space<hbm>>) dst(%dma_wait3A_182 : memref<128xi32, #tpu.memory_space<vmem>>)
      tpu.yield
    }) : () -> ()
    %dma_start3A = arith.constant 0 : i32
    %dma_start3A_26 = arith.constant 0 : i32
    %dma_start3A_27 = tpu.memref_slice %arg15[%dma_start3A_26] : memref<512xf32, #tpu.memory_space<vmem>> -> memref<128xf32, #tpu.memory_space<vmem>>
    %dma_start3A_28 = arith.constant 0 : i32
    %dma_start3A_29 = tpu.memref_slice %arg10[%dma_start3A, %dma_start3A_28] : memref<4x128xi32, #tpu.memory_space<vmem>> -> memref<1x128xi32, #tpu.memory_space<vmem>>
    %dma_start3A_30 = tpu.memref_squeeze %dma_start3A_29 : memref<1x128xi32, #tpu.memory_space<vmem>> -> memref<128xi32, #tpu.memory_space<vmem>>
    %dma_start3A_31 = arith.constant 0 : i32
    %dma_start3A_32 = tpu.memref_slice %arg6[%dma_start3A_31] : memref<1000000xf32, #tpu.memory_space<hbm>> -> memref<1000000xf32, #tpu.memory_space<hbm>>
    tpu.enqueue_indirect_dma source(%dma_start3A_32 : memref<1000000xf32, #tpu.memory_space<hbm>>) target(%dma_start3A_27 : memref<128xf32, #tpu.memory_space<vmem>>) offsets(%dma_start3A_30 : memref<128xi32, #tpu.memory_space<vmem>>) semaphore(%arg43 : memref<!tpu.dma_semaphore, #tpu.memory_space<semaphore_mem>>)
    %dma_start3A_33 = arith.constant 0 : i32
    %dma_start3A_34 = arith.constant 0 : i32
    %dma_start3A_35 = tpu.memref_slice %arg16[%dma_start3A_34] : memref<512xf32, #tpu.memory_space<vmem>> -> memref<128xf32, #tpu.memory_space<vmem>>
    %dma_start3A_36 = arith.constant 0 : i32
    %dma_start3A_37 = tpu.memref_slice %arg11[%dma_start3A_33, %dma_start3A_36] : memref<4x128xi32, #tpu.memory_space<vmem>> -> memref<1x128xi32, #tpu.memory_space<vmem>>
    %dma_start3A_38 = tpu.memref_squeeze %dma_start3A_37 : memref<1x128xi32, #tpu.memory_space<vmem>> -> memref<128xi32, #tpu.memory_space<vmem>>
    %dma_start3A_39 = arith.constant 0 : i32
    %dma_start3A_40 = tpu.memref_slice %arg7[%dma_start3A_39] : memref<1000000xf32, #tpu.memory_space<hbm>> -> memref<1000000xf32, #tpu.memory_space<hbm>>
    tpu.enqueue_indirect_dma source(%dma_start3A_40 : memref<1000000xf32, #tpu.memory_space<hbm>>) target(%dma_start3A_35 : memref<128xf32, #tpu.memory_space<vmem>>) offsets(%dma_start3A_38 : memref<128xi32, #tpu.memory_space<vmem>>) semaphore(%arg43 : memref<!tpu.dma_semaphore, #tpu.memory_space<semaphore_mem>>)
    %dma_start3A_41 = arith.constant 1 : i32
    %dma_start3A_42 = arith.constant 128 : i32
    %dma_start3A_43 = tpu.memref_slice %arg15[%dma_start3A_42] : memref<512xf32, #tpu.memory_space<vmem>> -> memref<128xf32, #tpu.memory_space<vmem>>
    %dma_start3A_44 = arith.constant 0 : i32
    %dma_start3A_45 = tpu.memref_slice %arg10[%dma_start3A_41, %dma_start3A_44] : memref<4x128xi32, #tpu.memory_space<vmem>> -> memref<1x128xi32, #tpu.memory_space<vmem>>
    %dma_start3A_46 = tpu.memref_squeeze %dma_start3A_45 : memref<1x128xi32, #tpu.memory_space<vmem>> -> memref<128xi32, #tpu.memory_space<vmem>>
    %dma_start3A_47 = arith.constant 0 : i32
    %dma_start3A_48 = tpu.memref_slice %arg6[%dma_start3A_47] : memref<1000000xf32, #tpu.memory_space<hbm>> -> memref<1000000xf32, #tpu.memory_space<hbm>>
    tpu.enqueue_indirect_dma source(%dma_start3A_48 : memref<1000000xf32, #tpu.memory_space<hbm>>) target(%dma_start3A_43 : memref<128xf32, #tpu.memory_space<vmem>>) offsets(%dma_start3A_46 : memref<128xi32, #tpu.memory_space<vmem>>) semaphore(%arg43 : memref<!tpu.dma_semaphore, #tpu.memory_space<semaphore_mem>>)
    %dma_start3A_49 = arith.constant 1 : i32
    %dma_start3A_50 = arith.constant 128 : i32
    %dma_start3A_51 = tpu.memref_slice %arg16[%dma_start3A_50] : memref<512xf32, #tpu.memory_space<vmem>> -> memref<128xf32, #tpu.memory_space<vmem>>
    %dma_start3A_52 = arith.constant 0 : i32
    %dma_start3A_53 = tpu.memref_slice %arg11[%dma_start3A_49, %dma_start3A_52] : memref<4x128xi32, #tpu.memory_space<vmem>> -> memref<1x128xi32, #tpu.memory_space<vmem>>
    %dma_start3A_54 = tpu.memref_squeeze %dma_start3A_53 : memref<1x128xi32, #tpu.memory_space<vmem>> -> memref<128xi32, #tpu.memory_space<vmem>>
    %dma_start3A_55 = arith.constant 0 : i32
    %dma_start3A_56 = tpu.memref_slice %arg7[%dma_start3A_55] : memref<1000000xf32, #tpu.memory_space<hbm>> -> memref<1000000xf32, #tpu.memory_space<hbm>>
    tpu.enqueue_indirect_dma source(%dma_start3A_56 : memref<1000000xf32, #tpu.memory_space<hbm>>) target(%dma_start3A_51 : memref<128xf32, #tpu.memory_space<vmem>>) offsets(%dma_start3A_54 : memref<128xi32, #tpu.memory_space<vmem>>) semaphore(%arg43 : memref<!tpu.dma_semaphore, #tpu.memory_space<semaphore_mem>>)
    %dma_start3A_57 = arith.constant 2 : i32
    %dma_start3A_58 = arith.constant 256 : i32
    %dma_start3A_59 = tpu.memref_slice %arg15[%dma_start3A_58] : memref<512xf32, #tpu.memory_space<vmem>> -> memref<128xf32, #tpu.memory_space<vmem>>
    %dma_start3A_60 = arith.constant 0 : i32
    %dma_start3A_61 = tpu.memref_slice %arg10[%dma_start3A_57, %dma_start3A_60] : memref<4x128xi32, #tpu.memory_space<vmem>> -> memref<1x128xi32, #tpu.memory_space<vmem>>
    %dma_start3A_62 = tpu.memref_squeeze %dma_start3A_61 : memref<1x128xi32, #tpu.memory_space<vmem>> -> memref<128xi32, #tpu.memory_space<vmem>>
    %dma_start3A_63 = arith.constant 0 : i32
    %dma_start3A_64 = tpu.memref_slice %arg6[%dma_start3A_63] : memref<1000000xf32, #tpu.memory_space<hbm>> -> memref<1000000xf32, #tpu.memory_space<hbm>>
    tpu.enqueue_indirect_dma source(%dma_start3A_64 : memref<1000000xf32, #tpu.memory_space<hbm>>) target(%dma_start3A_59 : memref<128xf32, #tpu.memory_space<vmem>>) offsets(%dma_start3A_62 : memref<128xi32, #tpu.memory_space<vmem>>) semaphore(%arg43 : memref<!tpu.dma_semaphore, #tpu.memory_space<semaphore_mem>>)
    %dma_start3A_65 = arith.constant 2 : i32
    %dma_start3A_66 = arith.constant 256 : i32
    %dma_start3A_67 = tpu.memref_slice %arg16[%dma_start3A_66] : memref<512xf32, #tpu.memory_space<vmem>> -> memref<128xf32, #tpu.memory_space<vmem>>
    %dma_start3A_68 = arith.constant 0 : i32
    %dma_start3A_69 = tpu.memref_slice %arg11[%dma_start3A_65, %dma_start3A_68] : memref<4x128xi32, #tpu.memory_space<vmem>> -> memref<1x128xi32, #tpu.memory_space<vmem>>
    %dma_start3A_70 = tpu.memref_squeeze %dma_start3A_69 : memref<1x128xi32, #tpu.memory_space<vmem>> -> memref<128xi32, #tpu.memory_space<vmem>>
    %dma_start3A_71 = arith.constant 0 : i32
    %dma_start3A_72 = tpu.memref_slice %arg7[%dma_start3A_71] : memref<1000000xf32, #tpu.memory_space<hbm>> -> memref<1000000xf32, #tpu.memory_space<hbm>>
    tpu.enqueue_indirect_dma source(%dma_start3A_72 : memref<1000000xf32, #tpu.memory_space<hbm>>) target(%dma_start3A_67 : memref<128xf32, #tpu.memory_space<vmem>>) offsets(%dma_start3A_70 : memref<128xi32, #tpu.memory_space<vmem>>) semaphore(%arg43 : memref<!tpu.dma_semaphore, #tpu.memory_space<semaphore_mem>>)
    %dma_start3A_73 = arith.constant 3 : i32
    %dma_start3A_74 = arith.constant 384 : i32
    %dma_start3A_75 = tpu.memref_slice %arg15[%dma_start3A_74] : memref<512xf32, #tpu.memory_space<vmem>> -> memref<128xf32, #tpu.memory_space<vmem>>
    %dma_start3A_76 = arith.constant 0 : i32
    %dma_start3A_77 = tpu.memref_slice %arg10[%dma_start3A_73, %dma_start3A_76] : memref<4x128xi32, #tpu.memory_space<vmem>> -> memref<1x128xi32, #tpu.memory_space<vmem>>
    %dma_start3A_78 = tpu.memref_squeeze %dma_start3A_77 : memref<1x128xi32, #tpu.memory_space<vmem>> -> memref<128xi32, #tpu.memory_space<vmem>>
    %dma_start3A_79 = arith.constant 0 : i32
    %dma_start3A_80 = tpu.memref_slice %arg6[%dma_start3A_79] : memref<1000000xf32, #tpu.memory_space<hbm>> -> memref<1000000xf32, #tpu.memory_space<hbm>>
    tpu.enqueue_indirect_dma source(%dma_start3A_80 : memref<1000000xf32, #tpu.memory_space<hbm>>) target(%dma_start3A_75 : memref<128xf32, #tpu.memory_space<vmem>>) offsets(%dma_start3A_78 : memref<128xi32, #tpu.memory_space<vmem>>) semaphore(%arg43 : memref<!tpu.dma_semaphore, #tpu.memory_space<semaphore_mem>>)
    %dma_start3A_81 = arith.constant 3 : i32
    %dma_start3A_82 = arith.constant 384 : i32
    %dma_start3A_83 = tpu.memref_slice %arg16[%dma_start3A_82] : memref<512xf32, #tpu.memory_space<vmem>> -> memref<128xf32, #tpu.memory_space<vmem>>
    %dma_start3A_84 = arith.constant 0 : i32
    %dma_start3A_85 = tpu.memref_slice %arg11[%dma_start3A_81, %dma_start3A_84] : memref<4x128xi32, #tpu.memory_space<vmem>> -> memref<1x128xi32, #tpu.memory_space<vmem>>
    %dma_start3A_86 = tpu.memref_squeeze %dma_start3A_85 : memref<1x128xi32, #tpu.memory_space<vmem>> -> memref<128xi32, #tpu.memory_space<vmem>>
    %dma_start3A_87 = arith.constant 0 : i32
    %dma_start3A_88 = tpu.memref_slice %arg7[%dma_start3A_87] : memref<1000000xf32, #tpu.memory_space<hbm>> -> memref<1000000xf32, #tpu.memory_space<hbm>>
    tpu.enqueue_indirect_dma source(%dma_start3A_88 : memref<1000000xf32, #tpu.memory_space<hbm>>) target(%dma_start3A_83 : memref<128xf32, #tpu.memory_space<vmem>>) offsets(%dma_start3A_86 : memref<128xi32, #tpu.memory_space<vmem>>) semaphore(%arg43 : memref<!tpu.dma_semaphore, #tpu.memory_space<semaphore_mem>>)
    %iota3A = tpu.iota {dimensions = array<i32: 0>} : vector<16xi32>
    %scan3A = arith.constant 0 : i32
    %scan3A_89 = arith.constant 0 : i32
    %scan3A_90 = arith.constant 32 : i32
    %scan3A_91 = arith.addi %scan3A_89, %scan3A_90 : i32
    %scan3A_92 = arith.constant 1 : i32
    scf.for %scan3A_167 = %scan3A_89 to %scan3A_91 step %scan3A_92  : i32 {
      %jit3A = arith.constant 8 : i32
      %div3A = arith.divsi %scan3A_167, %jit3A : i32
      %sign3A = arith.constant 0 : i32
      %sign3A_168 = arith.cmpi sgt, %scan3A_167, %sign3A : i32
      %sign3A_169 = arith.extui %sign3A_168 : i1 to i32
      %sign3A_170 = arith.constant 0 : i32
      %sign3A_171 = arith.cmpi slt, %scan3A_167, %sign3A_170 : i32
      %sign3A_172 = arith.extui %sign3A_171 : i1 to i32
      %sign3A_173 = arith.subi %sign3A_169, %sign3A_172 : i32
      %sign3A_174 = arith.constant 0 : i32
      %sign3A_175 = arith.cmpi sgt, %jit3A, %sign3A_174 : i32
      %sign3A_176 = arith.extui %sign3A_175 : i1 to i32
      %sign3A_177 = arith.constant 0 : i32
      %sign3A_178 = arith.cmpi slt, %jit3A, %sign3A_177 : i32
      %sign3A_179 = arith.extui %sign3A_178 : i1 to i32
      %sign3A_180 = arith.subi %sign3A_176, %sign3A_179 : i32
      %ne3A = arith.cmpi ne, %sign3A_173, %sign3A_180 : i32
      %rem3A = arith.remsi %scan3A_167, %jit3A : i32
      %ne3A_181 = arith.constant 0 : i32
      %ne3A_182 = arith.cmpi ne, %rem3A, %ne3A_181 : i32
      %and3A = arith.andi %ne3A, %ne3A_182 : i1
      %sub3A = arith.constant 1 : i32
      %sub3A_183 = arith.subi %div3A, %sub3A : i32
      %select_n3A = arith.select %and3A, %sub3A_183, %div3A : i32
      %jit3A_184 = arith.constant 8 : i32
      %eq3A = arith.constant 0 : i32
      %eq3A_185 = arith.cmpi eq, %jit3A_184, %eq3A : i32
      %jit3A_186 = arith.constant 1 : i32
      %select_n3A_187 = arith.select %eq3A_185, %jit3A_186, %jit3A_184 : i32
      %rem3A_188 = arith.remsi %scan3A_167, %select_n3A_187 : i32
      %ne3A_189 = arith.constant 0 : i32
      %ne3A_190 = arith.cmpi ne, %rem3A_188, %ne3A_189 : i32
      %lt3A = arith.constant 0 : i32
      %lt3A_191 = arith.cmpi slt, %rem3A_188, %lt3A : i32
      %lt3A_192 = arith.constant 0 : i32
      %lt3A_193 = arith.cmpi slt, %select_n3A_187, %lt3A_192 : i32
      %ne3A_194 = arith.xori %lt3A_191, %lt3A_193 : i1
      %and3A_195 = arith.andi %ne3A_194, %ne3A_190 : i1
      %add3A_196 = arith.addi %rem3A_188, %select_n3A_187 : i32
      %select_n3A_197 = arith.select %and3A_195, %add3A_196, %rem3A_188 : i32
      %mul3A_198 = arith.constant 16 : i32
      %mul3A_199 = arith.muli %select_n3A_197, %mul3A_198 : i32
      %get3A_200 = arith.index_cast %select_n3A : i32 to index
      %get3A_201 = arith.index_cast %mul3A_199 : i32 to index
      %get3A_202 = tpu.vector_load %arg10[%get3A_200, %get3A_201] {strides = array<i32>} : memref<4x128xi32, #tpu.memory_space<vmem>>, vector<16xi32>,
      %get3A_203 = arith.index_cast %select_n3A : i32 to index
      %get3A_204 = arith.index_cast %mul3A_199 : i32 to index
      %get3A_205 = tpu.vector_load %arg11[%get3A_203, %get3A_204] {strides = array<i32>} : memref<4x128xi32, #tpu.memory_space<vmem>>, vector<16xi32>,
      %slice3A_206 = vector.extract_strided_slice %get3A_202 {offsets = [0], sizes = [1], strides = [1]} : vector<16xi32> to vector<1xi32>
      %squeeze3A_207 = vector.extract %slice3A_206[0] : i32 from vector<1xi32>
      %slice3A_208 = vector.extract_strided_slice %get3A_205 {offsets = [0], sizes = [1], strides = [1]} : vector<16xi32> to vector<1xi32>
      %squeeze3A_209 = vector.extract %slice3A_208[0] : i32 from vector<1xi32>
      %and3A_210 = arith.constant -128 : i32
      %and3A_211 = arith.andi %squeeze3A_207, %and3A_210 : i32
      %multiple_of3A = tpu.assume_multiple %and3A_211, 128 : i32
      %and3A_212 = arith.constant -128 : i32
      %and3A_213 = arith.andi %squeeze3A_209, %and3A_212 : i32
      %multiple_of3A_214 = tpu.assume_multiple %and3A_213, 128 : i32
      %dma_start3A_215 = arith.constant 0 : i32
      %dma_start3A_216 = tpu.memref_slice %arg4[%dma_start3A_215, %multiple_of3A] : memref<32x1000000xf32, #tpu.memory_space<hbm>> -> memref<32x128xf32, #tpu.memory_space<hbm>>
      %dma_start3A_217 = arith.constant 0 : i32
      %dma_start3A_218 = tpu.memref_slice %arg4[%dma_start3A_217, %multiple_of3A] : memref<32x1000000xf32, #tpu.memory_space<hbm>> -> memref<32x128xf32, #tpu.memory_space<hbm>>
      tpu.enqueue_dma source(%dma_start3A_218 : memref<32x128xf32, #tpu.memory_space<hbm>>) target(%arg19 : memref<32x128xf32, #tpu.memory_space<vmem>>) target_semaphore(%arg31 : memref<!tpu.dma_semaphore, #tpu.memory_space<semaphore_mem>>)
      %dma_start3A_219 = arith.constant 0 : i32
      %dma_start3A_220 = tpu.memref_slice %arg5[%dma_start3A_219, %multiple_of3A_214] : memref<32x1000000xf32, #tpu.memory_space<hbm>> -> memref<32x128xf32, #tpu.memory_space<hbm>>
      %dma_start3A_221 = arith.constant 0 : i32
      %dma_start3A_222 = tpu.memref_slice %arg5[%dma_start3A_221, %multiple_of3A_214] : memref<32x1000000xf32, #tpu.memory_space<hbm>> -> memref<32x128xf32, #tpu.memory_space<hbm>>
      tpu.enqueue_dma source(%dma_start3A_222 : memref<32x128xf32, #tpu.memory_space<hbm>>) target(%arg25 : memref<32x128xf32, #tpu.memory_space<vmem>>) target_semaphore(%arg37 : memref<!tpu.dma_semaphore, #tpu.memory_space<semaphore_mem>>)
      %mul3A_223 = arith.constant 16 : i32
      %mul3A_224 = arith.muli %scan3A_167, %mul3A_223 : i32
      %add3A_225 = arith.constant 0 : i32
      %add3A_226 = arith.addi %mul3A_224, %add3A_225 : i32
      %and3A_227 = arith.constant 127 : i32
      %and3A_228 = arith.andi %squeeze3A_207, %and3A_227 : i32
      %and3A_229 = arith.constant 127 : i32
      %and3A_230 = arith.andi %squeeze3A_209, %and3A_229 : i32
      %slice3A_231 = vector.extract_strided_slice %get3A_202 {offsets = [1], sizes = [1], strides = [1]} : vector<16xi32> to vector<1xi32>
      %squeeze3A_232 = vector.extract %slice3A_231[0] : i32 from vector<1xi32>
      %slice3A_233 = vector.extract_strided_slice %get3A_205 {offsets = [1], sizes = [1], strides = [1]} : vector<16xi32> to vector<1xi32>
      %squeeze3A_234 = vector.extract %slice3A_233[0] : i32 from vector<1xi32>
      %and3A_235 = arith.constant -128 : i32
      %and3A_236 = arith.andi %squeeze3A_232, %and3A_235 : i32
      %multiple_of3A_237 = tpu.assume_multiple %and3A_236, 128 : i32
      %and3A_238 = arith.constant -128 : i32
      %and3A_239 = arith.andi %squeeze3A_234, %and3A_238 : i32
      %multiple_of3A_240 = tpu.assume_multiple %and3A_239, 128 : i32
      %dma_start3A_241 = arith.constant 0 : i32
      %dma_start3A_242 = tpu.memref_slice %arg4[%dma_start3A_241, %multiple_of3A_237] : memref<32x1000000xf32, #tpu.memory_space<hbm>> -> memref<32x128xf32, #tpu.memory_space<hbm>>
      %dma_start3A_243 = arith.constant 0 : i32
      %dma_start3A_244 = tpu.memref_slice %arg4[%dma_start3A_243, %multiple_of3A_237] : memref<32x1000000xf32, #tpu.memory_space<hbm>> -> memref<32x128xf32, #tpu.memory_space<hbm>>
      tpu.enqueue_dma source(%dma_start3A_244 : memref<32x128xf32, #tpu.memory_space<hbm>>) target(%arg20 : memref<32x128xf32, #tpu.memory_space<vmem>>) target_semaphore(%arg32 : memref<!tpu.dma_semaphore, #tpu.memory_space<semaphore_mem>>)
      %dma_start3A_245 = arith.constant 0 : i32
      %dma_start3A_246 = tpu.memref_slice %arg5[%dma_start3A_245, %multiple_of3A_240] : memref<32x1000000xf32, #tpu.memory_space<hbm>> -> memref<32x128xf32, #tpu.memory_space<hbm>>
      %dma_start3A_247 = arith.constant 0 : i32
      %dma_start3A_248 = tpu.memref_slice %arg5[%dma_start3A_247, %multiple_of3A_240] : memref<32x1000000xf32, #tpu.memory_space<hbm>> -> memref<32x128xf32, #tpu.memory_space<hbm>>
      tpu.enqueue_dma source(%dma_start3A_248 : memref<32x128xf32, #tpu.memory_space<hbm>>) target(%arg26 : memref<32x128xf32, #tpu.memory_space<vmem>>) target_semaphore(%arg38 : memref<!tpu.dma_semaphore, #tpu.memory_space<semaphore_mem>>)
      %mul3A_249 = arith.constant 16 : i32
      %mul3A_250 = arith.muli %scan3A_167, %mul3A_249 : i32
      %add3A_251 = arith.constant 1 : i32
      %add3A_252 = arith.addi %mul3A_250, %add3A_251 : i32
      %and3A_253 = arith.constant 127 : i32
      %and3A_254 = arith.andi %squeeze3A_232, %and3A_253 : i32
      %and3A_255 = arith.constant 127 : i32
      %and3A_256 = arith.andi %squeeze3A_234, %and3A_255 : i32
      %slice3A_257 = vector.extract_strided_slice %get3A_202 {offsets = [2], sizes = [1], strides = [1]} : vector<16xi32> to vector<1xi32>
      %squeeze3A_258 = vector.extract %slice3A_257[0] : i32 from vector<1xi32>
      %slice3A_259 = vector.extract_strided_slice %get3A_205 {offsets = [2], sizes = [1], strides = [1]} : vector<16xi32> to vector<1xi32>
      %squeeze3A_260 = vector.extract %slice3A_259[0] : i32 from vector<1xi32>
      %and3A_261 = arith.constant -128 : i32
      %and3A_262 = arith.andi %squeeze3A_258, %and3A_261 : i32
      %multiple_of3A_263 = tpu.assume_multiple %and3A_262, 128 : i32
      %and3A_264 = arith.constant -128 : i32
      %and3A_265 = arith.andi %squeeze3A_260, %and3A_264 : i32
      %multiple_of3A_266 = tpu.assume_multiple %and3A_265, 128 : i32
      %dma_start3A_267 = arith.constant 0 : i32
      %dma_start3A_268 = tpu.memref_slice %arg4[%dma_start3A_267, %multiple_of3A_263] : memref<32x1000000xf32, #tpu.memory_space<hbm>> -> memref<32x128xf32, #tpu.memory_space<hbm>>
      %dma_start3A_269 = arith.constant 0 : i32
      %dma_start3A_270 = tpu.memref_slice %arg4[%dma_start3A_269, %multiple_of3A_263] : memref<32x1000000xf32, #tpu.memory_space<hbm>> -> memref<32x128xf32, #tpu.memory_space<hbm>>
      tpu.enqueue_dma source(%dma_start3A_270 : memref<32x128xf32, #tpu.memory_space<hbm>>) target(%arg21 : memref<32x128xf32, #tpu.memory_space<vmem>>) target_semaphore(%arg33 : memref<!tpu.dma_semaphore, #tpu.memory_space<semaphore_mem>>)
      %dma_start3A_271 = arith.constant 0 : i32
      %dma_start3A_272 = tpu.memref_slice %arg5[%dma_start3A_271, %multiple_of3A_266] : memref<32x1000000xf32, #tpu.memory_space<hbm>> -> memref<32x128xf32, #tpu.memory_space<hbm>>
      %dma_start3A_273 = arith.constant 0 : i32
      %dma_start3A_274 = tpu.memref_slice %arg5[%dma_start3A_273, %multiple_of3A_266] : memref<32x1000000xf32, #tpu.memory_space<hbm>> -> memref<32x128xf32, #tpu.memory_space<hbm>>
      tpu.enqueue_dma source(%dma_start3A_274 : memref<32x128xf32, #tpu.memory_space<hbm>>) target(%arg27 : memref<32x128xf32, #tpu.memory_space<vmem>>) target_semaphore(%arg39 : memref<!tpu.dma_semaphore, #tpu.memory_space<semaphore_mem>>)
      %mul3A_275 = arith.constant 16 : i32
      %mul3A_276 = arith.muli %scan3A_167, %mul3A_275 : i32
      %add3A_277 = arith.constant 2 : i32
      %add3A_278 = arith.addi %mul3A_276, %add3A_277 : i32
      %and3A_279 = arith.constant 127 : i32
      %and3A_280 = arith.andi %squeeze3A_258, %and3A_279 : i32
      %and3A_281 = arith.constant 127 : i32
      %and3A_282 = arith.andi %squeeze3A_260, %and3A_281 : i32
      %slice3A_283 = vector.extract_strided_slice %get3A_202 {offsets = [3], sizes = [1], strides = [1]} : vector<16xi32> to vector<1xi32>
      %squeeze3A_284 = vector.extract %slice3A_283[0] : i32 from vector<1xi32>
      %slice3A_285 = vector.extract_strided_slice %get3A_205 {offsets = [3], sizes = [1], strides = [1]} : vector<16xi32> to vector<1xi32>
      %squeeze3A_286 = vector.extract %slice3A_285[0] : i32 from vector<1xi32>
      %and3A_287 = arith.constant -128 : i32
      %and3A_288 = arith.andi %squeeze3A_284, %and3A_287 : i32
      %multiple_of3A_289 = tpu.assume_multiple %and3A_288, 128 : i32
      %and3A_290 = arith.constant -128 : i32
      %and3A_291 = arith.andi %squeeze3A_286, %and3A_290 : i32
      %multiple_of3A_292 = tpu.assume_multiple %and3A_291, 128 : i32
      %dma_start3A_293 = arith.constant 0 : i32
      %dma_start3A_294 = tpu.memref_slice %arg4[%dma_start3A_293, %multiple_of3A_289] : memref<32x1000000xf32, #tpu.memory_space<hbm>> -> memref<32x128xf32, #tpu.memory_space<hbm>>
      %dma_start3A_295 = arith.constant 0 : i32
      %dma_start3A_296 = tpu.memref_slice %arg4[%dma_start3A_295, %multiple_of3A_289] : memref<32x1000000xf32, #tpu.memory_space<hbm>> -> memref<32x128xf32, #tpu.memory_space<hbm>>
      tpu.enqueue_dma source(%dma_start3A_296 : memref<32x128xf32, #tpu.memory_space<hbm>>) target(%arg22 : memref<32x128xf32, #tpu.memory_space<vmem>>) target_semaphore(%arg34 : memref<!tpu.dma_semaphore, #tpu.memory_space<semaphore_mem>>)
      %dma_start3A_297 = arith.constant 0 : i32
      %dma_start3A_298 = tpu.memref_slice %arg5[%dma_start3A_297, %multiple_of3A_292] : memref<32x1000000xf32, #tpu.memory_space<hbm>> -> memref<32x128xf32, #tpu.memory_space<hbm>>
      %dma_start3A_299 = arith.constant 0 : i32
      %dma_start3A_300 = tpu.memref_slice %arg5[%dma_start3A_299, %multiple_of3A_292] : memref<32x1000000xf32, #tpu.memory_space<hbm>> -> memref<32x128xf32, #tpu.memory_space<hbm>>
      tpu.enqueue_dma source(%dma_start3A_300 : memref<32x128xf32, #tpu.memory_space<hbm>>) target(%arg28 : memref<32x128xf32, #tpu.memory_space<vmem>>) target_semaphore(%arg40 : memref<!tpu.dma_semaphore, #tpu.memory_space<semaphore_mem>>)
      %mul3A_301 = arith.constant 16 : i32
      %mul3A_302 = arith.muli %scan3A_167, %mul3A_301 : i32
      %add3A_303 = arith.constant 3 : i32
      %add3A_304 = arith.addi %mul3A_302, %add3A_303 : i32
      %and3A_305 = arith.constant 127 : i32
      %and3A_306 = arith.andi %squeeze3A_284, %and3A_305 : i32
      %and3A_307 = arith.constant 127 : i32
      %and3A_308 = arith.andi %squeeze3A_286, %and3A_307 : i32
      %slice3A_309 = vector.extract_strided_slice %get3A_202 {offsets = [4], sizes = [1], strides = [1]} : vector<16xi32> to vector<1xi32>
      %squeeze3A_310 = vector.extract %slice3A_309[0] : i32 from vector<1xi32>
      %slice3A_311 = vector.extract_strided_slice %get3A_205 {offsets = [4], sizes = [1], strides = [1]} : vector<16xi32> to vector<1xi32>
      %squeeze3A_312 = vector.extract %slice3A_311[0] : i32 from vector<1xi32>
      %and3A_313 = arith.constant -128 : i32
      %and3A_314 = arith.andi %squeeze3A_310, %and3A_313 : i32
      %multiple_of3A_315 = tpu.assume_multiple %and3A_314, 128 : i32
      %and3A_316 = arith.constant -128 : i32
      %and3A_317 = arith.andi %squeeze3A_312, %and3A_316 : i32
      %multiple_of3A_318 = tpu.assume_multiple %and3A_317, 128 : i32
      %dma_start3A_319 = arith.constant 0 : i32
      %dma_start3A_320 = tpu.memref_slice %arg4[%dma_start3A_319, %multiple_of3A_315] : memref<32x1000000xf32, #tpu.memory_space<hbm>> -> memref<32x128xf32, #tpu.memory_space<hbm>>
      %dma_start3A_321 = arith.constant 0 : i32
      %dma_start3A_322 = tpu.memref_slice %arg4[%dma_start3A_321, %multiple_of3A_315] : memref<32x1000000xf32, #tpu.memory_space<hbm>> -> memref<32x128xf32, #tpu.memory_space<hbm>>
      tpu.enqueue_dma source(%dma_start3A_322 : memref<32x128xf32, #tpu.memory_space<hbm>>) target(%arg23 : memref<32x128xf32, #tpu.memory_space<vmem>>) target_semaphore(%arg35 : memref<!tpu.dma_semaphore, #tpu.memory_space<semaphore_mem>>)
      %dma_start3A_323 = arith.constant 0 : i32
      %dma_start3A_324 = tpu.memref_slice %arg5[%dma_start3A_323, %multiple_of3A_318] : memref<32x1000000xf32, #tpu.memory_space<hbm>> -> memref<32x128xf32, #tpu.memory_space<hbm>>
      %dma_start3A_325 = arith.constant 0 : i32
      %dma_start3A_326 = tpu.memref_slice %arg5[%dma_start3A_325, %multiple_of3A_318] : memref<32x1000000xf32, #tpu.memory_space<hbm>> -> memref<32x128xf32, #tpu.memory_space<hbm>>
      tpu.enqueue_dma source(%dma_start3A_326 : memref<32x128xf32, #tpu.memory_space<hbm>>) target(%arg29 : memref<32x128xf32, #tpu.memory_space<vmem>>) target_semaphore(%arg41 : memref<!tpu.dma_semaphore, #tpu.memory_space<semaphore_mem>>)
      %mul3A_327 = arith.constant 16 : i32
      %mul3A_328 = arith.muli %scan3A_167, %mul3A_327 : i32
      %add3A_329 = arith.constant 4 : i32
      %add3A_330 = arith.addi %mul3A_328, %add3A_329 : i32
      %and3A_331 = arith.constant 127 : i32
      %and3A_332 = arith.andi %squeeze3A_310, %and3A_331 : i32
      %and3A_333 = arith.constant 127 : i32
      %and3A_334 = arith.andi %squeeze3A_312, %and3A_333 : i32
      %slice3A_335 = vector.extract_strided_slice %get3A_202 {offsets = [5], sizes = [1], strides = [1]} : vector<16xi32> to vector<1xi32>
      %squeeze3A_336 = vector.extract %slice3A_335[0] : i32 from vector<1xi32>
      %slice3A_337 = vector.extract_strided_slice %get3A_205 {offsets = [5], sizes = [1], strides = [1]} : vector<16xi32> to vector<1xi32>
      %squeeze3A_338 = vector.extract %slice3A_337[0] : i32 from vector<1xi32>
      %and3A_339 = arith.constant -128 : i32
      %and3A_340 = arith.andi %squeeze3A_336, %and3A_339 : i32
      %multiple_of3A_341 = tpu.assume_multiple %and3A_340, 128 : i32
      %and3A_342 = arith.constant -128 : i32
      %and3A_343 = arith.andi %squeeze3A_338, %and3A_342 : i32
      %multiple_of3A_344 = tpu.assume_multiple %and3A_343, 128 : i32
      %dma_start3A_345 = arith.constant 0 : i32
      %dma_start3A_346 = tpu.memref_slice %arg4[%dma_start3A_345, %multiple_of3A_341] : memref<32x1000000xf32, #tpu.memory_space<hbm>> -> memref<32x128xf32, #tpu.memory_space<hbm>>
      %dma_start3A_347 = arith.constant 0 : i32
      %dma_start3A_348 = tpu.memref_slice %arg4[%dma_start3A_347, %multiple_of3A_341] : memref<32x1000000xf32, #tpu.memory_space<hbm>> -> memref<32x128xf32, #tpu.memory_space<hbm>>
      tpu.enqueue_dma source(%dma_start3A_348 : memref<32x128xf32, #tpu.memory_space<hbm>>) target(%arg24 : memref<32x128xf32, #tpu.memory_space<vmem>>) target_semaphore(%arg36 : memref<!tpu.dma_semaphore, #tpu.memory_space<semaphore_mem>>)
      %dma_start3A_349 = arith.constant 0 : i32
      %dma_start3A_350 = tpu.memref_slice %arg5[%dma_start3A_349, %multiple_of3A_344] : memref<32x1000000xf32, #tpu.memory_space<hbm>> -> memref<32x128xf32, #tpu.memory_space<hbm>>
      %dma_start3A_351 = arith.constant 0 : i32
      %dma_start3A_352 = tpu.memref_slice %arg5[%dma_start3A_351, %multiple_of3A_344] : memref<32x1000000xf32, #tpu.memory_space<hbm>> -> memref<32x128xf32, #tpu.memory_space<hbm>>
      tpu.enqueue_dma source(%dma_start3A_352 : memref<32x128xf32, #tpu.memory_space<hbm>>) target(%arg30 : memref<32x128xf32, #tpu.memory_space<vmem>>) target_semaphore(%arg42 : memref<!tpu.dma_semaphore, #tpu.memory_space<semaphore_mem>>)
      %mul3A_353 = arith.constant 16 : i32
      %mul3A_354 = arith.muli %scan3A_167, %mul3A_353 : i32
      %add3A_355 = arith.constant 5 : i32
      %add3A_356 = arith.addi %mul3A_354, %add3A_355 : i32
      %and3A_357 = arith.constant 127 : i32
      %and3A_358 = arith.andi %squeeze3A_336, %and3A_357 : i32
      %and3A_359 = arith.constant 127 : i32
      %and3A_360 = arith.andi %squeeze3A_338, %and3A_359 : i32
      %slice3A_361 = vector.extract_strided_slice %get3A_202 {offsets = [6], sizes = [1], strides = [1]} : vector<16xi32> to vector<1xi32>
      %squeeze3A_362 = vector.extract %slice3A_361[0] : i32 from vector<1xi32>
      %slice3A_363 = vector.extract_strided_slice %get3A_205 {offsets = [6], sizes = [1], strides = [1]} : vector<16xi32> to vector<1xi32>
      %squeeze3A_364 = vector.extract %slice3A_363[0] : i32 from vector<1xi32>
      %dma_wait3A_365 = arith.constant 0 : i32
      %dma_wait3A_366 = arith.constant 0 : i32
      %dma_wait3A_367 = tpu.memref_slice %arg4[%dma_wait3A_365, %dma_wait3A_366] : memref<32x1000000xf32, #tpu.memory_space<hbm>> -> memref<32x128xf32, #tpu.memory_space<hbm>>
      %dma_wait3A_368 = arith.constant 0 : i32
      %dma_wait3A_369 = arith.constant 0 : i32
      %dma_wait3A_370 = tpu.memref_slice %arg4[%dma_wait3A_368, %dma_wait3A_369] : memref<32x1000000xf32, #tpu.memory_space<hbm>> -> memref<32x128xf32, #tpu.memory_space<hbm>>
      tpu.wait_dma2 semaphore(%arg31 : memref<!tpu.dma_semaphore, #tpu.memory_space<semaphore_mem>>) src(%dma_wait3A_370 : memref<32x128xf32, #tpu.memory_space<hbm>>) dst(%arg19 : memref<32x128xf32, #tpu.memory_space<vmem>>)
      %broadcast_in_dim3A = arith.constant 0 : i32
      %broadcast_in_dim3A_371 = vector.broadcast %broadcast_in_dim3A : i32 to vector<16xi32>
      %add3A_372 = vector.broadcast %and3A_228 : i32 to vector<16xi32>
      %add3A_373 = arith.addi %broadcast_in_dim3A_371, %add3A_372 : vector<16xi32>
      %add3A_374 = arith.constant 0 : i32
      %add3A_375 = vector.broadcast %add3A_374 : i32 to vector<16xi32>
      %add3A_376 = arith.addi %iota3A, %add3A_375 : vector<16xi32>
      %gather3A = tpu.vector_load_idx %arg19[%add3A_376, %add3A_373] : memref<32x128xf32, #tpu.memory_space<vmem>>[vector<16xi32>, vector<16xi32>], vector<16xf32>,
      %mul3A_377 = arith.constant 32 : i32
      %mul3A_378 = arith.muli %add3A_226, %mul3A_377 : i32
      %add3A_379 = arith.constant 0 : i32
      %add3A_380 = arith.addi %mul3A_378, %add3A_379 : i32
      %swap3A = arith.index_cast %add3A_380 : i32 to index
      %swap3A_381 = tpu.vector_load %arg12[%swap3A] {strides = array<i32>} : memref<16384xf32, #tpu.memory_space<vmem>>, vector<16xf32>,
      tpu.vector_store %arg12[%swap3A], %gather3A {strides = array<i32>} : memref<16384xf32, #tpu.memory_space<vmem>>, vector<16xf32>,
      %add3A_382 = arith.constant 16 : i32
      %add3A_383 = vector.broadcast %add3A_382 : i32 to vector<16xi32>
      %add3A_384 = arith.addi %iota3A, %add3A_383 : vector<16xi32>
      %gather3A_385 = tpu.vector_load_idx %arg19[%add3A_384, %add3A_373] : memref<32x128xf32, #tpu.memory_space<vmem>>[vector<16xi32>, vector<16xi32>], vector<16xf32>,
      %mul3A_386 = arith.constant 32 : i32
      %mul3A_387 = arith.muli %add3A_226, %mul3A_386 : i32
      %add3A_388 = arith.constant 16 : i32
      %add3A_389 = arith.addi %mul3A_387, %add3A_388 : i32
      %swap3A_390 = arith.index_cast %add3A_389 : i32 to index
      %swap3A_391 = tpu.vector_load %arg12[%swap3A_390] {strides = array<i32>} : memref<16384xf32, #tpu.memory_space<vmem>>, vector<16xf32>,
      tpu.vector_store %arg12[%swap3A_390], %gather3A_385 {strides = array<i32>} : memref<16384xf32, #tpu.memory_space<vmem>>, vector<16xf32>,
      %dma_wait3A_392 = arith.constant 0 : i32
      %dma_wait3A_393 = arith.constant 0 : i32
      %dma_wait3A_394 = tpu.memref_slice %arg5[%dma_wait3A_392, %dma_wait3A_393] : memref<32x1000000xf32, #tpu.memory_space<hbm>> -> memref<32x128xf32, #tpu.memory_space<hbm>>
      %dma_wait3A_395 = arith.constant 0 : i32
      %dma_wait3A_396 = arith.constant 0 : i32
      %dma_wait3A_397 = tpu.memref_slice %arg5[%dma_wait3A_395, %dma_wait3A_396] : memref<32x1000000xf32, #tpu.memory_space<hbm>> -> memref<32x128xf32, #tpu.memory_space<hbm>>
      tpu.wait_dma2 semaphore(%arg37 : memref<!tpu.dma_semaphore, #tpu.memory_space<semaphore_mem>>) src(%dma_wait3A_397 : memref<32x128xf32, #tpu.memory_space<hbm>>) dst(%arg25 : memref<32x128xf32, #tpu.memory_space<vmem>>)
      %broadcast_in_dim3A_398 = arith.constant 0 : i32
      %broadcast_in_dim3A_399 = vector.broadcast %broadcast_in_dim3A_398 : i32 to vector<16xi32>
      %add3A_400 = vector.broadcast %and3A_230 : i32 to vector<16xi32>
      %add3A_401 = arith.addi %broadcast_in_dim3A_399, %add3A_400 : vector<16xi32>
      %add3A_402 = arith.constant 0 : i32
      %add3A_403 = vector.broadcast %add3A_402 : i32 to vector<16xi32>
      %add3A_404 = arith.addi %iota3A, %add3A_403 : vector<16xi32>
      %gather3A_405 = tpu.vector_load_idx %arg25[%add3A_404, %add3A_401] : memref<32x128xf32, #tpu.memory_space<vmem>>[vector<16xi32>, vector<16xi32>], vector<16xf32>,
      %mul3A_406 = arith.constant 32 : i32
      %mul3A_407 = arith.muli %add3A_226, %mul3A_406 : i32
      %add3A_408 = arith.constant 0 : i32
      %add3A_409 = arith.addi %mul3A_407, %add3A_408 : i32
      %swap3A_410 = arith.index_cast %add3A_409 : i32 to index
      %swap3A_411 = tpu.vector_load %arg13[%swap3A_410] {strides = array<i32>} : memref<16384xf32, #tpu.memory_space<vmem>>, vector<16xf32>,
      tpu.vector_store %arg13[%swap3A_410], %gather3A_405 {strides = array<i32>} : memref<16384xf32, #tpu.memory_space<vmem>>, vector<16xf32>,
      %add3A_412 = arith.constant 16 : i32
      %add3A_413 = vector.broadcast %add3A_412 : i32 to vector<16xi32>
      %add3A_414 = arith.addi %iota3A, %add3A_413 : vector<16xi32>
      %gather3A_415 = tpu.vector_load_idx %arg25[%add3A_414, %add3A_401] : memref<32x128xf32, #tpu.memory_space<vmem>>[vector<16xi32>, vector<16xi32>], vector<16xf32>,
      %mul3A_416 = arith.constant 32 : i32
      %mul3A_417 = arith.muli %add3A_226, %mul3A_416 : i32
      %add3A_418 = arith.constant 16 : i32
      %add3A_419 = arith.addi %mul3A_417, %add3A_418 : i32
      %swap3A_420 = arith.index_cast %add3A_419 : i32 to index
      %swap3A_421 = tpu.vector_load %arg13[%swap3A_420] {strides = array<i32>} : memref<16384xf32, #tpu.memory_space<vmem>>, vector<16xf32>,
      tpu.vector_store %arg13[%swap3A_420], %gather3A_415 {strides = array<i32>} : memref<16384xf32, #tpu.memory_space<vmem>>, vector<16xf32>,
      %and3A_422 = arith.constant -128 : i32
      %and3A_423 = arith.andi %squeeze3A_362, %and3A_422 : i32
      %multiple_of3A_424 = tpu.assume_multiple %and3A_423, 128 : i32
      %and3A_425 = arith.constant -128 : i32
      %and3A_426 = arith.andi %squeeze3A_364, %and3A_425 : i32
      %multiple_of3A_427 = tpu.assume_multiple %and3A_426, 128 : i32
      %dma_start3A_428 = arith.constant 0 : i32
      %dma_start3A_429 = tpu.memref_slice %arg4[%dma_start3A_428, %multiple_of3A_424] : memref<32x1000000xf32, #tpu.memory_space<hbm>> -> memref<32x128xf32, #tpu.memory_space<hbm>>
      %dma_start3A_430 = arith.constant 0 : i32
      %dma_start3A_431 = tpu.memref_slice %arg4[%dma_start3A_430, %multiple_of3A_424] : memref<32x1000000xf32, #tpu.memory_space<hbm>> -> memref<32x128xf32, #tpu.memory_space<hbm>>
      tpu.enqueue_dma source(%dma_start3A_431 : memref<32x128xf32, #tpu.memory_space<hbm>>) target(%arg19 : memref<32x128xf32, #tpu.memory_space<vmem>>) target_semaphore(%arg31 : memref<!tpu.dma_semaphore, #tpu.memory_space<semaphore_mem>>)
      %dma_start3A_432 = arith.constant 0 : i32
      %dma_start3A_433 = tpu.memref_slice %arg5[%dma_start3A_432, %multiple_of3A_427] : memref<32x1000000xf32, #tpu.memory_space<hbm>> -> memref<32x128xf32, #tpu.memory_space<hbm>>
      %dma_start3A_434 = arith.constant 0 : i32
      %dma_start3A_435 = tpu.memref_slice %arg5[%dma_start3A_434, %multiple_of3A_427] : memref<32x1000000xf32, #tpu.memory_space<hbm>> -> memref<32x128xf32, #tpu.memory_space<hbm>>
      tpu.enqueue_dma source(%dma_start3A_435 : memref<32x128xf32, #tpu.memory_space<hbm>>) target(%arg25 : memref<32x128xf32, #tpu.memory_space<vmem>>) target_semaphore(%arg37 : memref<!tpu.dma_semaphore, #tpu.memory_space<semaphore_mem>>)
      %mul3A_436 = arith.constant 16 : i32
      %mul3A_437 = arith.muli %scan3A_167, %mul3A_436 : i32
      %add3A_438 = arith.constant 6 : i32
      %add3A_439 = arith.addi %mul3A_437, %add3A_438 : i32
      %and3A_440 = arith.constant 127 : i32
      %and3A_441 = arith.andi %squeeze3A_362, %and3A_440 : i32
      %and3A_442 = arith.constant 127 : i32
      %and3A_443 = arith.andi %squeeze3A_364, %and3A_442 : i32
      %slice3A_444 = vector.extract_strided_slice %get3A_202 {offsets = [7], sizes = [1], strides = [1]} : vector<16xi32> to vector<1xi32>
      %squeeze3A_445 = vector.extract %slice3A_444[0] : i32 from vector<1xi32>
      %slice3A_446 = vector.extract_strided_slice %get3A_205 {offsets = [7], sizes = [1], strides = [1]} : vector<16xi32> to vector<1xi32>
      %squeeze3A_447 = vector.extract %slice3A_446[0] : i32 from vector<1xi32>
      %dma_wait3A_448 = arith.constant 0 : i32
      %dma_wait3A_449 = arith.constant 0 : i32
      %dma_wait3A_450 = tpu.memref_slice %arg4[%dma_wait3A_448, %dma_wait3A_449] : memref<32x1000000xf32, #tpu.memory_space<hbm>> -> memref<32x128xf32, #tpu.memory_space<hbm>>
      %dma_wait3A_451 = arith.constant 0 : i32
      %dma_wait3A_452 = arith.constant 0 : i32
      %dma_wait3A_453 = tpu.memref_slice %arg4[%dma_wait3A_451, %dma_wait3A_452] : memref<32x1000000xf32, #tpu.memory_space<hbm>> -> memref<32x128xf32, #tpu.memory_space<hbm>>
      tpu.wait_dma2 semaphore(%arg32 : memref<!tpu.dma_semaphore, #tpu.memory_space<semaphore_mem>>) src(%dma_wait3A_453 : memref<32x128xf32, #tpu.memory_space<hbm>>) dst(%arg20 : memref<32x128xf32, #tpu.memory_space<vmem>>)
      %broadcast_in_dim3A_454 = arith.constant 0 : i32
      %broadcast_in_dim3A_455 = vector.broadcast %broadcast_in_dim3A_454 : i32 to vector<16xi32>
      %add3A_456 = vector.broadcast %and3A_254 : i32 to vector<16xi32>
      %add3A_457 = arith.addi %broadcast_in_dim3A_455, %add3A_456 : vector<16xi32>
      %add3A_458 = arith.constant 0 : i32
      %add3A_459 = vector.broadcast %add3A_458 : i32 to vector<16xi32>
      %add3A_460 = arith.addi %iota3A, %add3A_459 : vector<16xi32>
      %gather3A_461 = tpu.vector_load_idx %arg20[%add3A_460, %add3A_457] : memref<32x128xf32, #tpu.memory_space<vmem>>[vector<16xi32>, vector<16xi32>], vector<16xf32>,
      %mul3A_462 = arith.constant 32 : i32
      %mul3A_463 = arith.muli %add3A_252, %mul3A_462 : i32
      %add3A_464 = arith.constant 0 : i32
      %add3A_465 = arith.addi %mul3A_463, %add3A_464 : i32
      %swap3A_466 = arith.index_cast %add3A_465 : i32 to index
      %swap3A_467 = tpu.vector_load %arg12[%swap3A_466] {strides = array<i32>} : memref<16384xf32, #tpu.memory_space<vmem>>, vector<16xf32>,
      tpu.vector_store %arg12[%swap3A_466], %gather3A_461 {strides = array<i32>} : memref<16384xf32, #tpu.memory_space<vmem>>, vector<16xf32>,
      %add3A_468 = arith.constant 16 : i32
      %add3A_469 = vector.broadcast %add3A_468 : i32 to vector<16xi32>
      %add3A_470 = arith.addi %iota3A, %add3A_469 : vector<16xi32>
      %gather3A_471 = tpu.vector_load_idx %arg20[%add3A_470, %add3A_457] : memref<32x128xf32, #tpu.memory_space<vmem>>[vector<16xi32>, vector<16xi32>], vector<16xf32>,
      %mul3A_472 = arith.constant 32 : i32
      %mul3A_473 = arith.muli %add3A_252, %mul3A_472 : i32
      %add3A_474 = arith.constant 16 : i32
      %add3A_475 = arith.addi %mul3A_473, %add3A_474 : i32
      %swap3A_476 = arith.index_cast %add3A_475 : i32 to index
      %swap3A_477 = tpu.vector_load %arg12[%swap3A_476] {strides = array<i32>} : memref<16384xf32, #tpu.memory_space<vmem>>, vector<16xf32>,
      tpu.vector_store %arg12[%swap3A_476], %gather3A_471 {strides = array<i32>} : memref<16384xf32, #tpu.memory_space<vmem>>, vector<16xf32>,
      %dma_wait3A_478 = arith.constant 0 : i32
      %dma_wait3A_479 = arith.constant 0 : i32
      %dma_wait3A_480 = tpu.memref_slice %arg5[%dma_wait3A_478, %dma_wait3A_479] : memref<32x1000000xf32, #tpu.memory_space<hbm>> -> memref<32x128xf32, #tpu.memory_space<hbm>>
      %dma_wait3A_481 = arith.constant 0 : i32
      %dma_wait3A_482 = arith.constant 0 : i32
      %dma_wait3A_483 = tpu.memref_slice %arg5[%dma_wait3A_481, %dma_wait3A_482] : memref<32x1000000xf32, #tpu.memory_space<hbm>> -> memref<32x128xf32, #tpu.memory_space<hbm>>
      tpu.wait_dma2 semaphore(%arg38 : memref<!tpu.dma_semaphore, #tpu.memory_space<semaphore_mem>>) src(%dma_wait3A_483 : memref<32x128xf32, #tpu.memory_space<hbm>>) dst(%arg26 : memref<32x128xf32, #tpu.memory_space<vmem>>)
      %broadcast_in_dim3A_484 = arith.constant 0 : i32
      %broadcast_in_dim3A_485 = vector.broadcast %broadcast_in_dim3A_484 : i32 to vector<16xi32>
      %add3A_486 = vector.broadcast %and3A_256 : i32 to vector<16xi32>
      %add3A_487 = arith.addi %broadcast_in_dim3A_485, %add3A_486 : vector<16xi32>
      %add3A_488 = arith.constant 0 : i32
      %add3A_489 = vector.broadcast %add3A_488 : i32 to vector<16xi32>
      %add3A_490 = arith.addi %iota3A, %add3A_489 : vector<16xi32>
      %gather3A_491 = tpu.vector_load_idx %arg26[%add3A_490, %add3A_487] : memref<32x128xf32, #tpu.memory_space<vmem>>[vector<16xi32>, vector<16xi32>], vector<16xf32>,
      %mul3A_492 = arith.constant 32 : i32
      %mul3A_493 = arith.muli %add3A_252, %mul3A_492 : i32
      %add3A_494 = arith.constant 0 : i32
      %add3A_495 = arith.addi %mul3A_493, %add3A_494 : i32
      %swap3A_496 = arith.index_cast %add3A_495 : i32 to index
      %swap3A_497 = tpu.vector_load %arg13[%swap3A_496] {strides = array<i32>} : memref<16384xf32, #tpu.memory_space<vmem>>, vector<16xf32>,
      tpu.vector_store %arg13[%swap3A_496], %gather3A_491 {strides = array<i32>} : memref<16384xf32, #tpu.memory_space<vmem>>, vector<16xf32>,
      %add3A_498 = arith.constant 16 : i32
      %add3A_499 = vector.broadcast %add3A_498 : i32 to vector<16xi32>
      %add3A_500 = arith.addi %iota3A, %add3A_499 : vector<16xi32>
      %gather3A_501 = tpu.vector_load_idx %arg26[%add3A_500, %add3A_487] : memref<32x128xf32, #tpu.memory_space<vmem>>[vector<16xi32>, vector<16xi32>], vector<16xf32>,
      %mul3A_502 = arith.constant 32 : i32
      %mul3A_503 = arith.muli %add3A_252, %mul3A_502 : i32
      %add3A_504 = arith.constant 16 : i32
      %add3A_505 = arith.addi %mul3A_503, %add3A_504 : i32
      %swap3A_506 = arith.index_cast %add3A_505 : i32 to index
      %swap3A_507 = tpu.vector_load %arg13[%swap3A_506] {strides = array<i32>} : memref<16384xf32, #tpu.memory_space<vmem>>, vector<16xf32>,
      tpu.vector_store %arg13[%swap3A_506], %gather3A_501 {strides = array<i32>} : memref<16384xf32, #tpu.memory_space<vmem>>, vector<16xf32>,
      %and3A_508 = arith.constant -128 : i32
      %and3A_509 = arith.andi %squeeze3A_445, %and3A_508 : i32
      %multiple_of3A_510 = tpu.assume_multiple %and3A_509, 128 : i32
      %and3A_511 = arith.constant -128 : i32
      %and3A_512 = arith.andi %squeeze3A_447, %and3A_511 : i32
      %multiple_of3A_513 = tpu.assume_multiple %and3A_512, 128 : i32
      %dma_start3A_514 = arith.constant 0 : i32
      %dma_start3A_515 = tpu.memref_slice %arg4[%dma_start3A_514, %multiple_of3A_510] : memref<32x1000000xf32, #tpu.memory_space<hbm>> -> memref<32x128xf32, #tpu.memory_space<hbm>>
      %dma_start3A_516 = arith.constant 0 : i32
      %dma_start3A_517 = tpu.memref_slice %arg4[%dma_start3A_516, %multiple_of3A_510] : memref<32x1000000xf32, #tpu.memory_space<hbm>> -> memref<32x128xf32, #tpu.memory_space<hbm>>
      tpu.enqueue_dma source(%dma_start3A_517 : memref<32x128xf32, #tpu.memory_space<hbm>>) target(%arg20 : memref<32x128xf32, #tpu.memory_space<vmem>>) target_semaphore(%arg32 : memref<!tpu.dma_semaphore, #tpu.memory_space<semaphore_mem>>)
      %dma_start3A_518 = arith.constant 0 : i32
      %dma_start3A_519 = tpu.memref_slice %arg5[%dma_start3A_518, %multiple_of3A_513] : memref<32x1000000xf32, #tpu.memory_space<hbm>> -> memref<32x128xf32, #tpu.memory_space<hbm>>
      %dma_start3A_520 = arith.constant 0 : i32
      %dma_start3A_521 = tpu.memref_slice %arg5[%dma_start3A_520, %multiple_of3A_513] : memref<32x1000000xf32, #tpu.memory_space<hbm>> -> memref<32x128xf32, #tpu.memory_space<hbm>>
      tpu.enqueue_dma source(%dma_start3A_521 : memref<32x128xf32, #tpu.memory_space<hbm>>) target(%arg26 : memref<32x128xf32, #tpu.memory_space<vmem>>) target_semaphore(%arg38 : memref<!tpu.dma_semaphore, #tpu.memory_space<semaphore_mem>>)
      %mul3A_522 = arith.constant 16 : i32
      %mul3A_523 = arith.muli %scan3A_167, %mul3A_522 : i32
      %add3A_524 = arith.constant 7 : i32
      %add3A_525 = arith.addi %mul3A_523, %add3A_524 : i32
      %and3A_526 = arith.constant 127 : i32
      %and3A_527 = arith.andi %squeeze3A_445, %and3A_526 : i32
      %and3A_528 = arith.constant 127 : i32
      %and3A_529 = arith.andi %squeeze3A_447, %and3A_528 : i32
      %slice3A_530 = vector.extract_strided_slice %get3A_202 {offsets = [8], sizes = [1], strides = [1]} : vector<16xi32> to vector<1xi32>
      %squeeze3A_531 = vector.extract %slice3A_530[0] : i32 from vector<1xi32>
      %slice3A_532 = vector.extract_strided_slice %get3A_205 {offsets = [8], sizes = [1], strides = [1]} : vector<16xi32> to vector<1xi32>
      %squeeze3A_533 = vector.extract %slice3A_532[0] : i32 from vector<1xi32>
      %dma_wait3A_534 = arith.constant 0 : i32
      %dma_wait3A_535 = arith.constant 0 : i32
      %dma_wait3A_536 = tpu.memref_slice %arg4[%dma_wait3A_534, %dma_wait3A_535] : memref<32x1000000xf32, #tpu.memory_space<hbm>> -> memref<32x128xf32, #tpu.memory_space<hbm>>
      %dma_wait3A_537 = arith.constant 0 : i32
      %dma_wait3A_538 = arith.constant 0 : i32
      %dma_wait3A_539 = tpu.memref_slice %arg4[%dma_wait3A_537, %dma_wait3A_538] : memref<32x1000000xf32, #tpu.memory_space<hbm>> -> memref<32x128xf32, #tpu.memory_space<hbm>>
      tpu.wait_dma2 semaphore(%arg33 : memref<!tpu.dma_semaphore, #tpu.memory_space<semaphore_mem>>) src(%dma_wait3A_539 : memref<32x128xf32, #tpu.memory_space<hbm>>) dst(%arg21 : memref<32x128xf32, #tpu.memory_space<vmem>>)
      %broadcast_in_dim3A_540 = arith.constant 0 : i32
      %broadcast_in_dim3A_541 = vector.broadcast %broadcast_in_dim3A_540 : i32 to vector<16xi32>
      %add3A_542 = vector.broadcast %and3A_280 : i32 to vector<16xi32>
      %add3A_543 = arith.addi %broadcast_in_dim3A_541, %add3A_542 : vector<16xi32>
      %add3A_544 = arith.constant 0 : i32
      %add3A_545 = vector.broadcast %add3A_544 : i32 to vector<16xi32>
      %add3A_546 = arith.addi %iota3A, %add3A_545 : vector<16xi32>
      %gather3A_547 = tpu.vector_load_idx %arg21[%add3A_546, %add3A_543] : memref<32x128xf32, #tpu.memory_space<vmem>>[vector<16xi32>, vector<16xi32>], vector<16xf32>,
      %mul3A_548 = arith.constant 32 : i32
      %mul3A_549 = arith.muli %add3A_278, %mul3A_548 : i32
      %add3A_550 = arith.constant 0 : i32
      %add3A_551 = arith.addi %mul3A_549, %add3A_550 : i32
      %swap3A_552 = arith.index_cast %add3A_551 : i32 to index
      %swap3A_553 = tpu.vector_load %arg12[%swap3A_552] {strides = array<i32>} : memref<16384xf32, #tpu.memory_space<vmem>>, vector<16xf32>,
      tpu.vector_store %arg12[%swap3A_552], %gather3A_547 {strides = array<i32>} : memref<16384xf32, #tpu.memory_space<vmem>>, vector<16xf32>,
      %add3A_554 = arith.constant 16 : i32
      %add3A_555 = vector.broadcast %add3A_554 : i32 to vector<16xi32>
      %add3A_556 = arith.addi %iota3A, %add3A_555 : vector<16xi32>
      %gather3A_557 = tpu.vector_load_idx %arg21[%add3A_556, %add3A_543] : memref<32x128xf32, #tpu.memory_space<vmem>>[vector<16xi32>, vector<16xi32>], vector<16xf32>,
      %mul3A_558 = arith.constant 32 : i32
      %mul3A_559 = arith.muli %add3A_278, %mul3A_558 : i32
      %add3A_560 = arith.constant 16 : i32
      %add3A_561 = arith.addi %mul3A_559, %add3A_560 : i32
      %swap3A_562 = arith.index_cast %add3A_561 : i32 to index
      %swap3A_563 = tpu.vector_load %arg12[%swap3A_562] {strides = array<i32>} : memref<16384xf32, #tpu.memory_space<vmem>>, vector<16xf32>,
      tpu.vector_store %arg12[%swap3A_562], %gather3A_557 {strides = array<i32>} : memref<16384xf32, #tpu.memory_space<vmem>>, vector<16xf32>,
      %dma_wait3A_564 = arith.constant 0 : i32
      %dma_wait3A_565 = arith.constant 0 : i32
      %dma_wait3A_566 = tpu.memref_slice %arg5[%dma_wait3A_564, %dma_wait3A_565] : memref<32x1000000xf32, #tpu.memory_space<hbm>> -> memref<32x128xf32, #tpu.memory_space<hbm>>
      %dma_wait3A_567 = arith.constant 0 : i32
      %dma_wait3A_568 = arith.constant 0 : i32
      %dma_wait3A_569 = tpu.memref_slice %arg5[%dma_wait3A_567, %dma_wait3A_568] : memref<32x1000000xf32, #tpu.memory_space<hbm>> -> memref<32x128xf32, #tpu.memory_space<hbm>>
      tpu.wait_dma2 semaphore(%arg39 : memref<!tpu.dma_semaphore, #tpu.memory_space<semaphore_mem>>) src(%dma_wait3A_569 : memref<32x128xf32, #tpu.memory_space<hbm>>) dst(%arg27 : memref<32x128xf32, #tpu.memory_space<vmem>>)
      %broadcast_in_dim3A_570 = arith.constant 0 : i32
      %broadcast_in_dim3A_571 = vector.broadcast %broadcast_in_dim3A_570 : i32 to vector<16xi32>
      %add3A_572 = vector.broadcast %and3A_282 : i32 to vector<16xi32>
      %add3A_573 = arith.addi %broadcast_in_dim3A_571, %add3A_572 : vector<16xi32>
      %add3A_574 = arith.constant 0 : i32
      %add3A_575 = vector.broadcast %add3A_574 : i32 to vector<16xi32>
      %add3A_576 = arith.addi %iota3A, %add3A_575 : vector<16xi32>
      %gather3A_577 = tpu.vector_load_idx %arg27[%add3A_576, %add3A_573] : memref<32x128xf32, #tpu.memory_space<vmem>>[vector<16xi32>, vector<16xi32>], vector<16xf32>,
      %mul3A_578 = arith.constant 32 : i32
      %mul3A_579 = arith.muli %add3A_278, %mul3A_578 : i32
      %add3A_580 = arith.constant 0 : i32
      %add3A_581 = arith.addi %mul3A_579, %add3A_580 : i32
      %swap3A_582 = arith.index_cast %add3A_581 : i32 to index
      %swap3A_583 = tpu.vector_load %arg13[%swap3A_582] {strides = array<i32>} : memref<16384xf32, #tpu.memory_space<vmem>>, vector<16xf32>,
      tpu.vector_store %arg13[%swap3A_582], %gather3A_577 {strides = array<i32>} : memref<16384xf32, #tpu.memory_space<vmem>>, vector<16xf32>,
      %add3A_584 = arith.constant 16 : i32
      %add3A_585 = vector.broadcast %add3A_584 : i32 to vector<16xi32>
      %add3A_586 = arith.addi %iota3A, %add3A_585 : vector<16xi32>
      %gather3A_587 = tpu.vector_load_idx %arg27[%add3A_586, %add3A_573] : memref<32x128xf32, #tpu.memory_space<vmem>>[vector<16xi32>, vector<16xi32>], vector<16xf32>,
      %mul3A_588 = arith.constant 32 : i32
      %mul3A_589 = arith.muli %add3A_278, %mul3A_588 : i32
      %add3A_590 = arith.constant 16 : i32
      %add3A_591 = arith.addi %mul3A_589, %add3A_590 : i32
      %swap3A_592 = arith.index_cast %add3A_591 : i32 to index
      %swap3A_593 = tpu.vector_load %arg13[%swap3A_592] {strides = array<i32>} : memref<16384xf32, #tpu.memory_space<vmem>>, vector<16xf32>,
      tpu.vector_store %arg13[%swap3A_592], %gather3A_587 {strides = array<i32>} : memref<16384xf32, #tpu.memory_space<vmem>>, vector<16xf32>,
      %and3A_594 = arith.constant -128 : i32
      %and3A_595 = arith.andi %squeeze3A_531, %and3A_594 : i32
      %multiple_of3A_596 = tpu.assume_multiple %and3A_595, 128 : i32
      %and3A_597 = arith.constant -128 : i32
      %and3A_598 = arith.andi %squeeze3A_533, %and3A_597 : i32
      %multiple_of3A_599 = tpu.assume_multiple %and3A_598, 128 : i32
      %dma_start3A_600 = arith.constant 0 : i32
      %dma_start3A_601 = tpu.memref_slice %arg4[%dma_start3A_600, %multiple_of3A_596] : memref<32x1000000xf32, #tpu.memory_space<hbm>> -> memref<32x128xf32, #tpu.memory_space<hbm>>
      %dma_start3A_602 = arith.constant 0 : i32
      %dma_start3A_603 = tpu.memref_slice %arg4[%dma_start3A_602, %multiple_of3A_596] : memref<32x1000000xf32, #tpu.memory_space<hbm>> -> memref<32x128xf32, #tpu.memory_space<hbm>>
      tpu.enqueue_dma source(%dma_start3A_603 : memref<32x128xf32, #tpu.memory_space<hbm>>) target(%arg21 : memref<32x128xf32, #tpu.memory_space<vmem>>) target_semaphore(%arg33 : memref<!tpu.dma_semaphore, #tpu.memory_space<semaphore_mem>>)
      %dma_start3A_604 = arith.constant 0 : i32
      %dma_start3A_605 = tpu.memref_slice %arg5[%dma_start3A_604, %multiple_of3A_599] : memref<32x1000000xf32, #tpu.memory_space<hbm>> -> memref<32x128xf32, #tpu.memory_space<hbm>>
      %dma_start3A_606 = arith.constant 0 : i32
      %dma_start3A_607 = tpu.memref_slice %arg5[%dma_start3A_606, %multiple_of3A_599] : memref<32x1000000xf32, #tpu.memory_space<hbm>> -> memref<32x128xf32, #tpu.memory_space<hbm>>
      tpu.enqueue_dma source(%dma_start3A_607 : memref<32x128xf32, #tpu.memory_space<hbm>>) target(%arg27 : memref<32x128xf32, #tpu.memory_space<vmem>>) target_semaphore(%arg39 : memref<!tpu.dma_semaphore, #tpu.memory_space<semaphore_mem>>)
      %mul3A_608 = arith.constant 16 : i32
      %mul3A_609 = arith.muli %scan3A_167, %mul3A_608 : i32
      %add3A_610 = arith.constant 8 : i32
      %add3A_611 = arith.addi %mul3A_609, %add3A_610 : i32
      %and3A_612 = arith.constant 127 : i32
      %and3A_613 = arith.andi %squeeze3A_531, %and3A_612 : i32
      %and3A_614 = arith.constant 127 : i32
      %and3A_615 = arith.andi %squeeze3A_533, %and3A_614 : i32
      %slice3A_616 = vector.extract_strided_slice %get3A_202 {offsets = [9], sizes = [1], strides = [1]} : vector<16xi32> to vector<1xi32>
      %squeeze3A_617 = vector.extract %slice3A_616[0] : i32 from vector<1xi32>
      %slice3A_618 = vector.extract_strided_slice %get3A_205 {offsets = [9], sizes = [1], strides = [1]} : vector<16xi32> to vector<1xi32>
      %squeeze3A_619 = vector.extract %slice3A_618[0] : i32 from vector<1xi32>
      %dma_wait3A_620 = arith.constant 0 : i32
      %dma_wait3A_621 = arith.constant 0 : i32
      %dma_wait3A_622 = tpu.memref_slice %arg4[%dma_wait3A_620, %dma_wait3A_621] : memref<32x1000000xf32, #tpu.memory_space<hbm>> -> memref<32x128xf32, #tpu.memory_space<hbm>>
      %dma_wait3A_623 = arith.constant 0 : i32
      %dma_wait3A_624 = arith.constant 0 : i32
      %dma_wait3A_625 = tpu.memref_slice %arg4[%dma_wait3A_623, %dma_wait3A_624] : memref<32x1000000xf32, #tpu.memory_space<hbm>> -> memref<32x128xf32, #tpu.memory_space<hbm>>
      tpu.wait_dma2 semaphore(%arg34 : memref<!tpu.dma_semaphore, #tpu.memory_space<semaphore_mem>>) src(%dma_wait3A_625 : memref<32x128xf32, #tpu.memory_space<hbm>>) dst(%arg22 : memref<32x128xf32, #tpu.memory_space<vmem>>)
      %broadcast_in_dim3A_626 = arith.constant 0 : i32
      %broadcast_in_dim3A_627 = vector.broadcast %broadcast_in_dim3A_626 : i32 to vector<16xi32>
      %add3A_628 = vector.broadcast %and3A_306 : i32 to vector<16xi32>
      %add3A_629 = arith.addi %broadcast_in_dim3A_627, %add3A_628 : vector<16xi32>
      %add3A_630 = arith.constant 0 : i32
      %add3A_631 = vector.broadcast %add3A_630 : i32 to vector<16xi32>
      %add3A_632 = arith.addi %iota3A, %add3A_631 : vector<16xi32>
      %gather3A_633 = tpu.vector_load_idx %arg22[%add3A_632, %add3A_629] : memref<32x128xf32, #tpu.memory_space<vmem>>[vector<16xi32>, vector<16xi32>], vector<16xf32>,
      %mul3A_634 = arith.constant 32 : i32
      %mul3A_635 = arith.muli %add3A_304, %mul3A_634 : i32
      %add3A_636 = arith.constant 0 : i32
      %add3A_637 = arith.addi %mul3A_635, %add3A_636 : i32
      %swap3A_638 = arith.index_cast %add3A_637 : i32 to index
      %swap3A_639 = tpu.vector_load %arg12[%swap3A_638] {strides = array<i32>} : memref<16384xf32, #tpu.memory_space<vmem>>, vector<16xf32>,
      tpu.vector_store %arg12[%swap3A_638], %gather3A_633 {strides = array<i32>} : memref<16384xf32, #tpu.memory_space<vmem>>, vector<16xf32>,
      %add3A_640 = arith.constant 16 : i32
      %add3A_641 = vector.broadcast %add3A_640 : i32 to vector<16xi32>
      %add3A_642 = arith.addi %iota3A, %add3A_641 : vector<16xi32>
      %gather3A_643 = tpu.vector_load_idx %arg22[%add3A_642, %add3A_629] : memref<32x128xf32, #tpu.memory_space<vmem>>[vector<16xi32>, vector<16xi32>], vector<16xf32>,
      %mul3A_644 = arith.constant 32 : i32
      %mul3A_645 = arith.muli %add3A_304, %mul3A_644 : i32
      %add3A_646 = arith.constant 16 : i32
      %add3A_647 = arith.addi %mul3A_645, %add3A_646 : i32
      %swap3A_648 = arith.index_cast %add3A_647 : i32 to index
      %swap3A_649 = tpu.vector_load %arg12[%swap3A_648] {strides = array<i32>} : memref<16384xf32, #tpu.memory_space<vmem>>, vector<16xf32>,
      tpu.vector_store %arg12[%swap3A_648], %gather3A_643 {strides = array<i32>} : memref<16384xf32, #tpu.memory_space<vmem>>, vector<16xf32>,
      %dma_wait3A_650 = arith.constant 0 : i32
      %dma_wait3A_651 = arith.constant 0 : i32
      %dma_wait3A_652 = tpu.memref_slice %arg5[%dma_wait3A_650, %dma_wait3A_651] : memref<32x1000000xf32, #tpu.memory_space<hbm>> -> memref<32x128xf32, #tpu.memory_space<hbm>>
      %dma_wait3A_653 = arith.constant 0 : i32
      %dma_wait3A_654 = arith.constant 0 : i32
      %dma_wait3A_655 = tpu.memref_slice %arg5[%dma_wait3A_653, %dma_wait3A_654] : memref<32x1000000xf32, #tpu.memory_space<hbm>> -> memref<32x128xf32, #tpu.memory_space<hbm>>
      tpu.wait_dma2 semaphore(%arg40 : memref<!tpu.dma_semaphore, #tpu.memory_space<semaphore_mem>>) src(%dma_wait3A_655 : memref<32x128xf32, #tpu.memory_space<hbm>>) dst(%arg28 : memref<32x128xf32, #tpu.memory_space<vmem>>)
      %broadcast_in_dim3A_656 = arith.constant 0 : i32
      %broadcast_in_dim3A_657 = vector.broadcast %broadcast_in_dim3A_656 : i32 to vector<16xi32>
      %add3A_658 = vector.broadcast %and3A_308 : i32 to vector<16xi32>
      %add3A_659 = arith.addi %broadcast_in_dim3A_657, %add3A_658 : vector<16xi32>
      %add3A_660 = arith.constant 0 : i32
      %add3A_661 = vector.broadcast %add3A_660 : i32 to vector<16xi32>
      %add3A_662 = arith.addi %iota3A, %add3A_661 : vector<16xi32>
      %gather3A_663 = tpu.vector_load_idx %arg28[%add3A_662, %add3A_659] : memref<32x128xf32, #tpu.memory_space<vmem>>[vector<16xi32>, vector<16xi32>], vector<16xf32>,
      %mul3A_664 = arith.constant 32 : i32
      %mul3A_665 = arith.muli %add3A_304, %mul3A_664 : i32
      %add3A_666 = arith.constant 0 : i32
      %add3A_667 = arith.addi %mul3A_665, %add3A_666 : i32
      %swap3A_668 = arith.index_cast %add3A_667 : i32 to index
      %swap3A_669 = tpu.vector_load %arg13[%swap3A_668] {strides = array<i32>} : memref<16384xf32, #tpu.memory_space<vmem>>, vector<16xf32>,
      tpu.vector_store %arg13[%swap3A_668], %gather3A_663 {strides = array<i32>} : memref<16384xf32, #tpu.memory_space<vmem>>, vector<16xf32>,
      %add3A_670 = arith.constant 16 : i32
      %add3A_671 = vector.broadcast %add3A_670 : i32 to vector<16xi32>
      %add3A_672 = arith.addi %iota3A, %add3A_671 : vector<16xi32>
      %gather3A_673 = tpu.vector_load_idx %arg28[%add3A_672, %add3A_659] : memref<32x128xf32, #tpu.memory_space<vmem>>[vector<16xi32>, vector<16xi32>], vector<16xf32>,
      %mul3A_674 = arith.constant 32 : i32
      %mul3A_675 = arith.muli %add3A_304, %mul3A_674 : i32
      %add3A_676 = arith.constant 16 : i32
      %add3A_677 = arith.addi %mul3A_675, %add3A_676 : i32
      %swap3A_678 = arith.index_cast %add3A_677 : i32 to index
      %swap3A_679 = tpu.vector_load %arg13[%swap3A_678] {strides = array<i32>} : memref<16384xf32, #tpu.memory_space<vmem>>, vector<16xf32>,
      tpu.vector_store %arg13[%swap3A_678], %gather3A_673 {strides = array<i32>} : memref<16384xf32, #tpu.memory_space<vmem>>, vector<16xf32>,
      %and3A_680 = arith.constant -128 : i32
      %and3A_681 = arith.andi %squeeze3A_617, %and3A_680 : i32
      %multiple_of3A_682 = tpu.assume_multiple %and3A_681, 128 : i32
      %and3A_683 = arith.constant -128 : i32
      %and3A_684 = arith.andi %squeeze3A_619, %and3A_683 : i32
      %multiple_of3A_685 = tpu.assume_multiple %and3A_684, 128 : i32
      %dma_start3A_686 = arith.constant 0 : i32
      %dma_start3A_687 = tpu.memref_slice %arg4[%dma_start3A_686, %multiple_of3A_682] : memref<32x1000000xf32, #tpu.memory_space<hbm>> -> memref<32x128xf32, #tpu.memory_space<hbm>>
      %dma_start3A_688 = arith.constant 0 : i32
      %dma_start3A_689 = tpu.memref_slice %arg4[%dma_start3A_688, %multiple_of3A_682] : memref<32x1000000xf32, #tpu.memory_space<hbm>> -> memref<32x128xf32, #tpu.memory_space<hbm>>
      tpu.enqueue_dma source(%dma_start3A_689 : memref<32x128xf32, #tpu.memory_space<hbm>>) target(%arg22 : memref<32x128xf32, #tpu.memory_space<vmem>>) target_semaphore(%arg34 : memref<!tpu.dma_semaphore, #tpu.memory_space<semaphore_mem>>)
      %dma_start3A_690 = arith.constant 0 : i32
      %dma_start3A_691 = tpu.memref_slice %arg5[%dma_start3A_690, %multiple_of3A_685] : memref<32x1000000xf32, #tpu.memory_space<hbm>> -> memref<32x128xf32, #tpu.memory_space<hbm>>
      %dma_start3A_692 = arith.constant 0 : i32
      %dma_start3A_693 = tpu.memref_slice %arg5[%dma_start3A_692, %multiple_of3A_685] : memref<32x1000000xf32, #tpu.memory_space<hbm>> -> memref<32x128xf32, #tpu.memory_space<hbm>>
      tpu.enqueue_dma source(%dma_start3A_693 : memref<32x128xf32, #tpu.memory_space<hbm>>) target(%arg28 : memref<32x128xf32, #tpu.memory_space<vmem>>) target_semaphore(%arg40 : memref<!tpu.dma_semaphore, #tpu.memory_space<semaphore_mem>>)
      %mul3A_694 = arith.constant 16 : i32
      %mul3A_695 = arith.muli %scan3A_167, %mul3A_694 : i32
      %add3A_696 = arith.constant 9 : i32
      %add3A_697 = arith.addi %mul3A_695, %add3A_696 : i32
      %and3A_698 = arith.constant 127 : i32
      %and3A_699 = arith.andi %squeeze3A_617, %and3A_698 : i32
      %and3A_700 = arith.constant 127 : i32
      %and3A_701 = arith.andi %squeeze3A_619, %and3A_700 : i32
      %slice3A_702 = vector.extract_strided_slice %get3A_202 {offsets = [10], sizes = [1], strides = [1]} : vector<16xi32> to vector<1xi32>
      %squeeze3A_703 = vector.extract %slice3A_702[0] : i32 from vector<1xi32>
      %slice3A_704 = vector.extract_strided_slice %get3A_205 {offsets = [10], sizes = [1], strides = [1]} : vector<16xi32> to vector<1xi32>
      %squeeze3A_705 = vector.extract %slice3A_704[0] : i32 from vector<1xi32>
      %dma_wait3A_706 = arith.constant 0 : i32
      %dma_wait3A_707 = arith.constant 0 : i32
      %dma_wait3A_708 = tpu.memref_slice %arg4[%dma_wait3A_706, %dma_wait3A_707] : memref<32x1000000xf32, #tpu.memory_space<hbm>> -> memref<32x128xf32, #tpu.memory_space<hbm>>
      %dma_wait3A_709 = arith.constant 0 : i32
      %dma_wait3A_710 = arith.constant 0 : i32
      %dma_wait3A_711 = tpu.memref_slice %arg4[%dma_wait3A_709, %dma_wait3A_710] : memref<32x1000000xf32, #tpu.memory_space<hbm>> -> memref<32x128xf32, #tpu.memory_space<hbm>>
      tpu.wait_dma2 semaphore(%arg35 : memref<!tpu.dma_semaphore, #tpu.memory_space<semaphore_mem>>) src(%dma_wait3A_711 : memref<32x128xf32, #tpu.memory_space<hbm>>) dst(%arg23 : memref<32x128xf32, #tpu.memory_space<vmem>>)
      %broadcast_in_dim3A_712 = arith.constant 0 : i32
      %broadcast_in_dim3A_713 = vector.broadcast %broadcast_in_dim3A_712 : i32 to vector<16xi32>
      %add3A_714 = vector.broadcast %and3A_332 : i32 to vector<16xi32>
      %add3A_715 = arith.addi %broadcast_in_dim3A_713, %add3A_714 : vector<16xi32>
      %add3A_716 = arith.constant 0 : i32
      %add3A_717 = vector.broadcast %add3A_716 : i32 to vector<16xi32>
      %add3A_718 = arith.addi %iota3A, %add3A_717 : vector<16xi32>
      %gather3A_719 = tpu.vector_load_idx %arg23[%add3A_718, %add3A_715] : memref<32x128xf32, #tpu.memory_space<vmem>>[vector<16xi32>, vector<16xi32>], vector<16xf32>,
      %mul3A_720 = arith.constant 32 : i32
      %mul3A_721 = arith.muli %add3A_330, %mul3A_720 : i32
      %add3A_722 = arith.constant 0 : i32
      %add3A_723 = arith.addi %mul3A_721, %add3A_722 : i32
      %swap3A_724 = arith.index_cast %add3A_723 : i32 to index
      %swap3A_725 = tpu.vector_load %arg12[%swap3A_724] {strides = array<i32>} : memref<16384xf32, #tpu.memory_space<vmem>>, vector<16xf32>,
      tpu.vector_store %arg12[%swap3A_724], %gather3A_719 {strides = array<i32>} : memref<16384xf32, #tpu.memory_space<vmem>>, vector<16xf32>,
      %add3A_726 = arith.constant 16 : i32
      %add3A_727 = vector.broadcast %add3A_726 : i32 to vector<16xi32>
      %add3A_728 = arith.addi %iota3A, %add3A_727 : vector<16xi32>
      %gather3A_729 = tpu.vector_load_idx %arg23[%add3A_728, %add3A_715] : memref<32x128xf32, #tpu.memory_space<vmem>>[vector<16xi32>, vector<16xi32>], vector<16xf32>,
      %mul3A_730 = arith.constant 32 : i32
      %mul3A_731 = arith.muli %add3A_330, %mul3A_730 : i32
      %add3A_732 = arith.constant 16 : i32
      %add3A_733 = arith.addi %mul3A_731, %add3A_732 : i32
      %swap3A_734 = arith.index_cast %add3A_733 : i32 to index
      %swap3A_735 = tpu.vector_load %arg12[%swap3A_734] {strides = array<i32>} : memref<16384xf32, #tpu.memory_space<vmem>>, vector<16xf32>,
      tpu.vector_store %arg12[%swap3A_734], %gather3A_729 {strides = array<i32>} : memref<16384xf32, #tpu.memory_space<vmem>>, vector<16xf32>,
      %dma_wait3A_736 = arith.constant 0 : i32
      %dma_wait3A_737 = arith.constant 0 : i32
      %dma_wait3A_738 = tpu.memref_slice %arg5[%dma_wait3A_736, %dma_wait3A_737] : memref<32x1000000xf32, #tpu.memory_space<hbm>> -> memref<32x128xf32, #tpu.memory_space<hbm>>
      %dma_wait3A_739 = arith.constant 0 : i32
      %dma_wait3A_740 = arith.constant 0 : i32
      %dma_wait3A_741 = tpu.memref_slice %arg5[%dma_wait3A_739, %dma_wait3A_740] : memref<32x1000000xf32, #tpu.memory_space<hbm>> -> memref<32x128xf32, #tpu.memory_space<hbm>>
      tpu.wait_dma2 semaphore(%arg41 : memref<!tpu.dma_semaphore, #tpu.memory_space<semaphore_mem>>) src(%dma_wait3A_741 : memref<32x128xf32, #tpu.memory_space<hbm>>) dst(%arg29 : memref<32x128xf32, #tpu.memory_space<vmem>>)
      %broadcast_in_dim3A_742 = arith.constant 0 : i32
      %broadcast_in_dim3A_743 = vector.broadcast %broadcast_in_dim3A_742 : i32 to vector<16xi32>
      %add3A_744 = vector.broadcast %and3A_334 : i32 to vector<16xi32>
      %add3A_745 = arith.addi %broadcast_in_dim3A_743, %add3A_744 : vector<16xi32>
      %add3A_746 = arith.constant 0 : i32
      %add3A_747 = vector.broadcast %add3A_746 : i32 to vector<16xi32>
      %add3A_748 = arith.addi %iota3A, %add3A_747 : vector<16xi32>
      %gather3A_749 = tpu.vector_load_idx %arg29[%add3A_748, %add3A_745] : memref<32x128xf32, #tpu.memory_space<vmem>>[vector<16xi32>, vector<16xi32>], vector<16xf32>,
      %mul3A_750 = arith.constant 32 : i32
      %mul3A_751 = arith.muli %add3A_330, %mul3A_750 : i32
      %add3A_752 = arith.constant 0 : i32
      %add3A_753 = arith.addi %mul3A_751, %add3A_752 : i32
      %swap3A_754 = arith.index_cast %add3A_753 : i32 to index
      %swap3A_755 = tpu.vector_load %arg13[%swap3A_754] {strides = array<i32>} : memref<16384xf32, #tpu.memory_space<vmem>>, vector<16xf32>,
      tpu.vector_store %arg13[%swap3A_754], %gather3A_749 {strides = array<i32>} : memref<16384xf32, #tpu.memory_space<vmem>>, vector<16xf32>,
      %add3A_756 = arith.constant 16 : i32
      %add3A_757 = vector.broadcast %add3A_756 : i32 to vector<16xi32>
      %add3A_758 = arith.addi %iota3A, %add3A_757 : vector<16xi32>
      %gather3A_759 = tpu.vector_load_idx %arg29[%add3A_758, %add3A_745] : memref<32x128xf32, #tpu.memory_space<vmem>>[vector<16xi32>, vector<16xi32>], vector<16xf32>,
      %mul3A_760 = arith.constant 32 : i32
      %mul3A_761 = arith.muli %add3A_330, %mul3A_760 : i32
      %add3A_762 = arith.constant 16 : i32
      %add3A_763 = arith.addi %mul3A_761, %add3A_762 : i32
      %swap3A_764 = arith.index_cast %add3A_763 : i32 to index
      %swap3A_765 = tpu.vector_load %arg13[%swap3A_764] {strides = array<i32>} : memref<16384xf32, #tpu.memory_space<vmem>>, vector<16xf32>,
      tpu.vector_store %arg13[%swap3A_764], %gather3A_759 {strides = array<i32>} : memref<16384xf32, #tpu.memory_space<vmem>>, vector<16xf32>,
      %and3A_766 = arith.constant -128 : i32
      %and3A_767 = arith.andi %squeeze3A_703, %and3A_766 : i32
      %multiple_of3A_768 = tpu.assume_multiple %and3A_767, 128 : i32
      %and3A_769 = arith.constant -128 : i32
      %and3A_770 = arith.andi %squeeze3A_705, %and3A_769 : i32
      %multiple_of3A_771 = tpu.assume_multiple %and3A_770, 128 : i32
      %dma_start3A_772 = arith.constant 0 : i32
      %dma_start3A_773 = tpu.memref_slice %arg4[%dma_start3A_772, %multiple_of3A_768] : memref<32x1000000xf32, #tpu.memory_space<hbm>> -> memref<32x128xf32, #tpu.memory_space<hbm>>
      %dma_start3A_774 = arith.constant 0 : i32
      %dma_start3A_775 = tpu.memref_slice %arg4[%dma_start3A_774, %multiple_of3A_768] : memref<32x1000000xf32, #tpu.memory_space<hbm>> -> memref<32x128xf32, #tpu.memory_space<hbm>>
      tpu.enqueue_dma source(%dma_start3A_775 : memref<32x128xf32, #tpu.memory_space<hbm>>) target(%arg23 : memref<32x128xf32, #tpu.memory_space<vmem>>) target_semaphore(%arg35 : memref<!tpu.dma_semaphore, #tpu.memory_space<semaphore_mem>>)
      %dma_start3A_776 = arith.constant 0 : i32
      %dma_start3A_777 = tpu.memref_slice %arg5[%dma_start3A_776, %multiple_of3A_771] : memref<32x1000000xf32, #tpu.memory_space<hbm>> -> memref<32x128xf32, #tpu.memory_space<hbm>>
      %dma_start3A_778 = arith.constant 0 : i32
      %dma_start3A_779 = tpu.memref_slice %arg5[%dma_start3A_778, %multiple_of3A_771] : memref<32x1000000xf32, #tpu.memory_space<hbm>> -> memref<32x128xf32, #tpu.memory_space<hbm>>
      tpu.enqueue_dma source(%dma_start3A_779 : memref<32x128xf32, #tpu.memory_space<hbm>>) target(%arg29 : memref<32x128xf32, #tpu.memory_space<vmem>>) target_semaphore(%arg41 : memref<!tpu.dma_semaphore, #tpu.memory_space<semaphore_mem>>)
      %mul3A_780 = arith.constant 16 : i32
      %mul3A_781 = arith.muli %scan3A_167, %mul3A_780 : i32
      %add3A_782 = arith.constant 10 : i32
      %add3A_783 = arith.addi %mul3A_781, %add3A_782 : i32
      %and3A_784 = arith.constant 127 : i32
      %and3A_785 = arith.andi %squeeze3A_703, %and3A_784 : i32
      %and3A_786 = arith.constant 127 : i32
      %and3A_787 = arith.andi %squeeze3A_705, %and3A_786 : i32
      %slice3A_788 = vector.extract_strided_slice %get3A_202 {offsets = [11], sizes = [1], strides = [1]} : vector<16xi32> to vector<1xi32>
      %squeeze3A_789 = vector.extract %slice3A_788[0] : i32 from vector<1xi32>
      %slice3A_790 = vector.extract_strided_slice %get3A_205 {offsets = [11], sizes = [1], strides = [1]} : vector<16xi32> to vector<1xi32>
      %squeeze3A_791 = vector.extract %slice3A_790[0] : i32 from vector<1xi32>
      %dma_wait3A_792 = arith.constant 0 : i32
      %dma_wait3A_793 = arith.constant 0 : i32
      %dma_wait3A_794 = tpu.memref_slice %arg4[%dma_wait3A_792, %dma_wait3A_793] : memref<32x1000000xf32, #tpu.memory_space<hbm>> -> memref<32x128xf32, #tpu.memory_space<hbm>>
      %dma_wait3A_795 = arith.constant 0 : i32
      %dma_wait3A_796 = arith.constant 0 : i32
      %dma_wait3A_797 = tpu.memref_slice %arg4[%dma_wait3A_795, %dma_wait3A_796] : memref<32x1000000xf32, #tpu.memory_space<hbm>> -> memref<32x128xf32, #tpu.memory_space<hbm>>
      tpu.wait_dma2 semaphore(%arg36 : memref<!tpu.dma_semaphore, #tpu.memory_space<semaphore_mem>>) src(%dma_wait3A_797 : memref<32x128xf32, #tpu.memory_space<hbm>>) dst(%arg24 : memref<32x128xf32, #tpu.memory_space<vmem>>)
      %broadcast_in_dim3A_798 = arith.constant 0 : i32
      %broadcast_in_dim3A_799 = vector.broadcast %broadcast_in_dim3A_798 : i32 to vector<16xi32>
      %add3A_800 = vector.broadcast %and3A_358 : i32 to vector<16xi32>
      %add3A_801 = arith.addi %broadcast_in_dim3A_799, %add3A_800 : vector<16xi32>
      %add3A_802 = arith.constant 0 : i32
      %add3A_803 = vector.broadcast %add3A_802 : i32 to vector<16xi32>
      %add3A_804 = arith.addi %iota3A, %add3A_803 : vector<16xi32>
      %gather3A_805 = tpu.vector_load_idx %arg24[%add3A_804, %add3A_801] : memref<32x128xf32, #tpu.memory_space<vmem>>[vector<16xi32>, vector<16xi32>], vector<16xf32>,
      %mul3A_806 = arith.constant 32 : i32
      %mul3A_807 = arith.muli %add3A_356, %mul3A_806 : i32
      %add3A_808 = arith.constant 0 : i32
      %add3A_809 = arith.addi %mul3A_807, %add3A_808 : i32
      %swap3A_810 = arith.index_cast %add3A_809 : i32 to index
      %swap3A_811 = tpu.vector_load %arg12[%swap3A_810] {strides = array<i32>} : memref<16384xf32, #tpu.memory_space<vmem>>, vector<16xf32>,
      tpu.vector_store %arg12[%swap3A_810], %gather3A_805 {strides = array<i32>} : memref<16384xf32, #tpu.memory_space<vmem>>, vector<16xf32>,
      %add3A_812 = arith.constant 16 : i32
      %add3A_813 = vector.broadcast %add3A_812 : i32 to vector<16xi32>
      %add3A_814 = arith.addi %iota3A, %add3A_813 : vector<16xi32>
      %gather3A_815 = tpu.vector_load_idx %arg24[%add3A_814, %add3A_801] : memref<32x128xf32, #tpu.memory_space<vmem>>[vector<16xi32>, vector<16xi32>], vector<16xf32>,
      %mul3A_816 = arith.constant 32 : i32
      %mul3A_817 = arith.muli %add3A_356, %mul3A_816 : i32
      %add3A_818 = arith.constant 16 : i32
      %add3A_819 = arith.addi %mul3A_817, %add3A_818 : i32
      %swap3A_820 = arith.index_cast %add3A_819 : i32 to index
      %swap3A_821 = tpu.vector_load %arg12[%swap3A_820] {strides = array<i32>} : memref<16384xf32, #tpu.memory_space<vmem>>, vector<16xf32>,
      tpu.vector_store %arg12[%swap3A_820], %gather3A_815 {strides = array<i32>} : memref<16384xf32, #tpu.memory_space<vmem>>, vector<16xf32>,
      %dma_wait3A_822 = arith.constant 0 : i32
      %dma_wait3A_823 = arith.constant 0 : i32
      %dma_wait3A_824 = tpu.memref_slice %arg5[%dma_wait3A_822, %dma_wait3A_823] : memref<32x1000000xf32, #tpu.memory_space<hbm>> -> memref<32x128xf32, #tpu.memory_space<hbm>>
      %dma_wait3A_825 = arith.constant 0 : i32
      %dma_wait3A_826 = arith.constant 0 : i32
      %dma_wait3A_827 = tpu.memref_slice %arg5[%dma_wait3A_825, %dma_wait3A_826] : memref<32x1000000xf32, #tpu.memory_space<hbm>> -> memref<32x128xf32, #tpu.memory_space<hbm>>
      tpu.wait_dma2 semaphore(%arg42 : memref<!tpu.dma_semaphore, #tpu.memory_space<semaphore_mem>>) src(%dma_wait3A_827 : memref<32x128xf32, #tpu.memory_space<hbm>>) dst(%arg30 : memref<32x128xf32, #tpu.memory_space<vmem>>)
      %broadcast_in_dim3A_828 = arith.constant 0 : i32
      %broadcast_in_dim3A_829 = vector.broadcast %broadcast_in_dim3A_828 : i32 to vector<16xi32>
      %add3A_830 = vector.broadcast %and3A_360 : i32 to vector<16xi32>
      %add3A_831 = arith.addi %broadcast_in_dim3A_829, %add3A_830 : vector<16xi32>
      %add3A_832 = arith.constant 0 : i32
      %add3A_833 = vector.broadcast %add3A_832 : i32 to vector<16xi32>
      %add3A_834 = arith.addi %iota3A, %add3A_833 : vector<16xi32>
      %gather3A_835 = tpu.vector_load_idx %arg30[%add3A_834, %add3A_831] : memref<32x128xf32, #tpu.memory_space<vmem>>[vector<16xi32>, vector<16xi32>], vector<16xf32>,
      %mul3A_836 = arith.constant 32 : i32
      %mul3A_837 = arith.muli %add3A_356, %mul3A_836 : i32
      %add3A_838 = arith.constant 0 : i32
      %add3A_839 = arith.addi %mul3A_837, %add3A_838 : i32
      %swap3A_840 = arith.index_cast %add3A_839 : i32 to index
      %swap3A_841 = tpu.vector_load %arg13[%swap3A_840] {strides = array<i32>} : memref<16384xf32, #tpu.memory_space<vmem>>, vector<16xf32>,
      tpu.vector_store %arg13[%swap3A_840], %gather3A_835 {strides = array<i32>} : memref<16384xf32, #tpu.memory_space<vmem>>, vector<16xf32>,
      %add3A_842 = arith.constant 16 : i32
      %add3A_843 = vector.broadcast %add3A_842 : i32 to vector<16xi32>
      %add3A_844 = arith.addi %iota3A, %add3A_843 : vector<16xi32>
      %gather3A_845 = tpu.vector_load_idx %arg30[%add3A_844, %add3A_831] : memref<32x128xf32, #tpu.memory_space<vmem>>[vector<16xi32>, vector<16xi32>], vector<16xf32>,
      %mul3A_846 = arith.constant 32 : i32
      %mul3A_847 = arith.muli %add3A_356, %mul3A_846 : i32
      %add3A_848 = arith.constant 16 : i32
      %add3A_849 = arith.addi %mul3A_847, %add3A_848 : i32
      %swap3A_850 = arith.index_cast %add3A_849 : i32 to index
      %swap3A_851 = tpu.vector_load %arg13[%swap3A_850] {strides = array<i32>} : memref<16384xf32, #tpu.memory_space<vmem>>, vector<16xf32>,
      tpu.vector_store %arg13[%swap3A_850], %gather3A_845 {strides = array<i32>} : memref<16384xf32, #tpu.memory_space<vmem>>, vector<16xf32>,
      %and3A_852 = arith.constant -128 : i32
      %and3A_853 = arith.andi %squeeze3A_789, %and3A_852 : i32
      %multiple_of3A_854 = tpu.assume_multiple %and3A_853, 128 : i32
      %and3A_855 = arith.constant -128 : i32
      %and3A_856 = arith.andi %squeeze3A_791, %and3A_855 : i32
      %multiple_of3A_857 = tpu.assume_multiple %and3A_856, 128 : i32
      %dma_start3A_858 = arith.constant 0 : i32
      %dma_start3A_859 = tpu.memref_slice %arg4[%dma_start3A_858, %multiple_of3A_854] : memref<32x1000000xf32, #tpu.memory_space<hbm>> -> memref<32x128xf32, #tpu.memory_space<hbm>>
      %dma_start3A_860 = arith.constant 0 : i32
      %dma_start3A_861 = tpu.memref_slice %arg4[%dma_start3A_860, %multiple_of3A_854] : memref<32x1000000xf32, #tpu.memory_space<hbm>> -> memref<32x128xf32, #tpu.memory_space<hbm>>
      tpu.enqueue_dma source(%dma_start3A_861 : memref<32x128xf32, #tpu.memory_space<hbm>>) target(%arg24 : memref<32x128xf32, #tpu.memory_space<vmem>>) target_semaphore(%arg36 : memref<!tpu.dma_semaphore, #tpu.memory_space<semaphore_mem>>)
      %dma_start3A_862 = arith.constant 0 : i32
      %dma_start3A_863 = tpu.memref_slice %arg5[%dma_start3A_862, %multiple_of3A_857] : memref<32x1000000xf32, #tpu.memory_space<hbm>> -> memref<32x128xf32, #tpu.memory_space<hbm>>
      %dma_start3A_864 = arith.constant 0 : i32
      %dma_start3A_865 = tpu.memref_slice %arg5[%dma_start3A_864, %multiple_of3A_857] : memref<32x1000000xf32, #tpu.memory_space<hbm>> -> memref<32x128xf32, #tpu.memory_space<hbm>>
      tpu.enqueue_dma source(%dma_start3A_865 : memref<32x128xf32, #tpu.memory_space<hbm>>) target(%arg30 : memref<32x128xf32, #tpu.memory_space<vmem>>) target_semaphore(%arg42 : memref<!tpu.dma_semaphore, #tpu.memory_space<semaphore_mem>>)
      %mul3A_866 = arith.constant 16 : i32
      %mul3A_867 = arith.muli %scan3A_167, %mul3A_866 : i32
      %add3A_868 = arith.constant 11 : i32
      %add3A_869 = arith.addi %mul3A_867, %add3A_868 : i32
      %and3A_870 = arith.constant 127 : i32
      %and3A_871 = arith.andi %squeeze3A_789, %and3A_870 : i32
      %and3A_872 = arith.constant 127 : i32
      %and3A_873 = arith.andi %squeeze3A_791, %and3A_872 : i32
      %slice3A_874 = vector.extract_strided_slice %get3A_202 {offsets = [12], sizes = [1], strides = [1]} : vector<16xi32> to vector<1xi32>
      %squeeze3A_875 = vector.extract %slice3A_874[0] : i32 from vector<1xi32>
      %slice3A_876 = vector.extract_strided_slice %get3A_205 {offsets = [12], sizes = [1], strides = [1]} : vector<16xi32> to vector<1xi32>
      %squeeze3A_877 = vector.extract %slice3A_876[0] : i32 from vector<1xi32>
      %dma_wait3A_878 = arith.constant 0 : i32
      %dma_wait3A_879 = arith.constant 0 : i32
      %dma_wait3A_880 = tpu.memref_slice %arg4[%dma_wait3A_878, %dma_wait3A_879] : memref<32x1000000xf32, #tpu.memory_space<hbm>> -> memref<32x128xf32, #tpu.memory_space<hbm>>
      %dma_wait3A_881 = arith.constant 0 : i32
      %dma_wait3A_882 = arith.constant 0 : i32
      %dma_wait3A_883 = tpu.memref_slice %arg4[%dma_wait3A_881, %dma_wait3A_882] : memref<32x1000000xf32, #tpu.memory_space<hbm>> -> memref<32x128xf32, #tpu.memory_space<hbm>>
      tpu.wait_dma2 semaphore(%arg31 : memref<!tpu.dma_semaphore, #tpu.memory_space<semaphore_mem>>) src(%dma_wait3A_883 : memref<32x128xf32, #tpu.memory_space<hbm>>) dst(%arg19 : memref<32x128xf32, #tpu.memory_space<vmem>>)
      %broadcast_in_dim3A_884 = arith.constant 0 : i32
      %broadcast_in_dim3A_885 = vector.broadcast %broadcast_in_dim3A_884 : i32 to vector<16xi32>
      %add3A_886 = vector.broadcast %and3A_441 : i32 to vector<16xi32>
      %add3A_887 = arith.addi %broadcast_in_dim3A_885, %add3A_886 : vector<16xi32>
      %add3A_888 = arith.constant 0 : i32
      %add3A_889 = vector.broadcast %add3A_888 : i32 to vector<16xi32>
      %add3A_890 = arith.addi %iota3A, %add3A_889 : vector<16xi32>
      %gather3A_891 = tpu.vector_load_idx %arg19[%add3A_890, %add3A_887] : memref<32x128xf32, #tpu.memory_space<vmem>>[vector<16xi32>, vector<16xi32>], vector<16xf32>,
      %mul3A_892 = arith.constant 32 : i32
      %mul3A_893 = arith.muli %add3A_439, %mul3A_892 : i32
      %add3A_894 = arith.constant 0 : i32
      %add3A_895 = arith.addi %mul3A_893, %add3A_894 : i32
      %swap3A_896 = arith.index_cast %add3A_895 : i32 to index
      %swap3A_897 = tpu.vector_load %arg12[%swap3A_896] {strides = array<i32>} : memref<16384xf32, #tpu.memory_space<vmem>>, vector<16xf32>,
      tpu.vector_store %arg12[%swap3A_896], %gather3A_891 {strides = array<i32>} : memref<16384xf32, #tpu.memory_space<vmem>>, vector<16xf32>,
      %add3A_898 = arith.constant 16 : i32
      %add3A_899 = vector.broadcast %add3A_898 : i32 to vector<16xi32>
      %add3A_900 = arith.addi %iota3A, %add3A_899 : vector<16xi32>
      %gather3A_901 = tpu.vector_load_idx %arg19[%add3A_900, %add3A_887] : memref<32x128xf32, #tpu.memory_space<vmem>>[vector<16xi32>, vector<16xi32>], vector<16xf32>,
      %mul3A_902 = arith.constant 32 : i32
      %mul3A_903 = arith.muli %add3A_439, %mul3A_902 : i32
      %add3A_904 = arith.constant 16 : i32
      %add3A_905 = arith.addi %mul3A_903, %add3A_904 : i32
      %swap3A_906 = arith.index_cast %add3A_905 : i32 to index
      %swap3A_907 = tpu.vector_load %arg12[%swap3A_906] {strides = array<i32>} : memref<16384xf32, #tpu.memory_space<vmem>>, vector<16xf32>,
      tpu.vector_store %arg12[%swap3A_906], %gather3A_901 {strides = array<i32>} : memref<16384xf32, #tpu.memory_space<vmem>>, vector<16xf32>,
      %dma_wait3A_908 = arith.constant 0 : i32
      %dma_wait3A_909 = arith.constant 0 : i32
      %dma_wait3A_910 = tpu.memref_slice %arg5[%dma_wait3A_908, %dma_wait3A_909] : memref<32x1000000xf32, #tpu.memory_space<hbm>> -> memref<32x128xf32, #tpu.memory_space<hbm>>
      %dma_wait3A_911 = arith.constant 0 : i32
      %dma_wait3A_912 = arith.constant 0 : i32
      %dma_wait3A_913 = tpu.memref_slice %arg5[%dma_wait3A_911, %dma_wait3A_912] : memref<32x1000000xf32, #tpu.memory_space<hbm>> -> memref<32x128xf32, #tpu.memory_space<hbm>>
      tpu.wait_dma2 semaphore(%arg37 : memref<!tpu.dma_semaphore, #tpu.memory_space<semaphore_mem>>) src(%dma_wait3A_913 : memref<32x128xf32, #tpu.memory_space<hbm>>) dst(%arg25 : memref<32x128xf32, #tpu.memory_space<vmem>>)
      %broadcast_in_dim3A_914 = arith.constant 0 : i32
      %broadcast_in_dim3A_915 = vector.broadcast %broadcast_in_dim3A_914 : i32 to vector<16xi32>
      %add3A_916 = vector.broadcast %and3A_443 : i32 to vector<16xi32>
      %add3A_917 = arith.addi %broadcast_in_dim3A_915, %add3A_916 : vector<16xi32>
      %add3A_918 = arith.constant 0 : i32
      %add3A_919 = vector.broadcast %add3A_918 : i32 to vector<16xi32>
      %add3A_920 = arith.addi %iota3A, %add3A_919 : vector<16xi32>
      %gather3A_921 = tpu.vector_load_idx %arg25[%add3A_920, %add3A_917] : memref<32x128xf32, #tpu.memory_space<vmem>>[vector<16xi32>, vector<16xi32>], vector<16xf32>,
      %mul3A_922 = arith.constant 32 : i32
      %mul3A_923 = arith.muli %add3A_439, %mul3A_922 : i32
      %add3A_924 = arith.constant 0 : i32
      %add3A_925 = arith.addi %mul3A_923, %add3A_924 : i32
      %swap3A_926 = arith.index_cast %add3A_925 : i32 to index
      %swap3A_927 = tpu.vector_load %arg13[%swap3A_926] {strides = array<i32>} : memref<16384xf32, #tpu.memory_space<vmem>>, vector<16xf32>,
      tpu.vector_store %arg13[%swap3A_926], %gather3A_921 {strides = array<i32>} : memref<16384xf32, #tpu.memory_space<vmem>>, vector<16xf32>,
      %add3A_928 = arith.constant 16 : i32
      %add3A_929 = vector.broadcast %add3A_928 : i32 to vector<16xi32>
      %add3A_930 = arith.addi %iota3A, %add3A_929 : vector<16xi32>
      %gather3A_931 = tpu.vector_load_idx %arg25[%add3A_930, %add3A_917] : memref<32x128xf32, #tpu.memory_space<vmem>>[vector<16xi32>, vector<16xi32>], vector<16xf32>,
      %mul3A_932 = arith.constant 32 : i32
      %mul3A_933 = arith.muli %add3A_439, %mul3A_932 : i32
      %add3A_934 = arith.constant 16 : i32
      %add3A_935 = arith.addi %mul3A_933, %add3A_934 : i32
      %swap3A_936 = arith.index_cast %add3A_935 : i32 to index
      %swap3A_937 = tpu.vector_load %arg13[%swap3A_936] {strides = array<i32>} : memref<16384xf32, #tpu.memory_space<vmem>>, vector<16xf32>,
      tpu.vector_store %arg13[%swap3A_936], %gather3A_931 {strides = array<i32>} : memref<16384xf32, #tpu.memory_space<vmem>>, vector<16xf32>,
      %and3A_938 = arith.constant -128 : i32
      %and3A_939 = arith.andi %squeeze3A_875, %and3A_938 : i32
      %multiple_of3A_940 = tpu.assume_multiple %and3A_939, 128 : i32
      %and3A_941 = arith.constant -128 : i32
      %and3A_942 = arith.andi %squeeze3A_877, %and3A_941 : i32
      %multiple_of3A_943 = tpu.assume_multiple %and3A_942, 128 : i32
      %dma_start3A_944 = arith.constant 0 : i32
      %dma_start3A_945 = tpu.memref_slice %arg4[%dma_start3A_944, %multiple_of3A_940] : memref<32x1000000xf32, #tpu.memory_space<hbm>> -> memref<32x128xf32, #tpu.memory_space<hbm>>
      %dma_start3A_946 = arith.constant 0 : i32
      %dma_start3A_947 = tpu.memref_slice %arg4[%dma_start3A_946, %multiple_of3A_940] : memref<32x1000000xf32, #tpu.memory_space<hbm>> -> memref<32x128xf32, #tpu.memory_space<hbm>>
      tpu.enqueue_dma source(%dma_start3A_947 : memref<32x128xf32, #tpu.memory_space<hbm>>) target(%arg19 : memref<32x128xf32, #tpu.memory_space<vmem>>) target_semaphore(%arg31 : memref<!tpu.dma_semaphore, #tpu.memory_space<semaphore_mem>>)
      %dma_start3A_948 = arith.constant 0 : i32
      %dma_start3A_949 = tpu.memref_slice %arg5[%dma_start3A_948, %multiple_of3A_943] : memref<32x1000000xf32, #tpu.memory_space<hbm>> -> memref<32x128xf32, #tpu.memory_space<hbm>>
      %dma_start3A_950 = arith.constant 0 : i32
      %dma_start3A_951 = tpu.memref_slice %arg5[%dma_start3A_950, %multiple_of3A_943] : memref<32x1000000xf32, #tpu.memory_space<hbm>> -> memref<32x128xf32, #tpu.memory_space<hbm>>
      tpu.enqueue_dma source(%dma_start3A_951 : memref<32x128xf32, #tpu.memory_space<hbm>>) target(%arg25 : memref<32x128xf32, #tpu.memory_space<vmem>>) target_semaphore(%arg37 : memref<!tpu.dma_semaphore, #tpu.memory_space<semaphore_mem>>)
      %mul3A_952 = arith.constant 16 : i32
      %mul3A_953 = arith.muli %scan3A_167, %mul3A_952 : i32
      %add3A_954 = arith.constant 12 : i32
      %add3A_955 = arith.addi %mul3A_953, %add3A_954 : i32
      %and3A_956 = arith.constant 127 : i32
      %and3A_957 = arith.andi %squeeze3A_875, %and3A_956 : i32
      %and3A_958 = arith.constant 127 : i32
      %and3A_959 = arith.andi %squeeze3A_877, %and3A_958 : i32
      %slice3A_960 = vector.extract_strided_slice %get3A_202 {offsets = [13], sizes = [1], strides = [1]} : vector<16xi32> to vector<1xi32>
      %squeeze3A_961 = vector.extract %slice3A_960[0] : i32 from vector<1xi32>
      %slice3A_962 = vector.extract_strided_slice %get3A_205 {offsets = [13], sizes = [1], strides = [1]} : vector<16xi32> to vector<1xi32>
      %squeeze3A_963 = vector.extract %slice3A_962[0] : i32 from vector<1xi32>
      %dma_wait3A_964 = arith.constant 0 : i32
      %dma_wait3A_965 = arith.constant 0 : i32
      %dma_wait3A_966 = tpu.memref_slice %arg4[%dma_wait3A_964, %dma_wait3A_965] : memref<32x1000000xf32, #tpu.memory_space<hbm>> -> memref<32x128xf32, #tpu.memory_space<hbm>>
      %dma_wait3A_967 = arith.constant 0 : i32
      %dma_wait3A_968 = arith.constant 0 : i32
      %dma_wait3A_969 = tpu.memref_slice %arg4[%dma_wait3A_967, %dma_wait3A_968] : memref<32x1000000xf32, #tpu.memory_space<hbm>> -> memref<32x128xf32, #tpu.memory_space<hbm>>
      tpu.wait_dma2 semaphore(%arg32 : memref<!tpu.dma_semaphore, #tpu.memory_space<semaphore_mem>>) src(%dma_wait3A_969 : memref<32x128xf32, #tpu.memory_space<hbm>>) dst(%arg20 : memref<32x128xf32, #tpu.memory_space<vmem>>)
      %broadcast_in_dim3A_970 = arith.constant 0 : i32
      %broadcast_in_dim3A_971 = vector.broadcast %broadcast_in_dim3A_970 : i32 to vector<16xi32>
      %add3A_972 = vector.broadcast %and3A_527 : i32 to vector<16xi32>
      %add3A_973 = arith.addi %broadcast_in_dim3A_971, %add3A_972 : vector<16xi32>
      %add3A_974 = arith.constant 0 : i32
      %add3A_975 = vector.broadcast %add3A_974 : i32 to vector<16xi32>
      %add3A_976 = arith.addi %iota3A, %add3A_975 : vector<16xi32>
      %gather3A_977 = tpu.vector_load_idx %arg20[%add3A_976, %add3A_973] : memref<32x128xf32, #tpu.memory_space<vmem>>[vector<16xi32>, vector<16xi32>], vector<16xf32>,
      %mul3A_978 = arith.constant 32 : i32
      %mul3A_979 = arith.muli %add3A_525, %mul3A_978 : i32
      %add3A_980 = arith.constant 0 : i32
      %add3A_981 = arith.addi %mul3A_979, %add3A_980 : i32
      %swap3A_982 = arith.index_cast %add3A_981 : i32 to index
      %swap3A_983 = tpu.vector_load %arg12[%swap3A_982] {strides = array<i32>} : memref<16384xf32, #tpu.memory_space<vmem>>, vector<16xf32>,
      tpu.vector_store %arg12[%swap3A_982], %gather3A_977 {strides = array<i32>} : memref<16384xf32, #tpu.memory_space<vmem>>, vector<16xf32>,
      %add3A_984 = arith.constant 16 : i32
      %add3A_985 = vector.broadcast %add3A_984 : i32 to vector<16xi32>
      %add3A_986 = arith.addi %iota3A, %add3A_985 : vector<16xi32>
      %gather3A_987 = tpu.vector_load_idx %arg20[%add3A_986, %add3A_973] : memref<32x128xf32, #tpu.memory_space<vmem>>[vector<16xi32>, vector<16xi32>], vector<16xf32>,
      %mul3A_988 = arith.constant 32 : i32
      %mul3A_989 = arith.muli %add3A_525, %mul3A_988 : i32
      %add3A_990 = arith.constant 16 : i32
      %add3A_991 = arith.addi %mul3A_989, %add3A_990 : i32
      %swap3A_992 = arith.index_cast %add3A_991 : i32 to index
      %swap3A_993 = tpu.vector_load %arg12[%swap3A_992] {strides = array<i32>} : memref<16384xf32, #tpu.memory_space<vmem>>, vector<16xf32>,
      tpu.vector_store %arg12[%swap3A_992], %gather3A_987 {strides = array<i32>} : memref<16384xf32, #tpu.memory_space<vmem>>, vector<16xf32>,
      %dma_wait3A_994 = arith.constant 0 : i32
      %dma_wait3A_995 = arith.constant 0 : i32
      %dma_wait3A_996 = tpu.memref_slice %arg5[%dma_wait3A_994, %dma_wait3A_995] : memref<32x1000000xf32, #tpu.memory_space<hbm>> -> memref<32x128xf32, #tpu.memory_space<hbm>>
      %dma_wait3A_997 = arith.constant 0 : i32
      %dma_wait3A_998 = arith.constant 0 : i32
      %dma_wait3A_999 = tpu.memref_slice %arg5[%dma_wait3A_997, %dma_wait3A_998] : memref<32x1000000xf32, #tpu.memory_space<hbm>> -> memref<32x128xf32, #tpu.memory_space<hbm>>
      tpu.wait_dma2 semaphore(%arg38 : memref<!tpu.dma_semaphore, #tpu.memory_space<semaphore_mem>>) src(%dma_wait3A_999 : memref<32x128xf32, #tpu.memory_space<hbm>>) dst(%arg26 : memref<32x128xf32, #tpu.memory_space<vmem>>)
      %broadcast_in_dim3A_1000 = arith.constant 0 : i32
      %broadcast_in_dim3A_1001 = vector.broadcast %broadcast_in_dim3A_1000 : i32 to vector<16xi32>
      %add3A_1002 = vector.broadcast %and3A_529 : i32 to vector<16xi32>
      %add3A_1003 = arith.addi %broadcast_in_dim3A_1001, %add3A_1002 : vector<16xi32>
      %add3A_1004 = arith.constant 0 : i32
      %add3A_1005 = vector.broadcast %add3A_1004 : i32 to vector<16xi32>
      %add3A_1006 = arith.addi %iota3A, %add3A_1005 : vector<16xi32>
      %gather3A_1007 = tpu.vector_load_idx %arg26[%add3A_1006, %add3A_1003] : memref<32x128xf32, #tpu.memory_space<vmem>>[vector<16xi32>, vector<16xi32>], vector<16xf32>,
      %mul3A_1008 = arith.constant 32 : i32
      %mul3A_1009 = arith.muli %add3A_525, %mul3A_1008 : i32
      %add3A_1010 = arith.constant 0 : i32
      %add3A_1011 = arith.addi %mul3A_1009, %add3A_1010 : i32
      %swap3A_1012 = arith.index_cast %add3A_1011 : i32 to index
      %swap3A_1013 = tpu.vector_load %arg13[%swap3A_1012] {strides = array<i32>} : memref<16384xf32, #tpu.memory_space<vmem>>, vector<16xf32>,
      tpu.vector_store %arg13[%swap3A_1012], %gather3A_1007 {strides = array<i32>} : memref<16384xf32, #tpu.memory_space<vmem>>, vector<16xf32>,
      %add3A_1014 = arith.constant 16 : i32
      %add3A_1015 = vector.broadcast %add3A_1014 : i32 to vector<16xi32>
      %add3A_1016 = arith.addi %iota3A, %add3A_1015 : vector<16xi32>
      %gather3A_1017 = tpu.vector_load_idx %arg26[%add3A_1016, %add3A_1003] : memref<32x128xf32, #tpu.memory_space<vmem>>[vector<16xi32>, vector<16xi32>], vector<16xf32>,
      %mul3A_1018 = arith.constant 32 : i32
      %mul3A_1019 = arith.muli %add3A_525, %mul3A_1018 : i32
      %add3A_1020 = arith.constant 16 : i32
      %add3A_1021 = arith.addi %mul3A_1019, %add3A_1020 : i32
      %swap3A_1022 = arith.index_cast %add3A_1021 : i32 to index
      %swap3A_1023 = tpu.vector_load %arg13[%swap3A_1022] {strides = array<i32>} : memref<16384xf32, #tpu.memory_space<vmem>>, vector<16xf32>,
      tpu.vector_store %arg13[%swap3A_1022], %gather3A_1017 {strides = array<i32>} : memref<16384xf32, #tpu.memory_space<vmem>>, vector<16xf32>,
      %and3A_1024 = arith.constant -128 : i32
      %and3A_1025 = arith.andi %squeeze3A_961, %and3A_1024 : i32
      %multiple_of3A_1026 = tpu.assume_multiple %and3A_1025, 128 : i32
      %and3A_1027 = arith.constant -128 : i32
      %and3A_1028 = arith.andi %squeeze3A_963, %and3A_1027 : i32
      %multiple_of3A_1029 = tpu.assume_multiple %and3A_1028, 128 : i32
      %dma_start3A_1030 = arith.constant 0 : i32
      %dma_start3A_1031 = tpu.memref_slice %arg4[%dma_start3A_1030, %multiple_of3A_1026] : memref<32x1000000xf32, #tpu.memory_space<hbm>> -> memref<32x128xf32, #tpu.memory_space<hbm>>
      %dma_start3A_1032 = arith.constant 0 : i32
      %dma_start3A_1033 = tpu.memref_slice %arg4[%dma_start3A_1032, %multiple_of3A_1026] : memref<32x1000000xf32, #tpu.memory_space<hbm>> -> memref<32x128xf32, #tpu.memory_space<hbm>>
      tpu.enqueue_dma source(%dma_start3A_1033 : memref<32x128xf32, #tpu.memory_space<hbm>>) target(%arg20 : memref<32x128xf32, #tpu.memory_space<vmem>>) target_semaphore(%arg32 : memref<!tpu.dma_semaphore, #tpu.memory_space<semaphore_mem>>)
      %dma_start3A_1034 = arith.constant 0 : i32
      %dma_start3A_1035 = tpu.memref_slice %arg5[%dma_start3A_1034, %multiple_of3A_1029] : memref<32x1000000xf32, #tpu.memory_space<hbm>> -> memref<32x128xf32, #tpu.memory_space<hbm>>
      %dma_start3A_1036 = arith.constant 0 : i32
      %dma_start3A_1037 = tpu.memref_slice %arg5[%dma_start3A_1036, %multiple_of3A_1029] : memref<32x1000000xf32, #tpu.memory_space<hbm>> -> memref<32x128xf32, #tpu.memory_space<hbm>>
      tpu.enqueue_dma source(%dma_start3A_1037 : memref<32x128xf32, #tpu.memory_space<hbm>>) target(%arg26 : memref<32x128xf32, #tpu.memory_space<vmem>>) target_semaphore(%arg38 : memref<!tpu.dma_semaphore, #tpu.memory_space<semaphore_mem>>)
      %mul3A_1038 = arith.constant 16 : i32
      %mul3A_1039 = arith.muli %scan3A_167, %mul3A_1038 : i32
      %add3A_1040 = arith.constant 13 : i32
      %add3A_1041 = arith.addi %mul3A_1039, %add3A_1040 : i32
      %and3A_1042 = arith.constant 127 : i32
      %and3A_1043 = arith.andi %squeeze3A_961, %and3A_1042 : i32
      %and3A_1044 = arith.constant 127 : i32
      %and3A_1045 = arith.andi %squeeze3A_963, %and3A_1044 : i32
      %slice3A_1046 = vector.extract_strided_slice %get3A_202 {offsets = [14], sizes = [1], strides = [1]} : vector<16xi32> to vector<1xi32>
      %squeeze3A_1047 = vector.extract %slice3A_1046[0] : i32 from vector<1xi32>
      %slice3A_1048 = vector.extract_strided_slice %get3A_205 {offsets = [14], sizes = [1], strides = [1]} : vector<16xi32> to vector<1xi32>
      %squeeze3A_1049 = vector.extract %slice3A_1048[0] : i32 from vector<1xi32>
      %dma_wait3A_1050 = arith.constant 0 : i32
      %dma_wait3A_1051 = arith.constant 0 : i32
      %dma_wait3A_1052 = tpu.memref_slice %arg4[%dma_wait3A_1050, %dma_wait3A_1051] : memref<32x1000000xf32, #tpu.memory_space<hbm>> -> memref<32x128xf32, #tpu.memory_space<hbm>>
      %dma_wait3A_1053 = arith.constant 0 : i32
      %dma_wait3A_1054 = arith.constant 0 : i32
      %dma_wait3A_1055 = tpu.memref_slice %arg4[%dma_wait3A_1053, %dma_wait3A_1054] : memref<32x1000000xf32, #tpu.memory_space<hbm>> -> memref<32x128xf32, #tpu.memory_space<hbm>>
      tpu.wait_dma2 semaphore(%arg33 : memref<!tpu.dma_semaphore, #tpu.memory_space<semaphore_mem>>) src(%dma_wait3A_1055 : memref<32x128xf32, #tpu.memory_space<hbm>>) dst(%arg21 : memref<32x128xf32, #tpu.memory_space<vmem>>)
      %broadcast_in_dim3A_1056 = arith.constant 0 : i32
      %broadcast_in_dim3A_1057 = vector.broadcast %broadcast_in_dim3A_1056 : i32 to vector<16xi32>
      %add3A_1058 = vector.broadcast %and3A_613 : i32 to vector<16xi32>
      %add3A_1059 = arith.addi %broadcast_in_dim3A_1057, %add3A_1058 : vector<16xi32>
      %add3A_1060 = arith.constant 0 : i32
      %add3A_1061 = vector.broadcast %add3A_1060 : i32 to vector<16xi32>
      %add3A_1062 = arith.addi %iota3A, %add3A_1061 : vector<16xi32>
      %gather3A_1063 = tpu.vector_load_idx %arg21[%add3A_1062, %add3A_1059] : memref<32x128xf32, #tpu.memory_space<vmem>>[vector<16xi32>, vector<16xi32>], vector<16xf32>,
      %mul3A_1064 = arith.constant 32 : i32
      %mul3A_1065 = arith.muli %add3A_611, %mul3A_1064 : i32
      %add3A_1066 = arith.constant 0 : i32
      %add3A_1067 = arith.addi %mul3A_1065, %add3A_1066 : i32
      %swap3A_1068 = arith.index_cast %add3A_1067 : i32 to index
      %swap3A_1069 = tpu.vector_load %arg12[%swap3A_1068] {strides = array<i32>} : memref<16384xf32, #tpu.memory_space<vmem>>, vector<16xf32>,
      tpu.vector_store %arg12[%swap3A_1068], %gather3A_1063 {strides = array<i32>} : memref<16384xf32, #tpu.memory_space<vmem>>, vector<16xf32>,
      %add3A_1070 = arith.constant 16 : i32
      %add3A_1071 = vector.broadcast %add3A_1070 : i32 to vector<16xi32>
      %add3A_1072 = arith.addi %iota3A, %add3A_1071 : vector<16xi32>
      %gather3A_1073 = tpu.vector_load_idx %arg21[%add3A_1072, %add3A_1059] : memref<32x128xf32, #tpu.memory_space<vmem>>[vector<16xi32>, vector<16xi32>], vector<16xf32>,
      %mul3A_1074 = arith.constant 32 : i32
      %mul3A_1075 = arith.muli %add3A_611, %mul3A_1074 : i32
      %add3A_1076 = arith.constant 16 : i32
      %add3A_1077 = arith.addi %mul3A_1075, %add3A_1076 : i32
      %swap3A_1078 = arith.index_cast %add3A_1077 : i32 to index
      %swap3A_1079 = tpu.vector_load %arg12[%swap3A_1078] {strides = array<i32>} : memref<16384xf32, #tpu.memory_space<vmem>>, vector<16xf32>,
      tpu.vector_store %arg12[%swap3A_1078], %gather3A_1073 {strides = array<i32>} : memref<16384xf32, #tpu.memory_space<vmem>>, vector<16xf32>,
      %dma_wait3A_1080 = arith.constant 0 : i32
      %dma_wait3A_1081 = arith.constant 0 : i32
      %dma_wait3A_1082 = tpu.memref_slice %arg5[%dma_wait3A_1080, %dma_wait3A_1081] : memref<32x1000000xf32, #tpu.memory_space<hbm>> -> memref<32x128xf32, #tpu.memory_space<hbm>>
      %dma_wait3A_1083 = arith.constant 0 : i32
      %dma_wait3A_1084 = arith.constant 0 : i32
      %dma_wait3A_1085 = tpu.memref_slice %arg5[%dma_wait3A_1083, %dma_wait3A_1084] : memref<32x1000000xf32, #tpu.memory_space<hbm>> -> memref<32x128xf32, #tpu.memory_space<hbm>>
      tpu.wait_dma2 semaphore(%arg39 : memref<!tpu.dma_semaphore, #tpu.memory_space<semaphore_mem>>) src(%dma_wait3A_1085 : memref<32x128xf32, #tpu.memory_space<hbm>>) dst(%arg27 : memref<32x128xf32, #tpu.memory_space<vmem>>)
      %broadcast_in_dim3A_1086 = arith.constant 0 : i32
      %broadcast_in_dim3A_1087 = vector.broadcast %broadcast_in_dim3A_1086 : i32 to vector<16xi32>
      %add3A_1088 = vector.broadcast %and3A_615 : i32 to vector<16xi32>
      %add3A_1089 = arith.addi %broadcast_in_dim3A_1087, %add3A_1088 : vector<16xi32>
      %add3A_1090 = arith.constant 0 : i32
      %add3A_1091 = vector.broadcast %add3A_1090 : i32 to vector<16xi32>
      %add3A_1092 = arith.addi %iota3A, %add3A_1091 : vector<16xi32>
      %gather3A_1093 = tpu.vector_load_idx %arg27[%add3A_1092, %add3A_1089] : memref<32x128xf32, #tpu.memory_space<vmem>>[vector<16xi32>, vector<16xi32>], vector<16xf32>,
      %mul3A_1094 = arith.constant 32 : i32
      %mul3A_1095 = arith.muli %add3A_611, %mul3A_1094 : i32
      %add3A_1096 = arith.constant 0 : i32
      %add3A_1097 = arith.addi %mul3A_1095, %add3A_1096 : i32
      %swap3A_1098 = arith.index_cast %add3A_1097 : i32 to index
      %swap3A_1099 = tpu.vector_load %arg13[%swap3A_1098] {strides = array<i32>} : memref<16384xf32, #tpu.memory_space<vmem>>, vector<16xf32>,
      tpu.vector_store %arg13[%swap3A_1098], %gather3A_1093 {strides = array<i32>} : memref<16384xf32, #tpu.memory_space<vmem>>, vector<16xf32>,
      %add3A_1100 = arith.constant 16 : i32
      %add3A_1101 = vector.broadcast %add3A_1100 : i32 to vector<16xi32>
      %add3A_1102 = arith.addi %iota3A, %add3A_1101 : vector<16xi32>
      %gather3A_1103 = tpu.vector_load_idx %arg27[%add3A_1102, %add3A_1089] : memref<32x128xf32, #tpu.memory_space<vmem>>[vector<16xi32>, vector<16xi32>], vector<16xf32>,
      %mul3A_1104 = arith.constant 32 : i32
      %mul3A_1105 = arith.muli %add3A_611, %mul3A_1104 : i32
      %add3A_1106 = arith.constant 16 : i32
      %add3A_1107 = arith.addi %mul3A_1105, %add3A_1106 : i32
      %swap3A_1108 = arith.index_cast %add3A_1107 : i32 to index
      %swap3A_1109 = tpu.vector_load %arg13[%swap3A_1108] {strides = array<i32>} : memref<16384xf32, #tpu.memory_space<vmem>>, vector<16xf32>,
      tpu.vector_store %arg13[%swap3A_1108], %gather3A_1103 {strides = array<i32>} : memref<16384xf32, #tpu.memory_space<vmem>>, vector<16xf32>,
      %and3A_1110 = arith.constant -128 : i32
      %and3A_1111 = arith.andi %squeeze3A_1047, %and3A_1110 : i32
      %multiple_of3A_1112 = tpu.assume_multiple %and3A_1111, 128 : i32
      %and3A_1113 = arith.constant -128 : i32
      %and3A_1114 = arith.andi %squeeze3A_1049, %and3A_1113 : i32
      %multiple_of3A_1115 = tpu.assume_multiple %and3A_1114, 128 : i32
      %dma_start3A_1116 = arith.constant 0 : i32
      %dma_start3A_1117 = tpu.memref_slice %arg4[%dma_start3A_1116, %multiple_of3A_1112] : memref<32x1000000xf32, #tpu.memory_space<hbm>> -> memref<32x128xf32, #tpu.memory_space<hbm>>
      %dma_start3A_1118 = arith.constant 0 : i32
      %dma_start3A_1119 = tpu.memref_slice %arg4[%dma_start3A_1118, %multiple_of3A_1112] : memref<32x1000000xf32, #tpu.memory_space<hbm>> -> memref<32x128xf32, #tpu.memory_space<hbm>>
      tpu.enqueue_dma source(%dma_start3A_1119 : memref<32x128xf32, #tpu.memory_space<hbm>>) target(%arg21 : memref<32x128xf32, #tpu.memory_space<vmem>>) target_semaphore(%arg33 : memref<!tpu.dma_semaphore, #tpu.memory_space<semaphore_mem>>)
      %dma_start3A_1120 = arith.constant 0 : i32
      %dma_start3A_1121 = tpu.memref_slice %arg5[%dma_start3A_1120, %multiple_of3A_1115] : memref<32x1000000xf32, #tpu.memory_space<hbm>> -> memref<32x128xf32, #tpu.memory_space<hbm>>
      %dma_start3A_1122 = arith.constant 0 : i32
      %dma_start3A_1123 = tpu.memref_slice %arg5[%dma_start3A_1122, %multiple_of3A_1115] : memref<32x1000000xf32, #tpu.memory_space<hbm>> -> memref<32x128xf32, #tpu.memory_space<hbm>>
      tpu.enqueue_dma source(%dma_start3A_1123 : memref<32x128xf32, #tpu.memory_space<hbm>>) target(%arg27 : memref<32x128xf32, #tpu.memory_space<vmem>>) target_semaphore(%arg39 : memref<!tpu.dma_semaphore, #tpu.memory_space<semaphore_mem>>)
      %mul3A_1124 = arith.constant 16 : i32
      %mul3A_1125 = arith.muli %scan3A_167, %mul3A_1124 : i32
      %add3A_1126 = arith.constant 14 : i32
      %add3A_1127 = arith.addi %mul3A_1125, %add3A_1126 : i32
      %and3A_1128 = arith.constant 127 : i32
      %and3A_1129 = arith.andi %squeeze3A_1047, %and3A_1128 : i32
      %and3A_1130 = arith.constant 127 : i32
      %and3A_1131 = arith.andi %squeeze3A_1049, %and3A_1130 : i32
      %slice3A_1132 = vector.extract_strided_slice %get3A_202 {offsets = [15], sizes = [1], strides = [1]} : vector<16xi32> to vector<1xi32>
      %squeeze3A_1133 = vector.extract %slice3A_1132[0] : i32 from vector<1xi32>
      %slice3A_1134 = vector.extract_strided_slice %get3A_205 {offsets = [15], sizes = [1], strides = [1]} : vector<16xi32> to vector<1xi32>
      %squeeze3A_1135 = vector.extract %slice3A_1134[0] : i32 from vector<1xi32>
      %dma_wait3A_1136 = arith.constant 0 : i32
      %dma_wait3A_1137 = arith.constant 0 : i32
      %dma_wait3A_1138 = tpu.memref_slice %arg4[%dma_wait3A_1136, %dma_wait3A_1137] : memref<32x1000000xf32, #tpu.memory_space<hbm>> -> memref<32x128xf32, #tpu.memory_space<hbm>>
      %dma_wait3A_1139 = arith.constant 0 : i32
      %dma_wait3A_1140 = arith.constant 0 : i32
      %dma_wait3A_1141 = tpu.memref_slice %arg4[%dma_wait3A_1139, %dma_wait3A_1140] : memref<32x1000000xf32, #tpu.memory_space<hbm>> -> memref<32x128xf32, #tpu.memory_space<hbm>>
      tpu.wait_dma2 semaphore(%arg34 : memref<!tpu.dma_semaphore, #tpu.memory_space<semaphore_mem>>) src(%dma_wait3A_1141 : memref<32x128xf32, #tpu.memory_space<hbm>>) dst(%arg22 : memref<32x128xf32, #tpu.memory_space<vmem>>)
      %broadcast_in_dim3A_1142 = arith.constant 0 : i32
      %broadcast_in_dim3A_1143 = vector.broadcast %broadcast_in_dim3A_1142 : i32 to vector<16xi32>
      %add3A_1144 = vector.broadcast %and3A_699 : i32 to vector<16xi32>
      %add3A_1145 = arith.addi %broadcast_in_dim3A_1143, %add3A_1144 : vector<16xi32>
      %add3A_1146 = arith.constant 0 : i32
      %add3A_1147 = vector.broadcast %add3A_1146 : i32 to vector<16xi32>
      %add3A_1148 = arith.addi %iota3A, %add3A_1147 : vector<16xi32>
      %gather3A_1149 = tpu.vector_load_idx %arg22[%add3A_1148, %add3A_1145] : memref<32x128xf32, #tpu.memory_space<vmem>>[vector<16xi32>, vector<16xi32>], vector<16xf32>,
      %mul3A_1150 = arith.constant 32 : i32
      %mul3A_1151 = arith.muli %add3A_697, %mul3A_1150 : i32
      %add3A_1152 = arith.constant 0 : i32
      %add3A_1153 = arith.addi %mul3A_1151, %add3A_1152 : i32
      %swap3A_1154 = arith.index_cast %add3A_1153 : i32 to index
      %swap3A_1155 = tpu.vector_load %arg12[%swap3A_1154] {strides = array<i32>} : memref<16384xf32, #tpu.memory_space<vmem>>, vector<16xf32>,
      tpu.vector_store %arg12[%swap3A_1154], %gather3A_1149 {strides = array<i32>} : memref<16384xf32, #tpu.memory_space<vmem>>, vector<16xf32>,
      %add3A_1156 = arith.constant 16 : i32
      %add3A_1157 = vector.broadcast %add3A_1156 : i32 to vector<16xi32>
      %add3A_1158 = arith.addi %iota3A, %add3A_1157 : vector<16xi32>
      %gather3A_1159 = tpu.vector_load_idx %arg22[%add3A_1158, %add3A_1145] : memref<32x128xf32, #tpu.memory_space<vmem>>[vector<16xi32>, vector<16xi32>], vector<16xf32>,
      %mul3A_1160 = arith.constant 32 : i32
      %mul3A_1161 = arith.muli %add3A_697, %mul3A_1160 : i32
      %add3A_1162 = arith.constant 16 : i32
      %add3A_1163 = arith.addi %mul3A_1161, %add3A_1162 : i32
      %swap3A_1164 = arith.index_cast %add3A_1163 : i32 to index
      %swap3A_1165 = tpu.vector_load %arg12[%swap3A_1164] {strides = array<i32>} : memref<16384xf32, #tpu.memory_space<vmem>>, vector<16xf32>,
      tpu.vector_store %arg12[%swap3A_1164], %gather3A_1159 {strides = array<i32>} : memref<16384xf32, #tpu.memory_space<vmem>>, vector<16xf32>,
      %dma_wait3A_1166 = arith.constant 0 : i32
      %dma_wait3A_1167 = arith.constant 0 : i32
      %dma_wait3A_1168 = tpu.memref_slice %arg5[%dma_wait3A_1166, %dma_wait3A_1167] : memref<32x1000000xf32, #tpu.memory_space<hbm>> -> memref<32x128xf32, #tpu.memory_space<hbm>>
      %dma_wait3A_1169 = arith.constant 0 : i32
      %dma_wait3A_1170 = arith.constant 0 : i32
      %dma_wait3A_1171 = tpu.memref_slice %arg5[%dma_wait3A_1169, %dma_wait3A_1170] : memref<32x1000000xf32, #tpu.memory_space<hbm>> -> memref<32x128xf32, #tpu.memory_space<hbm>>
      tpu.wait_dma2 semaphore(%arg40 : memref<!tpu.dma_semaphore, #tpu.memory_space<semaphore_mem>>) src(%dma_wait3A_1171 : memref<32x128xf32, #tpu.memory_space<hbm>>) dst(%arg28 : memref<32x128xf32, #tpu.memory_space<vmem>>)
      %broadcast_in_dim3A_1172 = arith.constant 0 : i32
      %broadcast_in_dim3A_1173 = vector.broadcast %broadcast_in_dim3A_1172 : i32 to vector<16xi32>
      %add3A_1174 = vector.broadcast %and3A_701 : i32 to vector<16xi32>
      %add3A_1175 = arith.addi %broadcast_in_dim3A_1173, %add3A_1174 : vector<16xi32>
      %add3A_1176 = arith.constant 0 : i32
      %add3A_1177 = vector.broadcast %add3A_1176 : i32 to vector<16xi32>
      %add3A_1178 = arith.addi %iota3A, %add3A_1177 : vector<16xi32>
      %gather3A_1179 = tpu.vector_load_idx %arg28[%add3A_1178, %add3A_1175] : memref<32x128xf32, #tpu.memory_space<vmem>>[vector<16xi32>, vector<16xi32>], vector<16xf32>,
      %mul3A_1180 = arith.constant 32 : i32
      %mul3A_1181 = arith.muli %add3A_697, %mul3A_1180 : i32
      %add3A_1182 = arith.constant 0 : i32
      %add3A_1183 = arith.addi %mul3A_1181, %add3A_1182 : i32
      %swap3A_1184 = arith.index_cast %add3A_1183 : i32 to index
      %swap3A_1185 = tpu.vector_load %arg13[%swap3A_1184] {strides = array<i32>} : memref<16384xf32, #tpu.memory_space<vmem>>, vector<16xf32>,
      tpu.vector_store %arg13[%swap3A_1184], %gather3A_1179 {strides = array<i32>} : memref<16384xf32, #tpu.memory_space<vmem>>, vector<16xf32>,
      %add3A_1186 = arith.constant 16 : i32
      %add3A_1187 = vector.broadcast %add3A_1186 : i32 to vector<16xi32>
      %add3A_1188 = arith.addi %iota3A, %add3A_1187 : vector<16xi32>
      %gather3A_1189 = tpu.vector_load_idx %arg28[%add3A_1188, %add3A_1175] : memref<32x128xf32, #tpu.memory_space<vmem>>[vector<16xi32>, vector<16xi32>], vector<16xf32>,
      %mul3A_1190 = arith.constant 32 : i32
      %mul3A_1191 = arith.muli %add3A_697, %mul3A_1190 : i32
      %add3A_1192 = arith.constant 16 : i32
      %add3A_1193 = arith.addi %mul3A_1191, %add3A_1192 : i32
      %swap3A_1194 = arith.index_cast %add3A_1193 : i32 to index
      %swap3A_1195 = tpu.vector_load %arg13[%swap3A_1194] {strides = array<i32>} : memref<16384xf32, #tpu.memory_space<vmem>>, vector<16xf32>,
      tpu.vector_store %arg13[%swap3A_1194], %gather3A_1189 {strides = array<i32>} : memref<16384xf32, #tpu.memory_space<vmem>>, vector<16xf32>,
      %and3A_1196 = arith.constant -128 : i32
      %and3A_1197 = arith.andi %squeeze3A_1133, %and3A_1196 : i32
      %multiple_of3A_1198 = tpu.assume_multiple %and3A_1197, 128 : i32
      %and3A_1199 = arith.constant -128 : i32
      %and3A_1200 = arith.andi %squeeze3A_1135, %and3A_1199 : i32
      %multiple_of3A_1201 = tpu.assume_multiple %and3A_1200, 128 : i32
      %dma_start3A_1202 = arith.constant 0 : i32
      %dma_start3A_1203 = tpu.memref_slice %arg4[%dma_start3A_1202, %multiple_of3A_1198] : memref<32x1000000xf32, #tpu.memory_space<hbm>> -> memref<32x128xf32, #tpu.memory_space<hbm>>
      %dma_start3A_1204 = arith.constant 0 : i32
      %dma_start3A_1205 = tpu.memref_slice %arg4[%dma_start3A_1204, %multiple_of3A_1198] : memref<32x1000000xf32, #tpu.memory_space<hbm>> -> memref<32x128xf32, #tpu.memory_space<hbm>>
      tpu.enqueue_dma source(%dma_start3A_1205 : memref<32x128xf32, #tpu.memory_space<hbm>>) target(%arg22 : memref<32x128xf32, #tpu.memory_space<vmem>>) target_semaphore(%arg34 : memref<!tpu.dma_semaphore, #tpu.memory_space<semaphore_mem>>)
      %dma_start3A_1206 = arith.constant 0 : i32
      %dma_start3A_1207 = tpu.memref_slice %arg5[%dma_start3A_1206, %multiple_of3A_1201] : memref<32x1000000xf32, #tpu.memory_space<hbm>> -> memref<32x128xf32, #tpu.memory_space<hbm>>
      %dma_start3A_1208 = arith.constant 0 : i32
      %dma_start3A_1209 = tpu.memref_slice %arg5[%dma_start3A_1208, %multiple_of3A_1201] : memref<32x1000000xf32, #tpu.memory_space<hbm>> -> memref<32x128xf32, #tpu.memory_space<hbm>>
      tpu.enqueue_dma source(%dma_start3A_1209 : memref<32x128xf32, #tpu.memory_space<hbm>>) target(%arg28 : memref<32x128xf32, #tpu.memory_space<vmem>>) target_semaphore(%arg40 : memref<!tpu.dma_semaphore, #tpu.memory_space<semaphore_mem>>)
      %mul3A_1210 = arith.constant 16 : i32
      %mul3A_1211 = arith.muli %scan3A_167, %mul3A_1210 : i32
      %add3A_1212 = arith.constant 15 : i32
      %add3A_1213 = arith.addi %mul3A_1211, %add3A_1212 : i32
      %and3A_1214 = arith.constant 127 : i32
      %and3A_1215 = arith.andi %squeeze3A_1133, %and3A_1214 : i32
      %and3A_1216 = arith.constant 127 : i32
      %and3A_1217 = arith.andi %squeeze3A_1135, %and3A_1216 : i32
      %dma_wait3A_1218 = arith.constant 0 : i32
      %dma_wait3A_1219 = arith.constant 0 : i32
      %dma_wait3A_1220 = tpu.memref_slice %arg4[%dma_wait3A_1218, %dma_wait3A_1219] : memref<32x1000000xf32, #tpu.memory_space<hbm>> -> memref<32x128xf32, #tpu.memory_space<hbm>>
      %dma_wait3A_1221 = arith.constant 0 : i32
      %dma_wait3A_1222 = arith.constant 0 : i32
      %dma_wait3A_1223 = tpu.memref_slice %arg4[%dma_wait3A_1221, %dma_wait3A_1222] : memref<32x1000000xf32, #tpu.memory_space<hbm>> -> memref<32x128xf32, #tpu.memory_space<hbm>>
      tpu.wait_dma2 semaphore(%arg35 : memref<!tpu.dma_semaphore, #tpu.memory_space<semaphore_mem>>) src(%dma_wait3A_1223 : memref<32x128xf32, #tpu.memory_space<hbm>>) dst(%arg23 : memref<32x128xf32, #tpu.memory_space<vmem>>)
      %broadcast_in_dim3A_1224 = arith.constant 0 : i32
      %broadcast_in_dim3A_1225 = vector.broadcast %broadcast_in_dim3A_1224 : i32 to vector<16xi32>
      %add3A_1226 = vector.broadcast %and3A_785 : i32 to vector<16xi32>
      %add3A_1227 = arith.addi %broadcast_in_dim3A_1225, %add3A_1226 : vector<16xi32>
      %add3A_1228 = arith.constant 0 : i32
      %add3A_1229 = vector.broadcast %add3A_1228 : i32 to vector<16xi32>
      %add3A_1230 = arith.addi %iota3A, %add3A_1229 : vector<16xi32>
      %gather3A_1231 = tpu.vector_load_idx %arg23[%add3A_1230, %add3A_1227] : memref<32x128xf32, #tpu.memory_space<vmem>>[vector<16xi32>, vector<16xi32>], vector<16xf32>,
      %mul3A_1232 = arith.constant 32 : i32
      %mul3A_1233 = arith.muli %add3A_783, %mul3A_1232 : i32
      %add3A_1234 = arith.constant 0 : i32
      %add3A_1235 = arith.addi %mul3A_1233, %add3A_1234 : i32
      %swap3A_1236 = arith.index_cast %add3A_1235 : i32 to index
      %swap3A_1237 = tpu.vector_load %arg12[%swap3A_1236] {strides = array<i32>} : memref<16384xf32, #tpu.memory_space<vmem>>, vector<16xf32>,
      tpu.vector_store %arg12[%swap3A_1236], %gather3A_1231 {strides = array<i32>} : memref<16384xf32, #tpu.memory_space<vmem>>, vector<16xf32>,
      %add3A_1238 = arith.constant 16 : i32
      %add3A_1239 = vector.broadcast %add3A_1238 : i32 to vector<16xi32>
      %add3A_1240 = arith.addi %iota3A, %add3A_1239 : vector<16xi32>
      %gather3A_1241 = tpu.vector_load_idx %arg23[%add3A_1240, %add3A_1227] : memref<32x128xf32, #tpu.memory_space<vmem>>[vector<16xi32>, vector<16xi32>], vector<16xf32>,
      %mul3A_1242 = arith.constant 32 : i32
      %mul3A_1243 = arith.muli %add3A_783, %mul3A_1242 : i32
      %add3A_1244 = arith.constant 16 : i32
      %add3A_1245 = arith.addi %mul3A_1243, %add3A_1244 : i32
      %swap3A_1246 = arith.index_cast %add3A_1245 : i32 to index
      %swap3A_1247 = tpu.vector_load %arg12[%swap3A_1246] {strides = array<i32>} : memref<16384xf32, #tpu.memory_space<vmem>>, vector<16xf32>,
      tpu.vector_store %arg12[%swap3A_1246], %gather3A_1241 {strides = array<i32>} : memref<16384xf32, #tpu.memory_space<vmem>>, vector<16xf32>,
      %dma_wait3A_1248 = arith.constant 0 : i32
      %dma_wait3A_1249 = arith.constant 0 : i32
      %dma_wait3A_1250 = tpu.memref_slice %arg5[%dma_wait3A_1248, %dma_wait3A_1249] : memref<32x1000000xf32, #tpu.memory_space<hbm>> -> memref<32x128xf32, #tpu.memory_space<hbm>>
      %dma_wait3A_1251 = arith.constant 0 : i32
      %dma_wait3A_1252 = arith.constant 0 : i32
      %dma_wait3A_1253 = tpu.memref_slice %arg5[%dma_wait3A_1251, %dma_wait3A_1252] : memref<32x1000000xf32, #tpu.memory_space<hbm>> -> memref<32x128xf32, #tpu.memory_space<hbm>>
      tpu.wait_dma2 semaphore(%arg41 : memref<!tpu.dma_semaphore, #tpu.memory_space<semaphore_mem>>) src(%dma_wait3A_1253 : memref<32x128xf32, #tpu.memory_space<hbm>>) dst(%arg29 : memref<32x128xf32, #tpu.memory_space<vmem>>)
      %broadcast_in_dim3A_1254 = arith.constant 0 : i32
      %broadcast_in_dim3A_1255 = vector.broadcast %broadcast_in_dim3A_1254 : i32 to vector<16xi32>
      %add3A_1256 = vector.broadcast %and3A_787 : i32 to vector<16xi32>
      %add3A_1257 = arith.addi %broadcast_in_dim3A_1255, %add3A_1256 : vector<16xi32>
      %add3A_1258 = arith.constant 0 : i32
      %add3A_1259 = vector.broadcast %add3A_1258 : i32 to vector<16xi32>
      %add3A_1260 = arith.addi %iota3A, %add3A_1259 : vector<16xi32>
      %gather3A_1261 = tpu.vector_load_idx %arg29[%add3A_1260, %add3A_1257] : memref<32x128xf32, #tpu.memory_space<vmem>>[vector<16xi32>, vector<16xi32>], vector<16xf32>,
      %mul3A_1262 = arith.constant 32 : i32
      %mul3A_1263 = arith.muli %add3A_783, %mul3A_1262 : i32
      %add3A_1264 = arith.constant 0 : i32
      %add3A_1265 = arith.addi %mul3A_1263, %add3A_1264 : i32
      %swap3A_1266 = arith.index_cast %add3A_1265 : i32 to index
      %swap3A_1267 = tpu.vector_load %arg13[%swap3A_1266] {strides = array<i32>} : memref<16384xf32, #tpu.memory_space<vmem>>, vector<16xf32>,
      tpu.vector_store %arg13[%swap3A_1266], %gather3A_1261 {strides = array<i32>} : memref<16384xf32, #tpu.memory_space<vmem>>, vector<16xf32>,
      %add3A_1268 = arith.constant 16 : i32
      %add3A_1269 = vector.broadcast %add3A_1268 : i32 to vector<16xi32>
      %add3A_1270 = arith.addi %iota3A, %add3A_1269 : vector<16xi32>
      %gather3A_1271 = tpu.vector_load_idx %arg29[%add3A_1270, %add3A_1257] : memref<32x128xf32, #tpu.memory_space<vmem>>[vector<16xi32>, vector<16xi32>], vector<16xf32>,
      %mul3A_1272 = arith.constant 32 : i32
      %mul3A_1273 = arith.muli %add3A_783, %mul3A_1272 : i32
      %add3A_1274 = arith.constant 16 : i32
      %add3A_1275 = arith.addi %mul3A_1273, %add3A_1274 : i32
      %swap3A_1276 = arith.index_cast %add3A_1275 : i32 to index
      %swap3A_1277 = tpu.vector_load %arg13[%swap3A_1276] {strides = array<i32>} : memref<16384xf32, #tpu.memory_space<vmem>>, vector<16xf32>,
      tpu.vector_store %arg13[%swap3A_1276], %gather3A_1271 {strides = array<i32>} : memref<16384xf32, #tpu.memory_space<vmem>>, vector<16xf32>,
      %dma_wait3A_1278 = arith.constant 0 : i32
      %dma_wait3A_1279 = arith.constant 0 : i32
      %dma_wait3A_1280 = tpu.memref_slice %arg4[%dma_wait3A_1278, %dma_wait3A_1279] : memref<32x1000000xf32, #tpu.memory_space<hbm>> -> memref<32x128xf32, #tpu.memory_space<hbm>>
      %dma_wait3A_1281 = arith.constant 0 : i32
      %dma_wait3A_1282 = arith.constant 0 : i32
      %dma_wait3A_1283 = tpu.memref_slice %arg4[%dma_wait3A_1281, %dma_wait3A_1282] : memref<32x1000000xf32, #tpu.memory_space<hbm>> -> memref<32x128xf32, #tpu.memory_space<hbm>>
      tpu.wait_dma2 semaphore(%arg36 : memref<!tpu.dma_semaphore, #tpu.memory_space<semaphore_mem>>) src(%dma_wait3A_1283 : memref<32x128xf32, #tpu.memory_space<hbm>>) dst(%arg24 : memref<32x128xf32, #tpu.memory_space<vmem>>)
      %broadcast_in_dim3A_1284 = arith.constant 0 : i32
      %broadcast_in_dim3A_1285 = vector.broadcast %broadcast_in_dim3A_1284 : i32 to vector<16xi32>
      %add3A_1286 = vector.broadcast %and3A_871 : i32 to vector<16xi32>
      %add3A_1287 = arith.addi %broadcast_in_dim3A_1285, %add3A_1286 : vector<16xi32>
      %add3A_1288 = arith.constant 0 : i32
      %add3A_1289 = vector.broadcast %add3A_1288 : i32 to vector<16xi32>
      %add3A_1290 = arith.addi %iota3A, %add3A_1289 : vector<16xi32>
      %gather3A_1291 = tpu.vector_load_idx %arg24[%add3A_1290, %add3A_1287] : memref<32x128xf32, #tpu.memory_space<vmem>>[vector<16xi32>, vector<16xi32>], vector<16xf32>,
      %mul3A_1292 = arith.constant 32 : i32
      %mul3A_1293 = arith.muli %add3A_869, %mul3A_1292 : i32
      %add3A_1294 = arith.constant 0 : i32
      %add3A_1295 = arith.addi %mul3A_1293, %add3A_1294 : i32
      %swap3A_1296 = arith.index_cast %add3A_1295 : i32 to index
      %swap3A_1297 = tpu.vector_load %arg12[%swap3A_1296] {strides = array<i32>} : memref<16384xf32, #tpu.memory_space<vmem>>, vector<16xf32>,
      tpu.vector_store %arg12[%swap3A_1296], %gather3A_1291 {strides = array<i32>} : memref<16384xf32, #tpu.memory_space<vmem>>, vector<16xf32>,
      %add3A_1298 = arith.constant 16 : i32
      %add3A_1299 = vector.broadcast %add3A_1298 : i32 to vector<16xi32>
      %add3A_1300 = arith.addi %iota3A, %add3A_1299 : vector<16xi32>
      %gather3A_1301 = tpu.vector_load_idx %arg24[%add3A_1300, %add3A_1287] : memref<32x128xf32, #tpu.memory_space<vmem>>[vector<16xi32>, vector<16xi32>], vector<16xf32>,
      %mul3A_1302 = arith.constant 32 : i32
      %mul3A_1303 = arith.muli %add3A_869, %mul3A_1302 : i32
      %add3A_1304 = arith.constant 16 : i32
      %add3A_1305 = arith.addi %mul3A_1303, %add3A_1304 : i32
      %swap3A_1306 = arith.index_cast %add3A_1305 : i32 to index
      %swap3A_1307 = tpu.vector_load %arg12[%swap3A_1306] {strides = array<i32>} : memref<16384xf32, #tpu.memory_space<vmem>>, vector<16xf32>,
      tpu.vector_store %arg12[%swap3A_1306], %gather3A_1301 {strides = array<i32>} : memref<16384xf32, #tpu.memory_space<vmem>>, vector<16xf32>,
      %dma_wait3A_1308 = arith.constant 0 : i32
      %dma_wait3A_1309 = arith.constant 0 : i32
      %dma_wait3A_1310 = tpu.memref_slice %arg5[%dma_wait3A_1308, %dma_wait3A_1309] : memref<32x1000000xf32, #tpu.memory_space<hbm>> -> memref<32x128xf32, #tpu.memory_space<hbm>>
      %dma_wait3A_1311 = arith.constant 0 : i32
      %dma_wait3A_1312 = arith.constant 0 : i32
      %dma_wait3A_1313 = tpu.memref_slice %arg5[%dma_wait3A_1311, %dma_wait3A_1312] : memref<32x1000000xf32, #tpu.memory_space<hbm>> -> memref<32x128xf32, #tpu.memory_space<hbm>>
      tpu.wait_dma2 semaphore(%arg42 : memref<!tpu.dma_semaphore, #tpu.memory_space<semaphore_mem>>) src(%dma_wait3A_1313 : memref<32x128xf32, #tpu.memory_space<hbm>>) dst(%arg30 : memref<32x128xf32, #tpu.memory_space<vmem>>)
      %broadcast_in_dim3A_1314 = arith.constant 0 : i32
      %broadcast_in_dim3A_1315 = vector.broadcast %broadcast_in_dim3A_1314 : i32 to vector<16xi32>
      %add3A_1316 = vector.broadcast %and3A_873 : i32 to vector<16xi32>
      %add3A_1317 = arith.addi %broadcast_in_dim3A_1315, %add3A_1316 : vector<16xi32>
      %add3A_1318 = arith.constant 0 : i32
      %add3A_1319 = vector.broadcast %add3A_1318 : i32 to vector<16xi32>
      %add3A_1320 = arith.addi %iota3A, %add3A_1319 : vector<16xi32>
      %gather3A_1321 = tpu.vector_load_idx %arg30[%add3A_1320, %add3A_1317] : memref<32x128xf32, #tpu.memory_space<vmem>>[vector<16xi32>, vector<16xi32>], vector<16xf32>,
      %mul3A_1322 = arith.constant 32 : i32
      %mul3A_1323 = arith.muli %add3A_869, %mul3A_1322 : i32
      %add3A_1324 = arith.constant 0 : i32
      %add3A_1325 = arith.addi %mul3A_1323, %add3A_1324 : i32
      %swap3A_1326 = arith.index_cast %add3A_1325 : i32 to index
      %swap3A_1327 = tpu.vector_load %arg13[%swap3A_1326] {strides = array<i32>} : memref<16384xf32, #tpu.memory_space<vmem>>, vector<16xf32>,
      tpu.vector_store %arg13[%swap3A_1326], %gather3A_1321 {strides = array<i32>} : memref<16384xf32, #tpu.memory_space<vmem>>, vector<16xf32>,
      %add3A_1328 = arith.constant 16 : i32
      %add3A_1329 = vector.broadcast %add3A_1328 : i32 to vector<16xi32>
      %add3A_1330 = arith.addi %iota3A, %add3A_1329 : vector<16xi32>
      %gather3A_1331 = tpu.vector_load_idx %arg30[%add3A_1330, %add3A_1317] : memref<32x128xf32, #tpu.memory_space<vmem>>[vector<16xi32>, vector<16xi32>], vector<16xf32>,
      %mul3A_1332 = arith.constant 32 : i32
      %mul3A_1333 = arith.muli %add3A_869, %mul3A_1332 : i32
      %add3A_1334 = arith.constant 16 : i32
      %add3A_1335 = arith.addi %mul3A_1333, %add3A_1334 : i32
      %swap3A_1336 = arith.index_cast %add3A_1335 : i32 to index
      %swap3A_1337 = tpu.vector_load %arg13[%swap3A_1336] {strides = array<i32>} : memref<16384xf32, #tpu.memory_space<vmem>>, vector<16xf32>,
      tpu.vector_store %arg13[%swap3A_1336], %gather3A_1331 {strides = array<i32>} : memref<16384xf32, #tpu.memory_space<vmem>>, vector<16xf32>,
      %dma_wait3A_1338 = arith.constant 0 : i32
      %dma_wait3A_1339 = arith.constant 0 : i32
      %dma_wait3A_1340 = tpu.memref_slice %arg4[%dma_wait3A_1338, %dma_wait3A_1339] : memref<32x1000000xf32, #tpu.memory_space<hbm>> -> memref<32x128xf32, #tpu.memory_space<hbm>>
      %dma_wait3A_1341 = arith.constant 0 : i32
      %dma_wait3A_1342 = arith.constant 0 : i32
      %dma_wait3A_1343 = tpu.memref_slice %arg4[%dma_wait3A_1341, %dma_wait3A_1342] : memref<32x1000000xf32, #tpu.memory_space<hbm>> -> memref<32x128xf32, #tpu.memory_space<hbm>>
      tpu.wait_dma2 semaphore(%arg31 : memref<!tpu.dma_semaphore, #tpu.memory_space<semaphore_mem>>) src(%dma_wait3A_1343 : memref<32x128xf32, #tpu.memory_space<hbm>>) dst(%arg19 : memref<32x128xf32, #tpu.memory_space<vmem>>)
      %broadcast_in_dim3A_1344 = arith.constant 0 : i32
      %broadcast_in_dim3A_1345 = vector.broadcast %broadcast_in_dim3A_1344 : i32 to vector<16xi32>
      %add3A_1346 = vector.broadcast %and3A_957 : i32 to vector<16xi32>
      %add3A_1347 = arith.addi %broadcast_in_dim3A_1345, %add3A_1346 : vector<16xi32>
      %add3A_1348 = arith.constant 0 : i32
      %add3A_1349 = vector.broadcast %add3A_1348 : i32 to vector<16xi32>
      %add3A_1350 = arith.addi %iota3A, %add3A_1349 : vector<16xi32>
      %gather3A_1351 = tpu.vector_load_idx %arg19[%add3A_1350, %add3A_1347] : memref<32x128xf32, #tpu.memory_space<vmem>>[vector<16xi32>, vector<16xi32>], vector<16xf32>,
      %mul3A_1352 = arith.constant 32 : i32
      %mul3A_1353 = arith.muli %add3A_955, %mul3A_1352 : i32
      %add3A_1354 = arith.constant 0 : i32
      %add3A_1355 = arith.addi %mul3A_1353, %add3A_1354 : i32
      %swap3A_1356 = arith.index_cast %add3A_1355 : i32 to index
      %swap3A_1357 = tpu.vector_load %arg12[%swap3A_1356] {strides = array<i32>} : memref<16384xf32, #tpu.memory_space<vmem>>, vector<16xf32>,
      tpu.vector_store %arg12[%swap3A_1356], %gather3A_1351 {strides = array<i32>} : memref<16384xf32, #tpu.memory_space<vmem>>, vector<16xf32>,
      %add3A_1358 = arith.constant 16 : i32
      %add3A_1359 = vector.broadcast %add3A_1358 : i32 to vector<16xi32>
      %add3A_1360 = arith.addi %iota3A, %add3A_1359 : vector<16xi32>
      %gather3A_1361 = tpu.vector_load_idx %arg19[%add3A_1360, %add3A_1347] : memref<32x128xf32, #tpu.memory_space<vmem>>[vector<16xi32>, vector<16xi32>], vector<16xf32>,
      %mul3A_1362 = arith.constant 32 : i32
      %mul3A_1363 = arith.muli %add3A_955, %mul3A_1362 : i32
      %add3A_1364 = arith.constant 16 : i32
      %add3A_1365 = arith.addi %mul3A_1363, %add3A_1364 : i32
      %swap3A_1366 = arith.index_cast %add3A_1365 : i32 to index
      %swap3A_1367 = tpu.vector_load %arg12[%swap3A_1366] {strides = array<i32>} : memref<16384xf32, #tpu.memory_space<vmem>>, vector<16xf32>,
      tpu.vector_store %arg12[%swap3A_1366], %gather3A_1361 {strides = array<i32>} : memref<16384xf32, #tpu.memory_space<vmem>>, vector<16xf32>,
      %dma_wait3A_1368 = arith.constant 0 : i32
      %dma_wait3A_1369 = arith.constant 0 : i32
      %dma_wait3A_1370 = tpu.memref_slice %arg5[%dma_wait3A_1368, %dma_wait3A_1369] : memref<32x1000000xf32, #tpu.memory_space<hbm>> -> memref<32x128xf32, #tpu.memory_space<hbm>>
      %dma_wait3A_1371 = arith.constant 0 : i32
      %dma_wait3A_1372 = arith.constant 0 : i32
      %dma_wait3A_1373 = tpu.memref_slice %arg5[%dma_wait3A_1371, %dma_wait3A_1372] : memref<32x1000000xf32, #tpu.memory_space<hbm>> -> memref<32x128xf32, #tpu.memory_space<hbm>>
      tpu.wait_dma2 semaphore(%arg37 : memref<!tpu.dma_semaphore, #tpu.memory_space<semaphore_mem>>) src(%dma_wait3A_1373 : memref<32x128xf32, #tpu.memory_space<hbm>>) dst(%arg25 : memref<32x128xf32, #tpu.memory_space<vmem>>)
      %broadcast_in_dim3A_1374 = arith.constant 0 : i32
      %broadcast_in_dim3A_1375 = vector.broadcast %broadcast_in_dim3A_1374 : i32 to vector<16xi32>
      %add3A_1376 = vector.broadcast %and3A_959 : i32 to vector<16xi32>
      %add3A_1377 = arith.addi %broadcast_in_dim3A_1375, %add3A_1376 : vector<16xi32>
      %add3A_1378 = arith.constant 0 : i32
      %add3A_1379 = vector.broadcast %add3A_1378 : i32 to vector<16xi32>
      %add3A_1380 = arith.addi %iota3A, %add3A_1379 : vector<16xi32>
      %gather3A_1381 = tpu.vector_load_idx %arg25[%add3A_1380, %add3A_1377] : memref<32x128xf32, #tpu.memory_space<vmem>>[vector<16xi32>, vector<16xi32>], vector<16xf32>,
      %mul3A_1382 = arith.constant 32 : i32
      %mul3A_1383 = arith.muli %add3A_955, %mul3A_1382 : i32
      %add3A_1384 = arith.constant 0 : i32
      %add3A_1385 = arith.addi %mul3A_1383, %add3A_1384 : i32
      %swap3A_1386 = arith.index_cast %add3A_1385 : i32 to index
      %swap3A_1387 = tpu.vector_load %arg13[%swap3A_1386] {strides = array<i32>} : memref<16384xf32, #tpu.memory_space<vmem>>, vector<16xf32>,
      tpu.vector_store %arg13[%swap3A_1386], %gather3A_1381 {strides = array<i32>} : memref<16384xf32, #tpu.memory_space<vmem>>, vector<16xf32>,
      %add3A_1388 = arith.constant 16 : i32
      %add3A_1389 = vector.broadcast %add3A_1388 : i32 to vector<16xi32>
      %add3A_1390 = arith.addi %iota3A, %add3A_1389 : vector<16xi32>
      %gather3A_1391 = tpu.vector_load_idx %arg25[%add3A_1390, %add3A_1377] : memref<32x128xf32, #tpu.memory_space<vmem>>[vector<16xi32>, vector<16xi32>], vector<16xf32>,
      %mul3A_1392 = arith.constant 32 : i32
      %mul3A_1393 = arith.muli %add3A_955, %mul3A_1392 : i32
      %add3A_1394 = arith.constant 16 : i32
      %add3A_1395 = arith.addi %mul3A_1393, %add3A_1394 : i32
      %swap3A_1396 = arith.index_cast %add3A_1395 : i32 to index
      %swap3A_1397 = tpu.vector_load %arg13[%swap3A_1396] {strides = array<i32>} : memref<16384xf32, #tpu.memory_space<vmem>>, vector<16xf32>,
      tpu.vector_store %arg13[%swap3A_1396], %gather3A_1391 {strides = array<i32>} : memref<16384xf32, #tpu.memory_space<vmem>>, vector<16xf32>,
      %dma_wait3A_1398 = arith.constant 0 : i32
      %dma_wait3A_1399 = arith.constant 0 : i32
      %dma_wait3A_1400 = tpu.memref_slice %arg4[%dma_wait3A_1398, %dma_wait3A_1399] : memref<32x1000000xf32, #tpu.memory_space<hbm>> -> memref<32x128xf32, #tpu.memory_space<hbm>>
      %dma_wait3A_1401 = arith.constant 0 : i32
      %dma_wait3A_1402 = arith.constant 0 : i32
      %dma_wait3A_1403 = tpu.memref_slice %arg4[%dma_wait3A_1401, %dma_wait3A_1402] : memref<32x1000000xf32, #tpu.memory_space<hbm>> -> memref<32x128xf32, #tpu.memory_space<hbm>>
      tpu.wait_dma2 semaphore(%arg32 : memref<!tpu.dma_semaphore, #tpu.memory_space<semaphore_mem>>) src(%dma_wait3A_1403 : memref<32x128xf32, #tpu.memory_space<hbm>>) dst(%arg20 : memref<32x128xf32, #tpu.memory_space<vmem>>)
      %broadcast_in_dim3A_1404 = arith.constant 0 : i32
      %broadcast_in_dim3A_1405 = vector.broadcast %broadcast_in_dim3A_1404 : i32 to vector<16xi32>
      %add3A_1406 = vector.broadcast %and3A_1043 : i32 to vector<16xi32>
      %add3A_1407 = arith.addi %broadcast_in_dim3A_1405, %add3A_1406 : vector<16xi32>
      %add3A_1408 = arith.constant 0 : i32
      %add3A_1409 = vector.broadcast %add3A_1408 : i32 to vector<16xi32>
      %add3A_1410 = arith.addi %iota3A, %add3A_1409 : vector<16xi32>
      %gather3A_1411 = tpu.vector_load_idx %arg20[%add3A_1410, %add3A_1407] : memref<32x128xf32, #tpu.memory_space<vmem>>[vector<16xi32>, vector<16xi32>], vector<16xf32>,
      %mul3A_1412 = arith.constant 32 : i32
      %mul3A_1413 = arith.muli %add3A_1041, %mul3A_1412 : i32
      %add3A_1414 = arith.constant 0 : i32
      %add3A_1415 = arith.addi %mul3A_1413, %add3A_1414 : i32
      %swap3A_1416 = arith.index_cast %add3A_1415 : i32 to index
      %swap3A_1417 = tpu.vector_load %arg12[%swap3A_1416] {strides = array<i32>} : memref<16384xf32, #tpu.memory_space<vmem>>, vector<16xf32>,
      tpu.vector_store %arg12[%swap3A_1416], %gather3A_1411 {strides = array<i32>} : memref<16384xf32, #tpu.memory_space<vmem>>, vector<16xf32>,
      %add3A_1418 = arith.constant 16 : i32
      %add3A_1419 = vector.broadcast %add3A_1418 : i32 to vector<16xi32>
      %add3A_1420 = arith.addi %iota3A, %add3A_1419 : vector<16xi32>
      %gather3A_1421 = tpu.vector_load_idx %arg20[%add3A_1420, %add3A_1407] : memref<32x128xf32, #tpu.memory_space<vmem>>[vector<16xi32>, vector<16xi32>], vector<16xf32>,
      %mul3A_1422 = arith.constant 32 : i32
      %mul3A_1423 = arith.muli %add3A_1041, %mul3A_1422 : i32
      %add3A_1424 = arith.constant 16 : i32
      %add3A_1425 = arith.addi %mul3A_1423, %add3A_1424 : i32
      %swap3A_1426 = arith.index_cast %add3A_1425 : i32 to index
      %swap3A_1427 = tpu.vector_load %arg12[%swap3A_1426] {strides = array<i32>} : memref<16384xf32, #tpu.memory_space<vmem>>, vector<16xf32>,
      tpu.vector_store %arg12[%swap3A_1426], %gather3A_1421 {strides = array<i32>} : memref<16384xf32, #tpu.memory_space<vmem>>, vector<16xf32>,
      %dma_wait3A_1428 = arith.constant 0 : i32
      %dma_wait3A_1429 = arith.constant 0 : i32
      %dma_wait3A_1430 = tpu.memref_slice %arg5[%dma_wait3A_1428, %dma_wait3A_1429] : memref<32x1000000xf32, #tpu.memory_space<hbm>> -> memref<32x128xf32, #tpu.memory_space<hbm>>
      %dma_wait3A_1431 = arith.constant 0 : i32
      %dma_wait3A_1432 = arith.constant 0 : i32
      %dma_wait3A_1433 = tpu.memref_slice %arg5[%dma_wait3A_1431, %dma_wait3A_1432] : memref<32x1000000xf32, #tpu.memory_space<hbm>> -> memref<32x128xf32, #tpu.memory_space<hbm>>
      tpu.wait_dma2 semaphore(%arg38 : memref<!tpu.dma_semaphore, #tpu.memory_space<semaphore_mem>>) src(%dma_wait3A_1433 : memref<32x128xf32, #tpu.memory_space<hbm>>) dst(%arg26 : memref<32x128xf32, #tpu.memory_space<vmem>>)
      %broadcast_in_dim3A_1434 = arith.constant 0 : i32
      %broadcast_in_dim3A_1435 = vector.broadcast %broadcast_in_dim3A_1434 : i32 to vector<16xi32>
      %add3A_1436 = vector.broadcast %and3A_1045 : i32 to vector<16xi32>
      %add3A_1437 = arith.addi %broadcast_in_dim3A_1435, %add3A_1436 : vector<16xi32>
      %add3A_1438 = arith.constant 0 : i32
      %add3A_1439 = vector.broadcast %add3A_1438 : i32 to vector<16xi32>
      %add3A_1440 = arith.addi %iota3A, %add3A_1439 : vector<16xi32>
      %gather3A_1441 = tpu.vector_load_idx %arg26[%add3A_1440, %add3A_1437] : memref<32x128xf32, #tpu.memory_space<vmem>>[vector<16xi32>, vector<16xi32>], vector<16xf32>,
      %mul3A_1442 = arith.constant 32 : i32
      %mul3A_1443 = arith.muli %add3A_1041, %mul3A_1442 : i32
      %add3A_1444 = arith.constant 0 : i32
      %add3A_1445 = arith.addi %mul3A_1443, %add3A_1444 : i32
      %swap3A_1446 = arith.index_cast %add3A_1445 : i32 to index
      %swap3A_1447 = tpu.vector_load %arg13[%swap3A_1446] {strides = array<i32>} : memref<16384xf32, #tpu.memory_space<vmem>>, vector<16xf32>,
      tpu.vector_store %arg13[%swap3A_1446], %gather3A_1441 {strides = array<i32>} : memref<16384xf32, #tpu.memory_space<vmem>>, vector<16xf32>,
      %add3A_1448 = arith.constant 16 : i32
      %add3A_1449 = vector.broadcast %add3A_1448 : i32 to vector<16xi32>
      %add3A_1450 = arith.addi %iota3A, %add3A_1449 : vector<16xi32>
      %gather3A_1451 = tpu.vector_load_idx %arg26[%add3A_1450, %add3A_1437] : memref<32x128xf32, #tpu.memory_space<vmem>>[vector<16xi32>, vector<16xi32>], vector<16xf32>,
      %mul3A_1452 = arith.constant 32 : i32
      %mul3A_1453 = arith.muli %add3A_1041, %mul3A_1452 : i32
      %add3A_1454 = arith.constant 16 : i32
      %add3A_1455 = arith.addi %mul3A_1453, %add3A_1454 : i32
      %swap3A_1456 = arith.index_cast %add3A_1455 : i32 to index
      %swap3A_1457 = tpu.vector_load %arg13[%swap3A_1456] {strides = array<i32>} : memref<16384xf32, #tpu.memory_space<vmem>>, vector<16xf32>,
      tpu.vector_store %arg13[%swap3A_1456], %gather3A_1451 {strides = array<i32>} : memref<16384xf32, #tpu.memory_space<vmem>>, vector<16xf32>,
      %dma_wait3A_1458 = arith.constant 0 : i32
      %dma_wait3A_1459 = arith.constant 0 : i32
      %dma_wait3A_1460 = tpu.memref_slice %arg4[%dma_wait3A_1458, %dma_wait3A_1459] : memref<32x1000000xf32, #tpu.memory_space<hbm>> -> memref<32x128xf32, #tpu.memory_space<hbm>>
      %dma_wait3A_1461 = arith.constant 0 : i32
      %dma_wait3A_1462 = arith.constant 0 : i32
      %dma_wait3A_1463 = tpu.memref_slice %arg4[%dma_wait3A_1461, %dma_wait3A_1462] : memref<32x1000000xf32, #tpu.memory_space<hbm>> -> memref<32x128xf32, #tpu.memory_space<hbm>>
      tpu.wait_dma2 semaphore(%arg33 : memref<!tpu.dma_semaphore, #tpu.memory_space<semaphore_mem>>) src(%dma_wait3A_1463 : memref<32x128xf32, #tpu.memory_space<hbm>>) dst(%arg21 : memref<32x128xf32, #tpu.memory_space<vmem>>)
      %broadcast_in_dim3A_1464 = arith.constant 0 : i32
      %broadcast_in_dim3A_1465 = vector.broadcast %broadcast_in_dim3A_1464 : i32 to vector<16xi32>
      %add3A_1466 = vector.broadcast %and3A_1129 : i32 to vector<16xi32>
      %add3A_1467 = arith.addi %broadcast_in_dim3A_1465, %add3A_1466 : vector<16xi32>
      %add3A_1468 = arith.constant 0 : i32
      %add3A_1469 = vector.broadcast %add3A_1468 : i32 to vector<16xi32>
      %add3A_1470 = arith.addi %iota3A, %add3A_1469 : vector<16xi32>
      %gather3A_1471 = tpu.vector_load_idx %arg21[%add3A_1470, %add3A_1467] : memref<32x128xf32, #tpu.memory_space<vmem>>[vector<16xi32>, vector<16xi32>], vector<16xf32>,
      %mul3A_1472 = arith.constant 32 : i32
      %mul3A_1473 = arith.muli %add3A_1127, %mul3A_1472 : i32
      %add3A_1474 = arith.constant 0 : i32
      %add3A_1475 = arith.addi %mul3A_1473, %add3A_1474 : i32
      %swap3A_1476 = arith.index_cast %add3A_1475 : i32 to index
      %swap3A_1477 = tpu.vector_load %arg12[%swap3A_1476] {strides = array<i32>} : memref<16384xf32, #tpu.memory_space<vmem>>, vector<16xf32>,
      tpu.vector_store %arg12[%swap3A_1476], %gather3A_1471 {strides = array<i32>} : memref<16384xf32, #tpu.memory_space<vmem>>, vector<16xf32>,
      %add3A_1478 = arith.constant 16 : i32
      %add3A_1479 = vector.broadcast %add3A_1478 : i32 to vector<16xi32>
      %add3A_1480 = arith.addi %iota3A, %add3A_1479 : vector<16xi32>
      %gather3A_1481 = tpu.vector_load_idx %arg21[%add3A_1480, %add3A_1467] : memref<32x128xf32, #tpu.memory_space<vmem>>[vector<16xi32>, vector<16xi32>], vector<16xf32>,
      %mul3A_1482 = arith.constant 32 : i32
      %mul3A_1483 = arith.muli %add3A_1127, %mul3A_1482 : i32
      %add3A_1484 = arith.constant 16 : i32
      %add3A_1485 = arith.addi %mul3A_1483, %add3A_1484 : i32
      %swap3A_1486 = arith.index_cast %add3A_1485 : i32 to index
      %swap3A_1487 = tpu.vector_load %arg12[%swap3A_1486] {strides = array<i32>} : memref<16384xf32, #tpu.memory_space<vmem>>, vector<16xf32>,
      tpu.vector_store %arg12[%swap3A_1486], %gather3A_1481 {strides = array<i32>} : memref<16384xf32, #tpu.memory_space<vmem>>, vector<16xf32>,
      %dma_wait3A_1488 = arith.constant 0 : i32
      %dma_wait3A_1489 = arith.constant 0 : i32
      %dma_wait3A_1490 = tpu.memref_slice %arg5[%dma_wait3A_1488, %dma_wait3A_1489] : memref<32x1000000xf32, #tpu.memory_space<hbm>> -> memref<32x128xf32, #tpu.memory_space<hbm>>
      %dma_wait3A_1491 = arith.constant 0 : i32
      %dma_wait3A_1492 = arith.constant 0 : i32
      %dma_wait3A_1493 = tpu.memref_slice %arg5[%dma_wait3A_1491, %dma_wait3A_1492] : memref<32x1000000xf32, #tpu.memory_space<hbm>> -> memref<32x128xf32, #tpu.memory_space<hbm>>
      tpu.wait_dma2 semaphore(%arg39 : memref<!tpu.dma_semaphore, #tpu.memory_space<semaphore_mem>>) src(%dma_wait3A_1493 : memref<32x128xf32, #tpu.memory_space<hbm>>) dst(%arg27 : memref<32x128xf32, #tpu.memory_space<vmem>>)
      %broadcast_in_dim3A_1494 = arith.constant 0 : i32
      %broadcast_in_dim3A_1495 = vector.broadcast %broadcast_in_dim3A_1494 : i32 to vector<16xi32>
      %add3A_1496 = vector.broadcast %and3A_1131 : i32 to vector<16xi32>
      %add3A_1497 = arith.addi %broadcast_in_dim3A_1495, %add3A_1496 : vector<16xi32>
      %add3A_1498 = arith.constant 0 : i32
      %add3A_1499 = vector.broadcast %add3A_1498 : i32 to vector<16xi32>
      %add3A_1500 = arith.addi %iota3A, %add3A_1499 : vector<16xi32>
      %gather3A_1501 = tpu.vector_load_idx %arg27[%add3A_1500, %add3A_1497] : memref<32x128xf32, #tpu.memory_space<vmem>>[vector<16xi32>, vector<16xi32>], vector<16xf32>,
      %mul3A_1502 = arith.constant 32 : i32
      %mul3A_1503 = arith.muli %add3A_1127, %mul3A_1502 : i32
      %add3A_1504 = arith.constant 0 : i32
      %add3A_1505 = arith.addi %mul3A_1503, %add3A_1504 : i32
      %swap3A_1506 = arith.index_cast %add3A_1505 : i32 to index
      %swap3A_1507 = tpu.vector_load %arg13[%swap3A_1506] {strides = array<i32>} : memref<16384xf32, #tpu.memory_space<vmem>>, vector<16xf32>,
      tpu.vector_store %arg13[%swap3A_1506], %gather3A_1501 {strides = array<i32>} : memref<16384xf32, #tpu.memory_space<vmem>>, vector<16xf32>,
      %add3A_1508 = arith.constant 16 : i32
      %add3A_1509 = vector.broadcast %add3A_1508 : i32 to vector<16xi32>
      %add3A_1510 = arith.addi %iota3A, %add3A_1509 : vector<16xi32>
      %gather3A_1511 = tpu.vector_load_idx %arg27[%add3A_1510, %add3A_1497] : memref<32x128xf32, #tpu.memory_space<vmem>>[vector<16xi32>, vector<16xi32>], vector<16xf32>,
      %mul3A_1512 = arith.constant 32 : i32
      %mul3A_1513 = arith.muli %add3A_1127, %mul3A_1512 : i32
      %add3A_1514 = arith.constant 16 : i32
      %add3A_1515 = arith.addi %mul3A_1513, %add3A_1514 : i32
      %swap3A_1516 = arith.index_cast %add3A_1515 : i32 to index
      %swap3A_1517 = tpu.vector_load %arg13[%swap3A_1516] {strides = array<i32>} : memref<16384xf32, #tpu.memory_space<vmem>>, vector<16xf32>,
      tpu.vector_store %arg13[%swap3A_1516], %gather3A_1511 {strides = array<i32>} : memref<16384xf32, #tpu.memory_space<vmem>>, vector<16xf32>,
      %dma_wait3A_1518 = arith.constant 0 : i32
      %dma_wait3A_1519 = arith.constant 0 : i32
      %dma_wait3A_1520 = tpu.memref_slice %arg4[%dma_wait3A_1518, %dma_wait3A_1519] : memref<32x1000000xf32, #tpu.memory_space<hbm>> -> memref<32x128xf32, #tpu.memory_space<hbm>>
      %dma_wait3A_1521 = arith.constant 0 : i32
      %dma_wait3A_1522 = arith.constant 0 : i32
      %dma_wait3A_1523 = tpu.memref_slice %arg4[%dma_wait3A_1521, %dma_wait3A_1522] : memref<32x1000000xf32, #tpu.memory_space<hbm>> -> memref<32x128xf32, #tpu.memory_space<hbm>>
      tpu.wait_dma2 semaphore(%arg34 : memref<!tpu.dma_semaphore, #tpu.memory_space<semaphore_mem>>) src(%dma_wait3A_1523 : memref<32x128xf32, #tpu.memory_space<hbm>>) dst(%arg22 : memref<32x128xf32, #tpu.memory_space<vmem>>)
      %broadcast_in_dim3A_1524 = arith.constant 0 : i32
      %broadcast_in_dim3A_1525 = vector.broadcast %broadcast_in_dim3A_1524 : i32 to vector<16xi32>
      %add3A_1526 = vector.broadcast %and3A_1215 : i32 to vector<16xi32>
      %add3A_1527 = arith.addi %broadcast_in_dim3A_1525, %add3A_1526 : vector<16xi32>
      %add3A_1528 = arith.constant 0 : i32
      %add3A_1529 = vector.broadcast %add3A_1528 : i32 to vector<16xi32>
      %add3A_1530 = arith.addi %iota3A, %add3A_1529 : vector<16xi32>
      %gather3A_1531 = tpu.vector_load_idx %arg22[%add3A_1530, %add3A_1527] : memref<32x128xf32, #tpu.memory_space<vmem>>[vector<16xi32>, vector<16xi32>], vector<16xf32>,
      %mul3A_1532 = arith.constant 32 : i32
      %mul3A_1533 = arith.muli %add3A_1213, %mul3A_1532 : i32
      %add3A_1534 = arith.constant 0 : i32
      %add3A_1535 = arith.addi %mul3A_1533, %add3A_1534 : i32
      %swap3A_1536 = arith.index_cast %add3A_1535 : i32 to index
      %swap3A_1537 = tpu.vector_load %arg12[%swap3A_1536] {strides = array<i32>} : memref<16384xf32, #tpu.memory_space<vmem>>, vector<16xf32>,
      tpu.vector_store %arg12[%swap3A_1536], %gather3A_1531 {strides = array<i32>} : memref<16384xf32, #tpu.memory_space<vmem>>, vector<16xf32>,
      %add3A_1538 = arith.constant 16 : i32
      %add3A_1539 = vector.broadcast %add3A_1538 : i32 to vector<16xi32>
      %add3A_1540 = arith.addi %iota3A, %add3A_1539 : vector<16xi32>
      %gather3A_1541 = tpu.vector_load_idx %arg22[%add3A_1540, %add3A_1527] : memref<32x128xf32, #tpu.memory_space<vmem>>[vector<16xi32>, vector<16xi32>], vector<16xf32>,
      %mul3A_1542 = arith.constant 32 : i32
      %mul3A_1543 = arith.muli %add3A_1213, %mul3A_1542 : i32
      %add3A_1544 = arith.constant 16 : i32
      %add3A_1545 = arith.addi %mul3A_1543, %add3A_1544 : i32
      %swap3A_1546 = arith.index_cast %add3A_1545 : i32 to index
      %swap3A_1547 = tpu.vector_load %arg12[%swap3A_1546] {strides = array<i32>} : memref<16384xf32, #tpu.memory_space<vmem>>, vector<16xf32>,
      tpu.vector_store %arg12[%swap3A_1546], %gather3A_1541 {strides = array<i32>} : memref<16384xf32, #tpu.memory_space<vmem>>, vector<16xf32>,
      %dma_wait3A_1548 = arith.constant 0 : i32
      %dma_wait3A_1549 = arith.constant 0 : i32
      %dma_wait3A_1550 = tpu.memref_slice %arg5[%dma_wait3A_1548, %dma_wait3A_1549] : memref<32x1000000xf32, #tpu.memory_space<hbm>> -> memref<32x128xf32, #tpu.memory_space<hbm>>
      %dma_wait3A_1551 = arith.constant 0 : i32
      %dma_wait3A_1552 = arith.constant 0 : i32
      %dma_wait3A_1553 = tpu.memref_slice %arg5[%dma_wait3A_1551, %dma_wait3A_1552] : memref<32x1000000xf32, #tpu.memory_space<hbm>> -> memref<32x128xf32, #tpu.memory_space<hbm>>
      tpu.wait_dma2 semaphore(%arg40 : memref<!tpu.dma_semaphore, #tpu.memory_space<semaphore_mem>>) src(%dma_wait3A_1553 : memref<32x128xf32, #tpu.memory_space<hbm>>) dst(%arg28 : memref<32x128xf32, #tpu.memory_space<vmem>>)
      %broadcast_in_dim3A_1554 = arith.constant 0 : i32
      %broadcast_in_dim3A_1555 = vector.broadcast %broadcast_in_dim3A_1554 : i32 to vector<16xi32>
      %add3A_1556 = vector.broadcast %and3A_1217 : i32 to vector<16xi32>
      %add3A_1557 = arith.addi %broadcast_in_dim3A_1555, %add3A_1556 : vector<16xi32>
      %add3A_1558 = arith.constant 0 : i32
      %add3A_1559 = vector.broadcast %add3A_1558 : i32 to vector<16xi32>
      %add3A_1560 = arith.addi %iota3A, %add3A_1559 : vector<16xi32>
      %gather3A_1561 = tpu.vector_load_idx %arg28[%add3A_1560, %add3A_1557] : memref<32x128xf32, #tpu.memory_space<vmem>>[vector<16xi32>, vector<16xi32>], vector<16xf32>,
      %mul3A_1562 = arith.constant 32 : i32
      %mul3A_1563 = arith.muli %add3A_1213, %mul3A_1562 : i32
      %add3A_1564 = arith.constant 0 : i32
      %add3A_1565 = arith.addi %mul3A_1563, %add3A_1564 : i32
      %swap3A_1566 = arith.index_cast %add3A_1565 : i32 to index
      %swap3A_1567 = tpu.vector_load %arg13[%swap3A_1566] {strides = array<i32>} : memref<16384xf32, #tpu.memory_space<vmem>>, vector<16xf32>,
      tpu.vector_store %arg13[%swap3A_1566], %gather3A_1561 {strides = array<i32>} : memref<16384xf32, #tpu.memory_space<vmem>>, vector<16xf32>,
      %add3A_1568 = arith.constant 16 : i32
      %add3A_1569 = vector.broadcast %add3A_1568 : i32 to vector<16xi32>
      %add3A_1570 = arith.addi %iota3A, %add3A_1569 : vector<16xi32>
      %gather3A_1571 = tpu.vector_load_idx %arg28[%add3A_1570, %add3A_1557] : memref<32x128xf32, #tpu.memory_space<vmem>>[vector<16xi32>, vector<16xi32>], vector<16xf32>,
      %mul3A_1572 = arith.constant 32 : i32
      %mul3A_1573 = arith.muli %add3A_1213, %mul3A_1572 : i32
      %add3A_1574 = arith.constant 16 : i32
      %add3A_1575 = arith.addi %mul3A_1573, %add3A_1574 : i32
      %swap3A_1576 = arith.index_cast %add3A_1575 : i32 to index
      %swap3A_1577 = tpu.vector_load %arg13[%swap3A_1576] {strides = array<i32>} : memref<16384xf32, #tpu.memory_space<vmem>>, vector<16xf32>,
      tpu.vector_store %arg13[%swap3A_1576], %gather3A_1571 {strides = array<i32>} : memref<16384xf32, #tpu.memory_space<vmem>>, vector<16xf32>,
    }
    %scan3A_93 = arith.constant 32 : i32
    %dma_wait3A = arith.constant 0 : i32
    %dma_wait3A_94 = arith.constant 0 : i32
    %dma_wait3A_95 = tpu.memref_slice %arg15[%dma_wait3A_94] : memref<512xf32, #tpu.memory_space<vmem>> -> memref<128xf32, #tpu.memory_space<vmem>>
    %dma_wait3A_96 = arith.constant 0 : i32
    %dma_wait3A_97 = tpu.memref_slice %arg10[%dma_wait3A, %dma_wait3A_96] : memref<4x128xi32, #tpu.memory_space<vmem>> -> memref<1x128xi32, #tpu.memory_space<vmem>>
    %dma_wait3A_98 = tpu.memref_squeeze %dma_wait3A_97 : memref<1x128xi32, #tpu.memory_space<vmem>> -> memref<128xi32, #tpu.memory_space<vmem>>
    %dma_wait3A_99 = arith.constant 0 : i32
    %dma_wait3A_100 = tpu.memref_slice %arg6[%dma_wait3A_99] : memref<1000000xf32, #tpu.memory_space<hbm>> -> memref<1000000xf32, #tpu.memory_space<hbm>>
    tpu.wait_indirect_dma semaphore(%arg43 : memref<!tpu.dma_semaphore, #tpu.memory_space<semaphore_mem>>) src(%dma_wait3A_100 : memref<1000000xf32, #tpu.memory_space<hbm>>) dst(%dma_wait3A_95 : memref<128xf32, #tpu.memory_space<vmem>>)
    %dma_wait3A_101 = arith.constant 0 : i32
    %dma_wait3A_102 = arith.constant 0 : i32
    %dma_wait3A_103 = tpu.memref_slice %arg16[%dma_wait3A_102] : memref<512xf32, #tpu.memory_space<vmem>> -> memref<128xf32, #tpu.memory_space<vmem>>
    %dma_wait3A_104 = arith.constant 0 : i32
    %dma_wait3A_105 = tpu.memref_slice %arg11[%dma_wait3A_101, %dma_wait3A_104] : memref<4x128xi32, #tpu.memory_space<vmem>> -> memref<1x128xi32, #tpu.memory_space<vmem>>
    %dma_wait3A_106 = tpu.memref_squeeze %dma_wait3A_105 : memref<1x128xi32, #tpu.memory_space<vmem>> -> memref<128xi32, #tpu.memory_space<vmem>>
    %dma_wait3A_107 = arith.constant 0 : i32
    %dma_wait3A_108 = tpu.memref_slice %arg7[%dma_wait3A_107] : memref<1000000xf32, #tpu.memory_space<hbm>> -> memref<1000000xf32, #tpu.memory_space<hbm>>
    tpu.wait_indirect_dma semaphore(%arg43 : memref<!tpu.dma_semaphore, #tpu.memory_space<semaphore_mem>>) src(%dma_wait3A_108 : memref<1000000xf32, #tpu.memory_space<hbm>>) dst(%dma_wait3A_103 : memref<128xf32, #tpu.memory_space<vmem>>)
    %dma_wait3A_109 = arith.constant 1 : i32
    %dma_wait3A_110 = arith.constant 128 : i32
    %dma_wait3A_111 = tpu.memref_slice %arg15[%dma_wait3A_110] : memref<512xf32, #tpu.memory_space<vmem>> -> memref<128xf32, #tpu.memory_space<vmem>>
    %dma_wait3A_112 = arith.constant 0 : i32
    %dma_wait3A_113 = tpu.memref_slice %arg10[%dma_wait3A_109, %dma_wait3A_112] : memref<4x128xi32, #tpu.memory_space<vmem>> -> memref<1x128xi32, #tpu.memory_space<vmem>>
    %dma_wait3A_114 = tpu.memref_squeeze %dma_wait3A_113 : memref<1x128xi32, #tpu.memory_space<vmem>> -> memref<128xi32, #tpu.memory_space<vmem>>
    %dma_wait3A_115 = arith.constant 0 : i32
    %dma_wait3A_116 = tpu.memref_slice %arg6[%dma_wait3A_115] : memref<1000000xf32, #tpu.memory_space<hbm>> -> memref<1000000xf32, #tpu.memory_space<hbm>>
    tpu.wait_indirect_dma semaphore(%arg43 : memref<!tpu.dma_semaphore, #tpu.memory_space<semaphore_mem>>) src(%dma_wait3A_116 : memref<1000000xf32, #tpu.memory_space<hbm>>) dst(%dma_wait3A_111 : memref<128xf32, #tpu.memory_space<vmem>>)
    %dma_wait3A_117 = arith.constant 1 : i32
    %dma_wait3A_118 = arith.constant 128 : i32
    %dma_wait3A_119 = tpu.memref_slice %arg16[%dma_wait3A_118] : memref<512xf32, #tpu.memory_space<vmem>> -> memref<128xf32, #tpu.memory_space<vmem>>
    %dma_wait3A_120 = arith.constant 0 : i32
    %dma_wait3A_121 = tpu.memref_slice %arg11[%dma_wait3A_117, %dma_wait3A_120] : memref<4x128xi32, #tpu.memory_space<vmem>> -> memref<1x128xi32, #tpu.memory_space<vmem>>
    %dma_wait3A_122 = tpu.memref_squeeze %dma_wait3A_121 : memref<1x128xi32, #tpu.memory_space<vmem>> -> memref<128xi32, #tpu.memory_space<vmem>>
    %dma_wait3A_123 = arith.constant 0 : i32
    %dma_wait3A_124 = tpu.memref_slice %arg7[%dma_wait3A_123] : memref<1000000xf32, #tpu.memory_space<hbm>> -> memref<1000000xf32, #tpu.memory_space<hbm>>
    tpu.wait_indirect_dma semaphore(%arg43 : memref<!tpu.dma_semaphore, #tpu.memory_space<semaphore_mem>>) src(%dma_wait3A_124 : memref<1000000xf32, #tpu.memory_space<hbm>>) dst(%dma_wait3A_119 : memref<128xf32, #tpu.memory_space<vmem>>)
    %dma_wait3A_125 = arith.constant 2 : i32
    %dma_wait3A_126 = arith.constant 256 : i32
    %dma_wait3A_127 = tpu.memref_slice %arg15[%dma_wait3A_126] : memref<512xf32, #tpu.memory_space<vmem>> -> memref<128xf32, #tpu.memory_space<vmem>>
    %dma_wait3A_128 = arith.constant 0 : i32
    %dma_wait3A_129 = tpu.memref_slice %arg10[%dma_wait3A_125, %dma_wait3A_128] : memref<4x128xi32, #tpu.memory_space<vmem>> -> memref<1x128xi32, #tpu.memory_space<vmem>>
    %dma_wait3A_130 = tpu.memref_squeeze %dma_wait3A_129 : memref<1x128xi32, #tpu.memory_space<vmem>> -> memref<128xi32, #tpu.memory_space<vmem>>
    %dma_wait3A_131 = arith.constant 0 : i32
    %dma_wait3A_132 = tpu.memref_slice %arg6[%dma_wait3A_131] : memref<1000000xf32, #tpu.memory_space<hbm>> -> memref<1000000xf32, #tpu.memory_space<hbm>>
    tpu.wait_indirect_dma semaphore(%arg43 : memref<!tpu.dma_semaphore, #tpu.memory_space<semaphore_mem>>) src(%dma_wait3A_132 : memref<1000000xf32, #tpu.memory_space<hbm>>) dst(%dma_wait3A_127 : memref<128xf32, #tpu.memory_space<vmem>>)
    %dma_wait3A_133 = arith.constant 2 : i32
    %dma_wait3A_134 = arith.constant 256 : i32
    %dma_wait3A_135 = tpu.memref_slice %arg16[%dma_wait3A_134] : memref<512xf32, #tpu.memory_space<vmem>> -> memref<128xf32, #tpu.memory_space<vmem>>
    %dma_wait3A_136 = arith.constant 0 : i32
    %dma_wait3A_137 = tpu.memref_slice %arg11[%dma_wait3A_133, %dma_wait3A_136] : memref<4x128xi32, #tpu.memory_space<vmem>> -> memref<1x128xi32, #tpu.memory_space<vmem>>
    %dma_wait3A_138 = tpu.memref_squeeze %dma_wait3A_137 : memref<1x128xi32, #tpu.memory_space<vmem>> -> memref<128xi32, #tpu.memory_space<vmem>>
    %dma_wait3A_139 = arith.constant 0 : i32
    %dma_wait3A_140 = tpu.memref_slice %arg7[%dma_wait3A_139] : memref<1000000xf32, #tpu.memory_space<hbm>> -> memref<1000000xf32, #tpu.memory_space<hbm>>
    tpu.wait_indirect_dma semaphore(%arg43 : memref<!tpu.dma_semaphore, #tpu.memory_space<semaphore_mem>>) src(%dma_wait3A_140 : memref<1000000xf32, #tpu.memory_space<hbm>>) dst(%dma_wait3A_135 : memref<128xf32, #tpu.memory_space<vmem>>)
    %dma_wait3A_141 = arith.constant 3 : i32
    %dma_wait3A_142 = arith.constant 384 : i32
    %dma_wait3A_143 = tpu.memref_slice %arg15[%dma_wait3A_142] : memref<512xf32, #tpu.memory_space<vmem>> -> memref<128xf32, #tpu.memory_space<vmem>>
    %dma_wait3A_144 = arith.constant 0 : i32
    %dma_wait3A_145 = tpu.memref_slice %arg10[%dma_wait3A_141, %dma_wait3A_144] : memref<4x128xi32, #tpu.memory_space<vmem>> -> memref<1x128xi32, #tpu.memory_space<vmem>>
    %dma_wait3A_146 = tpu.memref_squeeze %dma_wait3A_145 : memref<1x128xi32, #tpu.memory_space<vmem>> -> memref<128xi32, #tpu.memory_space<vmem>>
    %dma_wait3A_147 = arith.constant 0 : i32
    %dma_wait3A_148 = tpu.memref_slice %arg6[%dma_wait3A_147] : memref<1000000xf32, #tpu.memory_space<hbm>> -> memref<1000000xf32, #tpu.memory_space<hbm>>
    tpu.wait_indirect_dma semaphore(%arg43 : memref<!tpu.dma_semaphore, #tpu.memory_space<semaphore_mem>>) src(%dma_wait3A_148 : memref<1000000xf32, #tpu.memory_space<hbm>>) dst(%dma_wait3A_143 : memref<128xf32, #tpu.memory_space<vmem>>)
    %dma_wait3A_149 = arith.constant 3 : i32
    %dma_wait3A_150 = arith.constant 384 : i32
    %dma_wait3A_151 = tpu.memref_slice %arg16[%dma_wait3A_150] : memref<512xf32, #tpu.memory_space<vmem>> -> memref<128xf32, #tpu.memory_space<vmem>>
    %dma_wait3A_152 = arith.constant 0 : i32
    %dma_wait3A_153 = tpu.memref_slice %arg11[%dma_wait3A_149, %dma_wait3A_152] : memref<4x128xi32, #tpu.memory_space<vmem>> -> memref<1x128xi32, #tpu.memory_space<vmem>>
    %dma_wait3A_154 = tpu.memref_squeeze %dma_wait3A_153 : memref<1x128xi32, #tpu.memory_space<vmem>> -> memref<128xi32, #tpu.memory_space<vmem>>
    %dma_wait3A_155 = arith.constant 0 : i32
    %dma_wait3A_156 = tpu.memref_slice %arg7[%dma_wait3A_155] : memref<1000000xf32, #tpu.memory_space<hbm>> -> memref<1000000xf32, #tpu.memory_space<hbm>>
    tpu.wait_indirect_dma semaphore(%arg43 : memref<!tpu.dma_semaphore, #tpu.memory_space<semaphore_mem>>) src(%dma_wait3A_156 : memref<1000000xf32, #tpu.memory_space<hbm>>) dst(%dma_wait3A_151 : memref<128xf32, #tpu.memory_space<vmem>>)
    %get3A = arith.constant 0 : index
    %get3A_157 = tpu.vector_load %arg17[%get3A] {strides = array<i32>} : memref<16xf32, #tpu.memory_space<vmem>>, vector<16xf32>,
    %slice3A = vector.extract_strided_slice %get3A_157 {offsets = [0], sizes = [1], strides = [1]} : vector<16xf32> to vector<1xf32>
    %squeeze3A = vector.extract %slice3A[0] : f32 from vector<1xf32>
    %mul3A_158 = arith.constant 16 : i32
    %mul3A_159 = vector.broadcast %mul3A_158 : i32 to vector<16xi32>
    %mul3A_160 = arith.muli %iota3A, %mul3A_159 : vector<16xi32>
    %scan3A_161 = arith.constant 0 : i32
    %scan3A_162 = arith.constant 0 : i32
    %scan3A_163 = arith.constant 32 : i32
    %scan3A_164 = arith.addi %scan3A_162, %scan3A_163 : i32
    %scan3A_165 = arith.constant 1 : i32
    scf.for %scan3A_167 = %scan3A_162 to %scan3A_164 step %scan3A_165  : i32 {
      %mul3A_168 = arith.constant 16 : i32
      %mul3A_169 = arith.muli %scan3A_167, %mul3A_168 : i32
      %mul3A_170 = arith.constant 32 : i32
      %mul3A_171 = arith.muli %mul3A_169, %mul3A_170 : i32
      %add3A_172 = arith.constant 0 : i32
      %add3A_173 = arith.addi %mul3A_171, %add3A_172 : i32
      %get3A_174 = arith.index_cast %add3A_173 : i32 to index
      %get3A_175 = tpu.vector_load %arg12[%get3A_174] {strides = array<i32>} : memref<16384xf32, #tpu.memory_space<vmem>>, vector<16xf32>,
      %get3A_176 = arith.index_cast %add3A_173 : i32 to index
      %get3A_177 = tpu.vector_load %arg13[%get3A_176] {strides = array<i32>} : memref<16384xf32, #tpu.memory_space<vmem>>, vector<16xf32>,
      %mul3A_178 = arith.mulf %get3A_175, %get3A_177 : vector<16xf32>
      %add3A_179 = arith.constant 16 : i32
      %add3A_180 = arith.addi %add3A_173, %add3A_179 : i32
      %get3A_181 = arith.index_cast %add3A_180 : i32 to index
      %get3A_182 = tpu.vector_load %arg12[%get3A_181] {strides = array<i32>} : memref<16384xf32, #tpu.memory_space<vmem>>, vector<16xf32>,
      %add3A_183 = arith.constant 16 : i32
      %add3A_184 = arith.addi %add3A_173, %add3A_183 : i32
      %get3A_185 = arith.index_cast %add3A_184 : i32 to index
      %get3A_186 = tpu.vector_load %arg13[%get3A_185] {strides = array<i32>} : memref<16384xf32, #tpu.memory_space<vmem>>, vector<16xf32>,
      %mul3A_187 = arith.mulf %get3A_182, %get3A_186 : vector<16xf32>
      %add3A_188 = arith.addf %mul3A_178, %mul3A_187 : vector<16xf32>
      %add3A_189 = arith.constant 0 : i32
      %add3A_190 = vector.broadcast %add3A_189 : i32 to vector<16xi32>
      %add3A_191 = arith.addi %mul3A_160, %add3A_190 : vector<16xi32>
      tpu.vector_store_idx %arg14[%add3A_191], %add3A_188 : memref<256xf32, #tpu.memory_space<vmem>>[vector<16xi32>], vector<16xf32>,
      %add3A_192 = arith.constant 32 : i32
      %add3A_193 = arith.addi %mul3A_171, %add3A_192 : i32
      %get3A_194 = arith.index_cast %add3A_193 : i32 to index
      %get3A_195 = tpu.vector_load %arg12[%get3A_194] {strides = array<i32>} : memref<16384xf32, #tpu.memory_space<vmem>>, vector<16xf32>,
      %get3A_196 = arith.index_cast %add3A_193 : i32 to index
      %get3A_197 = tpu.vector_load %arg13[%get3A_196] {strides = array<i32>} : memref<16384xf32, #tpu.memory_space<vmem>>, vector<16xf32>,
      %mul3A_198 = arith.mulf %get3A_195, %get3A_197 : vector<16xf32>
      %add3A_199 = arith.constant 16 : i32
      %add3A_200 = arith.addi %add3A_193, %add3A_199 : i32
      %get3A_201 = arith.index_cast %add3A_200 : i32 to index
      %get3A_202 = tpu.vector_load %arg12[%get3A_201] {strides = array<i32>} : memref<16384xf32, #tpu.memory_space<vmem>>, vector<16xf32>,
      %add3A_203 = arith.constant 16 : i32
      %add3A_204 = arith.addi %add3A_193, %add3A_203 : i32
      %get3A_205 = arith.index_cast %add3A_204 : i32 to index
      %get3A_206 = tpu.vector_load %arg13[%get3A_205] {strides = array<i32>} : memref<16384xf32, #tpu.memory_space<vmem>>, vector<16xf32>,
      %mul3A_207 = arith.mulf %get3A_202, %get3A_206 : vector<16xf32>
      %add3A_208 = arith.addf %mul3A_198, %mul3A_207 : vector<16xf32>
      %add3A_209 = arith.constant 1 : i32
      %add3A_210 = vector.broadcast %add3A_209 : i32 to vector<16xi32>
      %add3A_211 = arith.addi %mul3A_160, %add3A_210 : vector<16xi32>
      tpu.vector_store_idx %arg14[%add3A_211], %add3A_208 : memref<256xf32, #tpu.memory_space<vmem>>[vector<16xi32>], vector<16xf32>,
      %add3A_212 = arith.constant 64 : i32
      %add3A_213 = arith.addi %mul3A_171, %add3A_212 : i32
      %get3A_214 = arith.index_cast %add3A_213 : i32 to index
      %get3A_215 = tpu.vector_load %arg12[%get3A_214] {strides = array<i32>} : memref<16384xf32, #tpu.memory_space<vmem>>, vector<16xf32>,
      %get3A_216 = arith.index_cast %add3A_213 : i32 to index
      %get3A_217 = tpu.vector_load %arg13[%get3A_216] {strides = array<i32>} : memref<16384xf32, #tpu.memory_space<vmem>>, vector<16xf32>,
      %mul3A_218 = arith.mulf %get3A_215, %get3A_217 : vector<16xf32>
      %add3A_219 = arith.constant 16 : i32
      %add3A_220 = arith.addi %add3A_213, %add3A_219 : i32
      %get3A_221 = arith.index_cast %add3A_220 : i32 to index
      %get3A_222 = tpu.vector_load %arg12[%get3A_221] {strides = array<i32>} : memref<16384xf32, #tpu.memory_space<vmem>>, vector<16xf32>,
      %add3A_223 = arith.constant 16 : i32
      %add3A_224 = arith.addi %add3A_213, %add3A_223 : i32
      %get3A_225 = arith.index_cast %add3A_224 : i32 to index
      %get3A_226 = tpu.vector_load %arg13[%get3A_225] {strides = array<i32>} : memref<16384xf32, #tpu.memory_space<vmem>>, vector<16xf32>,
      %mul3A_227 = arith.mulf %get3A_222, %get3A_226 : vector<16xf32>
      %add3A_228 = arith.addf %mul3A_218, %mul3A_227 : vector<16xf32>
      %add3A_229 = arith.constant 2 : i32
      %add3A_230 = vector.broadcast %add3A_229 : i32 to vector<16xi32>
      %add3A_231 = arith.addi %mul3A_160, %add3A_230 : vector<16xi32>
      tpu.vector_store_idx %arg14[%add3A_231], %add3A_228 : memref<256xf32, #tpu.memory_space<vmem>>[vector<16xi32>], vector<16xf32>,
      %add3A_232 = arith.constant 96 : i32
      %add3A_233 = arith.addi %mul3A_171, %add3A_232 : i32
      %get3A_234 = arith.index_cast %add3A_233 : i32 to index
      %get3A_235 = tpu.vector_load %arg12[%get3A_234] {strides = array<i32>} : memref<16384xf32, #tpu.memory_space<vmem>>, vector<16xf32>,
      %get3A_236 = arith.index_cast %add3A_233 : i32 to index
      %get3A_237 = tpu.vector_load %arg13[%get3A_236] {strides = array<i32>} : memref<16384xf32, #tpu.memory_space<vmem>>, vector<16xf32>,
      %mul3A_238 = arith.mulf %get3A_235, %get3A_237 : vector<16xf32>
      %add3A_239 = arith.constant 16 : i32
      %add3A_240 = arith.addi %add3A_233, %add3A_239 : i32
      %get3A_241 = arith.index_cast %add3A_240 : i32 to index
      %get3A_242 = tpu.vector_load %arg12[%get3A_241] {strides = array<i32>} : memref<16384xf32, #tpu.memory_space<vmem>>, vector<16xf32>,
      %add3A_243 = arith.constant 16 : i32
      %add3A_244 = arith.addi %add3A_233, %add3A_243 : i32
      %get3A_245 = arith.index_cast %add3A_244 : i32 to index
      %get3A_246 = tpu.vector_load %arg13[%get3A_245] {strides = array<i32>} : memref<16384xf32, #tpu.memory_space<vmem>>, vector<16xf32>,
      %mul3A_247 = arith.mulf %get3A_242, %get3A_246 : vector<16xf32>
      %add3A_248 = arith.addf %mul3A_238, %mul3A_247 : vector<16xf32>
      %add3A_249 = arith.constant 3 : i32
      %add3A_250 = vector.broadcast %add3A_249 : i32 to vector<16xi32>
      %add3A_251 = arith.addi %mul3A_160, %add3A_250 : vector<16xi32>
      tpu.vector_store_idx %arg14[%add3A_251], %add3A_248 : memref<256xf32, #tpu.memory_space<vmem>>[vector<16xi32>], vector<16xf32>,
      %add3A_252 = arith.constant 128 : i32
      %add3A_253 = arith.addi %mul3A_171, %add3A_252 : i32
      %get3A_254 = arith.index_cast %add3A_253 : i32 to index
      %get3A_255 = tpu.vector_load %arg12[%get3A_254] {strides = array<i32>} : memref<16384xf32, #tpu.memory_space<vmem>>, vector<16xf32>,
      %get3A_256 = arith.index_cast %add3A_253 : i32 to index
      %get3A_257 = tpu.vector_load %arg13[%get3A_256] {strides = array<i32>} : memref<16384xf32, #tpu.memory_space<vmem>>, vector<16xf32>,
      %mul3A_258 = arith.mulf %get3A_255, %get3A_257 : vector<16xf32>
      %add3A_259 = arith.constant 16 : i32
      %add3A_260 = arith.addi %add3A_253, %add3A_259 : i32
      %get3A_261 = arith.index_cast %add3A_260 : i32 to index
      %get3A_262 = tpu.vector_load %arg12[%get3A_261] {strides = array<i32>} : memref<16384xf32, #tpu.memory_space<vmem>>, vector<16xf32>,
      %add3A_263 = arith.constant 16 : i32
      %add3A_264 = arith.addi %add3A_253, %add3A_263 : i32
      %get3A_265 = arith.index_cast %add3A_264 : i32 to index
      %get3A_266 = tpu.vector_load %arg13[%get3A_265] {strides = array<i32>} : memref<16384xf32, #tpu.memory_space<vmem>>, vector<16xf32>,
      %mul3A_267 = arith.mulf %get3A_262, %get3A_266 : vector<16xf32>
      %add3A_268 = arith.addf %mul3A_258, %mul3A_267 : vector<16xf32>
      %add3A_269 = arith.constant 4 : i32
      %add3A_270 = vector.broadcast %add3A_269 : i32 to vector<16xi32>
      %add3A_271 = arith.addi %mul3A_160, %add3A_270 : vector<16xi32>
      tpu.vector_store_idx %arg14[%add3A_271], %add3A_268 : memref<256xf32, #tpu.memory_space<vmem>>[vector<16xi32>], vector<16xf32>,
      %add3A_272 = arith.constant 160 : i32
      %add3A_273 = arith.addi %mul3A_171, %add3A_272 : i32
      %get3A_274 = arith.index_cast %add3A_273 : i32 to index
      %get3A_275 = tpu.vector_load %arg12[%get3A_274] {strides = array<i32>} : memref<16384xf32, #tpu.memory_space<vmem>>, vector<16xf32>,
      %get3A_276 = arith.index_cast %add3A_273 : i32 to index
      %get3A_277 = tpu.vector_load %arg13[%get3A_276] {strides = array<i32>} : memref<16384xf32, #tpu.memory_space<vmem>>, vector<16xf32>,
      %mul3A_278 = arith.mulf %get3A_275, %get3A_277 : vector<16xf32>
      %add3A_279 = arith.constant 16 : i32
      %add3A_280 = arith.addi %add3A_273, %add3A_279 : i32
      %get3A_281 = arith.index_cast %add3A_280 : i32 to index
      %get3A_282 = tpu.vector_load %arg12[%get3A_281] {strides = array<i32>} : memref<16384xf32, #tpu.memory_space<vmem>>, vector<16xf32>,
      %add3A_283 = arith.constant 16 : i32
      %add3A_284 = arith.addi %add3A_273, %add3A_283 : i32
      %get3A_285 = arith.index_cast %add3A_284 : i32 to index
      %get3A_286 = tpu.vector_load %arg13[%get3A_285] {strides = array<i32>} : memref<16384xf32, #tpu.memory_space<vmem>>, vector<16xf32>,
      %mul3A_287 = arith.mulf %get3A_282, %get3A_286 : vector<16xf32>
      %add3A_288 = arith.addf %mul3A_278, %mul3A_287 : vector<16xf32>
      %add3A_289 = arith.constant 5 : i32
      %add3A_290 = vector.broadcast %add3A_289 : i32 to vector<16xi32>
      %add3A_291 = arith.addi %mul3A_160, %add3A_290 : vector<16xi32>
      tpu.vector_store_idx %arg14[%add3A_291], %add3A_288 : memref<256xf32, #tpu.memory_space<vmem>>[vector<16xi32>], vector<16xf32>,
      %add3A_292 = arith.constant 192 : i32
      %add3A_293 = arith.addi %mul3A_171, %add3A_292 : i32
      %get3A_294 = arith.index_cast %add3A_293 : i32 to index
      %get3A_295 = tpu.vector_load %arg12[%get3A_294] {strides = array<i32>} : memref<16384xf32, #tpu.memory_space<vmem>>, vector<16xf32>,
      %get3A_296 = arith.index_cast %add3A_293 : i32 to index
      %get3A_297 = tpu.vector_load %arg13[%get3A_296] {strides = array<i32>} : memref<16384xf32, #tpu.memory_space<vmem>>, vector<16xf32>,
      %mul3A_298 = arith.mulf %get3A_295, %get3A_297 : vector<16xf32>
      %add3A_299 = arith.constant 16 : i32
      %add3A_300 = arith.addi %add3A_293, %add3A_299 : i32
      %get3A_301 = arith.index_cast %add3A_300 : i32 to index
      %get3A_302 = tpu.vector_load %arg12[%get3A_301] {strides = array<i32>} : memref<16384xf32, #tpu.memory_space<vmem>>, vector<16xf32>,
      %add3A_303 = arith.constant 16 : i32
      %add3A_304 = arith.addi %add3A_293, %add3A_303 : i32
      %get3A_305 = arith.index_cast %add3A_304 : i32 to index
      %get3A_306 = tpu.vector_load %arg13[%get3A_305] {strides = array<i32>} : memref<16384xf32, #tpu.memory_space<vmem>>, vector<16xf32>,
      %mul3A_307 = arith.mulf %get3A_302, %get3A_306 : vector<16xf32>
      %add3A_308 = arith.addf %mul3A_298, %mul3A_307 : vector<16xf32>
      %add3A_309 = arith.constant 6 : i32
      %add3A_310 = vector.broadcast %add3A_309 : i32 to vector<16xi32>
      %add3A_311 = arith.addi %mul3A_160, %add3A_310 : vector<16xi32>
      tpu.vector_store_idx %arg14[%add3A_311], %add3A_308 : memref<256xf32, #tpu.memory_space<vmem>>[vector<16xi32>], vector<16xf32>,
      %add3A_312 = arith.constant 224 : i32
      %add3A_313 = arith.addi %mul3A_171, %add3A_312 : i32
      %get3A_314 = arith.index_cast %add3A_313 : i32 to index
      %get3A_315 = tpu.vector_load %arg12[%get3A_314] {strides = array<i32>} : memref<16384xf32, #tpu.memory_space<vmem>>, vector<16xf32>,
      %get3A_316 = arith.index_cast %add3A_313 : i32 to index
      %get3A_317 = tpu.vector_load %arg13[%get3A_316] {strides = array<i32>} : memref<16384xf32, #tpu.memory_space<vmem>>, vector<16xf32>,
      %mul3A_318 = arith.mulf %get3A_315, %get3A_317 : vector<16xf32>
      %add3A_319 = arith.constant 16 : i32
      %add3A_320 = arith.addi %add3A_313, %add3A_319 : i32
      %get3A_321 = arith.index_cast %add3A_320 : i32 to index
      %get3A_322 = tpu.vector_load %arg12[%get3A_321] {strides = array<i32>} : memref<16384xf32, #tpu.memory_space<vmem>>, vector<16xf32>,
      %add3A_323 = arith.constant 16 : i32
      %add3A_324 = arith.addi %add3A_313, %add3A_323 : i32
      %get3A_325 = arith.index_cast %add3A_324 : i32 to index
      %get3A_326 = tpu.vector_load %arg13[%get3A_325] {strides = array<i32>} : memref<16384xf32, #tpu.memory_space<vmem>>, vector<16xf32>,
      %mul3A_327 = arith.mulf %get3A_322, %get3A_326 : vector<16xf32>
      %add3A_328 = arith.addf %mul3A_318, %mul3A_327 : vector<16xf32>
      %add3A_329 = arith.constant 7 : i32
      %add3A_330 = vector.broadcast %add3A_329 : i32 to vector<16xi32>
      %add3A_331 = arith.addi %mul3A_160, %add3A_330 : vector<16xi32>
      tpu.vector_store_idx %arg14[%add3A_331], %add3A_328 : memref<256xf32, #tpu.memory_space<vmem>>[vector<16xi32>], vector<16xf32>,
      %add3A_332 = arith.constant 256 : i32
      %add3A_333 = arith.addi %mul3A_171, %add3A_332 : i32
      %get3A_334 = arith.index_cast %add3A_333 : i32 to index
      %get3A_335 = tpu.vector_load %arg12[%get3A_334] {strides = array<i32>} : memref<16384xf32, #tpu.memory_space<vmem>>, vector<16xf32>,
      %get3A_336 = arith.index_cast %add3A_333 : i32 to index
      %get3A_337 = tpu.vector_load %arg13[%get3A_336] {strides = array<i32>} : memref<16384xf32, #tpu.memory_space<vmem>>, vector<16xf32>,
      %mul3A_338 = arith.mulf %get3A_335, %get3A_337 : vector<16xf32>
      %add3A_339 = arith.constant 16 : i32
      %add3A_340 = arith.addi %add3A_333, %add3A_339 : i32
      %get3A_341 = arith.index_cast %add3A_340 : i32 to index
      %get3A_342 = tpu.vector_load %arg12[%get3A_341] {strides = array<i32>} : memref<16384xf32, #tpu.memory_space<vmem>>, vector<16xf32>,
      %add3A_343 = arith.constant 16 : i32
      %add3A_344 = arith.addi %add3A_333, %add3A_343 : i32
      %get3A_345 = arith.index_cast %add3A_344 : i32 to index
      %get3A_346 = tpu.vector_load %arg13[%get3A_345] {strides = array<i32>} : memref<16384xf32, #tpu.memory_space<vmem>>, vector<16xf32>,
      %mul3A_347 = arith.mulf %get3A_342, %get3A_346 : vector<16xf32>
      %add3A_348 = arith.addf %mul3A_338, %mul3A_347 : vector<16xf32>
      %add3A_349 = arith.constant 8 : i32
      %add3A_350 = vector.broadcast %add3A_349 : i32 to vector<16xi32>
      %add3A_351 = arith.addi %mul3A_160, %add3A_350 : vector<16xi32>
      tpu.vector_store_idx %arg14[%add3A_351], %add3A_348 : memref<256xf32, #tpu.memory_space<vmem>>[vector<16xi32>], vector<16xf32>,
      %add3A_352 = arith.constant 288 : i32
      %add3A_353 = arith.addi %mul3A_171, %add3A_352 : i32
      %get3A_354 = arith.index_cast %add3A_353 : i32 to index
      %get3A_355 = tpu.vector_load %arg12[%get3A_354] {strides = array<i32>} : memref<16384xf32, #tpu.memory_space<vmem>>, vector<16xf32>,
      %get3A_356 = arith.index_cast %add3A_353 : i32 to index
      %get3A_357 = tpu.vector_load %arg13[%get3A_356] {strides = array<i32>} : memref<16384xf32, #tpu.memory_space<vmem>>, vector<16xf32>,
      %mul3A_358 = arith.mulf %get3A_355, %get3A_357 : vector<16xf32>
      %add3A_359 = arith.constant 16 : i32
      %add3A_360 = arith.addi %add3A_353, %add3A_359 : i32
      %get3A_361 = arith.index_cast %add3A_360 : i32 to index
      %get3A_362 = tpu.vector_load %arg12[%get3A_361] {strides = array<i32>} : memref<16384xf32, #tpu.memory_space<vmem>>, vector<16xf32>,
      %add3A_363 = arith.constant 16 : i32
      %add3A_364 = arith.addi %add3A_353, %add3A_363 : i32
      %get3A_365 = arith.index_cast %add3A_364 : i32 to index
      %get3A_366 = tpu.vector_load %arg13[%get3A_365] {strides = array<i32>} : memref<16384xf32, #tpu.memory_space<vmem>>, vector<16xf32>,
      %mul3A_367 = arith.mulf %get3A_362, %get3A_366 : vector<16xf32>
      %add3A_368 = arith.addf %mul3A_358, %mul3A_367 : vector<16xf32>
      %add3A_369 = arith.constant 9 : i32
      %add3A_370 = vector.broadcast %add3A_369 : i32 to vector<16xi32>
      %add3A_371 = arith.addi %mul3A_160, %add3A_370 : vector<16xi32>
      tpu.vector_store_idx %arg14[%add3A_371], %add3A_368 : memref<256xf32, #tpu.memory_space<vmem>>[vector<16xi32>], vector<16xf32>,
      %add3A_372 = arith.constant 320 : i32
      %add3A_373 = arith.addi %mul3A_171, %add3A_372 : i32
      %get3A_374 = arith.index_cast %add3A_373 : i32 to index
      %get3A_375 = tpu.vector_load %arg12[%get3A_374] {strides = array<i32>} : memref<16384xf32, #tpu.memory_space<vmem>>, vector<16xf32>,
      %get3A_376 = arith.index_cast %add3A_373 : i32 to index
      %get3A_377 = tpu.vector_load %arg13[%get3A_376] {strides = array<i32>} : memref<16384xf32, #tpu.memory_space<vmem>>, vector<16xf32>,
      %mul3A_378 = arith.mulf %get3A_375, %get3A_377 : vector<16xf32>
      %add3A_379 = arith.constant 16 : i32
      %add3A_380 = arith.addi %add3A_373, %add3A_379 : i32
      %get3A_381 = arith.index_cast %add3A_380 : i32 to index
      %get3A_382 = tpu.vector_load %arg12[%get3A_381] {strides = array<i32>} : memref<16384xf32, #tpu.memory_space<vmem>>, vector<16xf32>,
      %add3A_383 = arith.constant 16 : i32
      %add3A_384 = arith.addi %add3A_373, %add3A_383 : i32
      %get3A_385 = arith.index_cast %add3A_384 : i32 to index
      %get3A_386 = tpu.vector_load %arg13[%get3A_385] {strides = array<i32>} : memref<16384xf32, #tpu.memory_space<vmem>>, vector<16xf32>,
      %mul3A_387 = arith.mulf %get3A_382, %get3A_386 : vector<16xf32>
      %add3A_388 = arith.addf %mul3A_378, %mul3A_387 : vector<16xf32>
      %add3A_389 = arith.constant 10 : i32
      %add3A_390 = vector.broadcast %add3A_389 : i32 to vector<16xi32>
      %add3A_391 = arith.addi %mul3A_160, %add3A_390 : vector<16xi32>
      tpu.vector_store_idx %arg14[%add3A_391], %add3A_388 : memref<256xf32, #tpu.memory_space<vmem>>[vector<16xi32>], vector<16xf32>,
      %add3A_392 = arith.constant 352 : i32
      %add3A_393 = arith.addi %mul3A_171, %add3A_392 : i32
      %get3A_394 = arith.index_cast %add3A_393 : i32 to index
      %get3A_395 = tpu.vector_load %arg12[%get3A_394] {strides = array<i32>} : memref<16384xf32, #tpu.memory_space<vmem>>, vector<16xf32>,
      %get3A_396 = arith.index_cast %add3A_393 : i32 to index
      %get3A_397 = tpu.vector_load %arg13[%get3A_396] {strides = array<i32>} : memref<16384xf32, #tpu.memory_space<vmem>>, vector<16xf32>,
      %mul3A_398 = arith.mulf %get3A_395, %get3A_397 : vector<16xf32>
      %add3A_399 = arith.constant 16 : i32
      %add3A_400 = arith.addi %add3A_393, %add3A_399 : i32
      %get3A_401 = arith.index_cast %add3A_400 : i32 to index
      %get3A_402 = tpu.vector_load %arg12[%get3A_401] {strides = array<i32>} : memref<16384xf32, #tpu.memory_space<vmem>>, vector<16xf32>,
      %add3A_403 = arith.constant 16 : i32
      %add3A_404 = arith.addi %add3A_393, %add3A_403 : i32
      %get3A_405 = arith.index_cast %add3A_404 : i32 to index
      %get3A_406 = tpu.vector_load %arg13[%get3A_405] {strides = array<i32>} : memref<16384xf32, #tpu.memory_space<vmem>>, vector<16xf32>,
      %mul3A_407 = arith.mulf %get3A_402, %get3A_406 : vector<16xf32>
      %add3A_408 = arith.addf %mul3A_398, %mul3A_407 : vector<16xf32>
      %add3A_409 = arith.constant 11 : i32
      %add3A_410 = vector.broadcast %add3A_409 : i32 to vector<16xi32>
      %add3A_411 = arith.addi %mul3A_160, %add3A_410 : vector<16xi32>
      tpu.vector_store_idx %arg14[%add3A_411], %add3A_408 : memref<256xf32, #tpu.memory_space<vmem>>[vector<16xi32>], vector<16xf32>,
      %add3A_412 = arith.constant 384 : i32
      %add3A_413 = arith.addi %mul3A_171, %add3A_412 : i32
      %get3A_414 = arith.index_cast %add3A_413 : i32 to index
      %get3A_415 = tpu.vector_load %arg12[%get3A_414] {strides = array<i32>} : memref<16384xf32, #tpu.memory_space<vmem>>, vector<16xf32>,
      %get3A_416 = arith.index_cast %add3A_413 : i32 to index
      %get3A_417 = tpu.vector_load %arg13[%get3A_416] {strides = array<i32>} : memref<16384xf32, #tpu.memory_space<vmem>>, vector<16xf32>,
      %mul3A_418 = arith.mulf %get3A_415, %get3A_417 : vector<16xf32>
      %add3A_419 = arith.constant 16 : i32
      %add3A_420 = arith.addi %add3A_413, %add3A_419 : i32
      %get3A_421 = arith.index_cast %add3A_420 : i32 to index
      %get3A_422 = tpu.vector_load %arg12[%get3A_421] {strides = array<i32>} : memref<16384xf32, #tpu.memory_space<vmem>>, vector<16xf32>,
      %add3A_423 = arith.constant 16 : i32
      %add3A_424 = arith.addi %add3A_413, %add3A_423 : i32
      %get3A_425 = arith.index_cast %add3A_424 : i32 to index
      %get3A_426 = tpu.vector_load %arg13[%get3A_425] {strides = array<i32>} : memref<16384xf32, #tpu.memory_space<vmem>>, vector<16xf32>,
      %mul3A_427 = arith.mulf %get3A_422, %get3A_426 : vector<16xf32>
      %add3A_428 = arith.addf %mul3A_418, %mul3A_427 : vector<16xf32>
      %add3A_429 = arith.constant 12 : i32
      %add3A_430 = vector.broadcast %add3A_429 : i32 to vector<16xi32>
      %add3A_431 = arith.addi %mul3A_160, %add3A_430 : vector<16xi32>
      tpu.vector_store_idx %arg14[%add3A_431], %add3A_428 : memref<256xf32, #tpu.memory_space<vmem>>[vector<16xi32>], vector<16xf32>,
      %add3A_432 = arith.constant 416 : i32
      %add3A_433 = arith.addi %mul3A_171, %add3A_432 : i32
      %get3A_434 = arith.index_cast %add3A_433 : i32 to index
      %get3A_435 = tpu.vector_load %arg12[%get3A_434] {strides = array<i32>} : memref<16384xf32, #tpu.memory_space<vmem>>, vector<16xf32>,
      %get3A_436 = arith.index_cast %add3A_433 : i32 to index
      %get3A_437 = tpu.vector_load %arg13[%get3A_436] {strides = array<i32>} : memref<16384xf32, #tpu.memory_space<vmem>>, vector<16xf32>,
      %mul3A_438 = arith.mulf %get3A_435, %get3A_437 : vector<16xf32>
      %add3A_439 = arith.constant 16 : i32
      %add3A_440 = arith.addi %add3A_433, %add3A_439 : i32
      %get3A_441 = arith.index_cast %add3A_440 : i32 to index
      %get3A_442 = tpu.vector_load %arg12[%get3A_441] {strides = array<i32>} : memref<16384xf32, #tpu.memory_space<vmem>>, vector<16xf32>,
      %add3A_443 = arith.constant 16 : i32
      %add3A_444 = arith.addi %add3A_433, %add3A_443 : i32
      %get3A_445 = arith.index_cast %add3A_444 : i32 to index
      %get3A_446 = tpu.vector_load %arg13[%get3A_445] {strides = array<i32>} : memref<16384xf32, #tpu.memory_space<vmem>>, vector<16xf32>,
      %mul3A_447 = arith.mulf %get3A_442, %get3A_446 : vector<16xf32>
      %add3A_448 = arith.addf %mul3A_438, %mul3A_447 : vector<16xf32>
      %add3A_449 = arith.constant 13 : i32
      %add3A_450 = vector.broadcast %add3A_449 : i32 to vector<16xi32>
      %add3A_451 = arith.addi %mul3A_160, %add3A_450 : vector<16xi32>
      tpu.vector_store_idx %arg14[%add3A_451], %add3A_448 : memref<256xf32, #tpu.memory_space<vmem>>[vector<16xi32>], vector<16xf32>,
      %add3A_452 = arith.constant 448 : i32
      %add3A_453 = arith.addi %mul3A_171, %add3A_452 : i32
      %get3A_454 = arith.index_cast %add3A_453 : i32 to index
      %get3A_455 = tpu.vector_load %arg12[%get3A_454] {strides = array<i32>} : memref<16384xf32, #tpu.memory_space<vmem>>, vector<16xf32>,
      %get3A_456 = arith.index_cast %add3A_453 : i32 to index
      %get3A_457 = tpu.vector_load %arg13[%get3A_456] {strides = array<i32>} : memref<16384xf32, #tpu.memory_space<vmem>>, vector<16xf32>,
      %mul3A_458 = arith.mulf %get3A_455, %get3A_457 : vector<16xf32>
      %add3A_459 = arith.constant 16 : i32
      %add3A_460 = arith.addi %add3A_453, %add3A_459 : i32
      %get3A_461 = arith.index_cast %add3A_460 : i32 to index
      %get3A_462 = tpu.vector_load %arg12[%get3A_461] {strides = array<i32>} : memref<16384xf32, #tpu.memory_space<vmem>>, vector<16xf32>,
      %add3A_463 = arith.constant 16 : i32
      %add3A_464 = arith.addi %add3A_453, %add3A_463 : i32
      %get3A_465 = arith.index_cast %add3A_464 : i32 to index
      %get3A_466 = tpu.vector_load %arg13[%get3A_465] {strides = array<i32>} : memref<16384xf32, #tpu.memory_space<vmem>>, vector<16xf32>,
      %mul3A_467 = arith.mulf %get3A_462, %get3A_466 : vector<16xf32>
      %add3A_468 = arith.addf %mul3A_458, %mul3A_467 : vector<16xf32>
      %add3A_469 = arith.constant 14 : i32
      %add3A_470 = vector.broadcast %add3A_469 : i32 to vector<16xi32>
      %add3A_471 = arith.addi %mul3A_160, %add3A_470 : vector<16xi32>
      tpu.vector_store_idx %arg14[%add3A_471], %add3A_468 : memref<256xf32, #tpu.memory_space<vmem>>[vector<16xi32>], vector<16xf32>,
      %add3A_472 = arith.constant 480 : i32
      %add3A_473 = arith.addi %mul3A_171, %add3A_472 : i32
      %get3A_474 = arith.index_cast %add3A_473 : i32 to index
      %get3A_475 = tpu.vector_load %arg12[%get3A_474] {strides = array<i32>} : memref<16384xf32, #tpu.memory_space<vmem>>, vector<16xf32>,
      %get3A_476 = arith.index_cast %add3A_473 : i32 to index
      %get3A_477 = tpu.vector_load %arg13[%get3A_476] {strides = array<i32>} : memref<16384xf32, #tpu.memory_space<vmem>>, vector<16xf32>,
      %mul3A_478 = arith.mulf %get3A_475, %get3A_477 : vector<16xf32>
      %add3A_479 = arith.constant 16 : i32
      %add3A_480 = arith.addi %add3A_473, %add3A_479 : i32
      %get3A_481 = arith.index_cast %add3A_480 : i32 to index
      %get3A_482 = tpu.vector_load %arg12[%get3A_481] {strides = array<i32>} : memref<16384xf32, #tpu.memory_space<vmem>>, vector<16xf32>,
      %add3A_483 = arith.constant 16 : i32
      %add3A_484 = arith.addi %add3A_473, %add3A_483 : i32
      %get3A_485 = arith.index_cast %add3A_484 : i32 to index
      %get3A_486 = tpu.vector_load %arg13[%get3A_485] {strides = array<i32>} : memref<16384xf32, #tpu.memory_space<vmem>>, vector<16xf32>,
      %mul3A_487 = arith.mulf %get3A_482, %get3A_486 : vector<16xf32>
      %add3A_488 = arith.addf %mul3A_478, %mul3A_487 : vector<16xf32>
      %add3A_489 = arith.constant 15 : i32
      %add3A_490 = vector.broadcast %add3A_489 : i32 to vector<16xi32>
      %add3A_491 = arith.addi %mul3A_160, %add3A_490 : vector<16xi32>
      tpu.vector_store_idx %arg14[%add3A_491], %add3A_488 : memref<256xf32, #tpu.memory_space<vmem>>[vector<16xi32>], vector<16xf32>,
      %get3A_492 = arith.index_cast %mul3A_169 : i32 to index
      %get3A_493 = tpu.vector_load %arg15[%get3A_492] {strides = array<i32>} : memref<512xf32, #tpu.memory_space<vmem>>, vector<16xf32>,
      %get3A_494 = arith.index_cast %mul3A_169 : i32 to index
      %get3A_495 = tpu.vector_load %arg16[%get3A_494] {strides = array<i32>} : memref<512xf32, #tpu.memory_space<vmem>>, vector<16xf32>,
      %add3A_496 = arith.addf %get3A_493, %get3A_495 : vector<16xf32>
      %add3A_497 = vector.broadcast %squeeze3A : f32 to vector<16xf32>
      %add3A_498 = arith.addf %add3A_496, %add3A_497 : vector<16xf32>
      %get3A_499 = arith.constant 0 : index
      %get3A_500 = tpu.vector_load %arg14[%get3A_499] {strides = array<i32>} : memref<256xf32, #tpu.memory_space<vmem>>, vector<16xf32>,
      %add3A_501 = arith.addf %add3A_498, %get3A_500 : vector<16xf32>
      %get3A_502 = arith.constant 16 : index
      %get3A_503 = tpu.vector_load %arg14[%get3A_502] {strides = array<i32>} : memref<256xf32, #tpu.memory_space<vmem>>, vector<16xf32>,
      %add3A_504 = arith.addf %add3A_501, %get3A_503 : vector<16xf32>
      %get3A_505 = arith.constant 32 : index
      %get3A_506 = tpu.vector_load %arg14[%get3A_505] {strides = array<i32>} : memref<256xf32, #tpu.memory_space<vmem>>, vector<16xf32>,
      %add3A_507 = arith.addf %add3A_504, %get3A_506 : vector<16xf32>
      %get3A_508 = arith.constant 48 : index
      %get3A_509 = tpu.vector_load %arg14[%get3A_508] {strides = array<i32>} : memref<256xf32, #tpu.memory_space<vmem>>, vector<16xf32>,
      %add3A_510 = arith.addf %add3A_507, %get3A_509 : vector<16xf32>
      %get3A_511 = arith.constant 64 : index
      %get3A_512 = tpu.vector_load %arg14[%get3A_511] {strides = array<i32>} : memref<256xf32, #tpu.memory_space<vmem>>, vector<16xf32>,
      %add3A_513 = arith.addf %add3A_510, %get3A_512 : vector<16xf32>
      %get3A_514 = arith.constant 80 : index
      %get3A_515 = tpu.vector_load %arg14[%get3A_514] {strides = array<i32>} : memref<256xf32, #tpu.memory_space<vmem>>, vector<16xf32>,
      %add3A_516 = arith.addf %add3A_513, %get3A_515 : vector<16xf32>
      %get3A_517 = arith.constant 96 : index
      %get3A_518 = tpu.vector_load %arg14[%get3A_517] {strides = array<i32>} : memref<256xf32, #tpu.memory_space<vmem>>, vector<16xf32>,
      %add3A_519 = arith.addf %add3A_516, %get3A_518 : vector<16xf32>
      %get3A_520 = arith.constant 112 : index
      %get3A_521 = tpu.vector_load %arg14[%get3A_520] {strides = array<i32>} : memref<256xf32, #tpu.memory_space<vmem>>, vector<16xf32>,
      %add3A_522 = arith.addf %add3A_519, %get3A_521 : vector<16xf32>
      %get3A_523 = arith.constant 128 : index
      %get3A_524 = tpu.vector_load %arg14[%get3A_523] {strides = array<i32>} : memref<256xf32, #tpu.memory_space<vmem>>, vector<16xf32>,
      %add3A_525 = arith.addf %add3A_522, %get3A_524 : vector<16xf32>
      %get3A_526 = arith.constant 144 : index
      %get3A_527 = tpu.vector_load %arg14[%get3A_526] {strides = array<i32>} : memref<256xf32, #tpu.memory_space<vmem>>, vector<16xf32>,
      %add3A_528 = arith.addf %add3A_525, %get3A_527 : vector<16xf32>
      %get3A_529 = arith.constant 160 : index
      %get3A_530 = tpu.vector_load %arg14[%get3A_529] {strides = array<i32>} : memref<256xf32, #tpu.memory_space<vmem>>, vector<16xf32>,
      %add3A_531 = arith.addf %add3A_528, %get3A_530 : vector<16xf32>
      %get3A_532 = arith.constant 176 : index
      %get3A_533 = tpu.vector_load %arg14[%get3A_532] {strides = array<i32>} : memref<256xf32, #tpu.memory_space<vmem>>, vector<16xf32>,
      %add3A_534 = arith.addf %add3A_531, %get3A_533 : vector<16xf32>
      %get3A_535 = arith.constant 192 : index
      %get3A_536 = tpu.vector_load %arg14[%get3A_535] {strides = array<i32>} : memref<256xf32, #tpu.memory_space<vmem>>, vector<16xf32>,
      %add3A_537 = arith.addf %add3A_534, %get3A_536 : vector<16xf32>
      %get3A_538 = arith.constant 208 : index
      %get3A_539 = tpu.vector_load %arg14[%get3A_538] {strides = array<i32>} : memref<256xf32, #tpu.memory_space<vmem>>, vector<16xf32>,
      %add3A_540 = arith.addf %add3A_537, %get3A_539 : vector<16xf32>
      %get3A_541 = arith.constant 224 : index
      %get3A_542 = tpu.vector_load %arg14[%get3A_541] {strides = array<i32>} : memref<256xf32, #tpu.memory_space<vmem>>, vector<16xf32>,
      %add3A_543 = arith.addf %add3A_540, %get3A_542 : vector<16xf32>
      %get3A_544 = arith.constant 240 : index
      %get3A_545 = tpu.vector_load %arg14[%get3A_544] {strides = array<i32>} : memref<256xf32, #tpu.memory_space<vmem>>, vector<16xf32>,
      %add3A_546 = arith.addf %add3A_543, %get3A_545 : vector<16xf32>
      %swap3A = arith.index_cast %mul3A_169 : i32 to index
      %swap3A_547 = tpu.vector_load %arg18[%swap3A] {strides = array<i32>} : memref<512xf32, #tpu.memory_space<vmem>>, vector<16xf32>,
      tpu.vector_store %arg18[%swap3A], %add3A_546 {strides = array<i32>} : memref<512xf32, #tpu.memory_space<vmem>>, vector<16xf32>,
    }
    %scan3A_166 = arith.constant 32 : i32
    "tpu.region"() ({
      %run_scoped3A_167 = tpu.sem_alloc : memref<!tpu.dma_semaphore, #tpu.memory_space<semaphore_mem>>
      %dma_start3A_168 = tpu.memref_slice %arg9[%mul3A_2] : memref<16384xf32, #tpu.memory_space<hbm>> -> memref<512xf32, #tpu.memory_space<hbm>>
      %dma_start3A_169 = tpu.memref_slice %arg9[%mul3A_2] : memref<16384xf32, #tpu.memory_space<hbm>> -> memref<512xf32, #tpu.memory_space<hbm>>
      tpu.enqueue_dma source(%arg18 : memref<512xf32, #tpu.memory_space<vmem>>) target(%dma_start3A_169 : memref<512xf32, #tpu.memory_space<hbm>>) target_semaphore(%run_scoped3A_167 : memref<!tpu.dma_semaphore, #tpu.memory_space<semaphore_mem>>)
      %dma_wait3A_170 = tpu.memref_slice %arg9[%mul3A_2] : memref<16384xf32, #tpu.memory_space<hbm>> -> memref<512xf32, #tpu.memory_space<hbm>>
      %dma_wait3A_171 = tpu.memref_slice %arg9[%mul3A_2] : memref<16384xf32, #tpu.memory_space<hbm>> -> memref<512xf32, #tpu.memory_space<hbm>>
      tpu.wait_dma2 semaphore(%run_scoped3A_167 : memref<!tpu.dma_semaphore, #tpu.memory_space<semaphore_mem>>) src(%arg18 : memref<512xf32, #tpu.memory_space<vmem>>) dst(%dma_wait3A_171 : memref<512xf32, #tpu.memory_space<hbm>>)
      tpu.yield
    }) : () -> ()
    return
  }
}

</mosaic_0001>

<sc_bundles>
// kernel: _mf_sc.3.cloned.1.call-start
scs
__scs_entry_jumppad:
0x0: {  	(pc) =	sbr.rel $0x88, $3  }
0x1: {  	(tag) =	ssettag $0x0;
	lr =	simm.s32 $0x1  }
0x2: {  	[smem:$0x3F9A] =	sst lr;
	_ =	strace $0xD0000000  }
0x3: {  	_ = 	snop  }
0x4: {  	_ = 	snop  }
0x5: {  	_ = 	snop  }
0x6: {  	_ = 	snop  }
0x7: {  	_ = 	snop  }
__scs_overlays_trampoline_lowered:
0x8: {  	[smem:$0x3FA9] =	sst s0  }
0x9: {  	[smem:$0x3FAA] =	sst s1  }
0xa: {  	[smem:$0x3FAB] =	sst s2  }
0xb: {  	[smem:$0x3FAC] =	sst s3  }
0xc: {  	[smem:$0x3FAD] =	sst s4  }
0xd: {  	[smem:$0x3FAE] =	sst s5  }
0xe: {  	[smem:$0x3FAF] =	sst s6  }
0xf: {  	[smem:$0x3FB0] =	sst s7  }
0x10: {  	[smem:$0x3FB1] =	sst s8  }
0x11: {  	[smem:$0x3FB2] =	sst s9;
	s0 =	simm.s32 @!p0 $0x0  }
0x12: {  	s1 =	sld [smem:$0x3F98];
	s0 =	simm.s32 @p0 $0x1  }
0x13: {  	[smem:$0x3FB3] =	sst s0;
	s0 =	simm.s32 @!p1 $0x0  }
0x14: {  	s2 =	sld [smem:$0x3F97];
	s0 =	simm.s32 @p1 $0x1  }
0x15: {  	[smem:$0x3FB4] =	sst s0;
	s0 =	simm.s32 @!p2 $0x0  }
0x16: {  	s3 =	sld [smem:$0x3FDB];
	s0 =	simm.s32 @p2 $0x1  }
0x17: {  	s4 =	simm.s32 $0x1BF5;
	[smem:$0x3FB6] =	sst s0  }
0x18: {  	s0 =	sld [smem:$0x3F99];
	_ =	swait.ge [sflag:s4], $0x0  }
0x19: {  	s7 =	sld [smem:$0x3F9A]  }
0x1a: {  	s8 =	sadd.s32 $0xFFFFE003, lr  }
0x1b: {  	s9 =	sadd.s32 $0xFFFFFEF7, lr;
	s5 =	simm.s32 $0xFFFFFFFF;
	p2 =	slt.u32 s8, $0xFFFFF086  }
0x1c: {  	p1 =	slt.u32 s9, $0xF7A;
	s5 =	simm.s32 @!p2 $0x0  }
0x1d: {  	s5 =	simm.s32 @p1 $0x1;
	p0 =	seq.s32 s7, s2  }
0x1e: {  	s7 =	smul.u32 @!p0 $0xF7A, s2;
	p2 =	seq.s32 @!p0 s5, $0x0  }
0x1f: {  	s9 =	smul.u32 $0xF7A, s1;
	s8 =	simm.s32 @!p0 $0x1BF5;
	p2 =	por !p2, p0  }
0x20: {  	[sflag:s8] =	ssyncset.s32 @!p0 $0xFFFFF086;
	s6 =	sadd.s32 @!p0 s3, s7;
	s7 =	simm.s32 @!p0 $0x108  }
0x21: {  	s3 =	sadd.s32 s3, s9;
	s6 =	sadd.s32 @!p0 $0x88, s6;
	s7 =	simm.s32 @p2 $0x1082  }
0x22: {  	[simem:s7], [sflag:s8] =	dma.local @!p0 [hbm:s6], $0xF7A  }
0x23: {  	s9 =	sor.u32 $0xD0000000, s2;
	s6 =	simm.s32 $0x108;
	_ =	swait.ge @!p0 [sflag:s8], $0x0  }
0x24: {  	s3 =	sadd.s32 $0x88, s3;
	s6 =	simm.s32 @!p1 $0x1082;
	[sflag:s4] =	ssyncset.s32 $0xFFFFF086  }
0x25: {  	[simem:s6], [sflag:s4] =	dma.local [hbm:s3], $0xF7A  }
0x26: {  	[smem:$0x3F9A] =	sst s1;
	(tag) =	ssettag s2;
	_ =	strace s9  }
0x27: {  	s1 =	sld [smem:$0x3FAA]  }
0x28: {  	s2 =	sld [smem:$0x3FAB]  }
0x29: {  	s4 =	sld [smem:$0x3FAD]  }
0x2a: {  	p0 =	seq.s32 s5, $0x0;
	s5 =	sld [smem:$0x3FAE]  }
0x2b: {  	s6 =	sld [smem:$0x3FAF]  }
0x2c: {  	s7 =	sld [smem:$0x3FB0]  }
0x2d: {  	s3 =	simm.s32 $0x108;
	s8 =	sld [smem:$0x3FB1]  }
0x2e: {  	s3 =	simm.s32 @!p0 $0x1082;
	s9 =	sld [smem:$0x3FB2]  }
0x2f: {  	lr =	sadd.s32 s0, s3;
	s0 =	sld [smem:$0x3FA9]  }
0x30: {  	s3 =	sld [smem:$0x3FAC]  }
0x31: {  	[smem:$0x3FB5] =	sst s10  }
0x32: {  	s10 =	sld [smem:$0x3FB3];
	_ =	sdelay $0x3  }
0x33: {  	p0 =	seq.s32 s10, $0x1;
	s10 =	sld [smem:$0x3FB5];
	_ =	sdelay $0x3  }
0x34: {  	[smem:$0x3FB5] =	sst s10  }
0x35: {  	s10 =	sld [smem:$0x3FB4];
	_ =	sdelay $0x3  }
0x36: {  	p1 =	seq.s32 s10, $0x1;
	s10 =	sld [smem:$0x3FB5];
	_ =	sdelay $0x3  }
0x37: {  	[smem:$0x3FB5] =	sst s10  }
0x38: {  	s10 =	sld [smem:$0x3FB6]  }
0x39: {  	_ = 	snop;
	(pc) =	sbr.ind lr, $3  }
0x3a: {  	_ = 	snop  }
0x3b: {  	_ = 	snop  }
0x3c: {  	p2 =	seq.s32 s10, $0x1;
	s10 =	sld [smem:$0x3FB5]  }
0x3d: {  	_ =	shalt  }
0x3e: {  	_ =	shalt  }
0x3f: {  	_ =	shalt  }
0x40: {  	_ =	shalt  }
0x41: {  	_ =	shalt  }
0x42: {  	_ =	shalt  }
0x43: {  	_ =	shalt  }
0x44: {  	_ =	shalt  }
0x45: {  	_ =	shalt  }
0x46: {  	_ =	shalt  }
0x47: {  	_ =	shalt  }
0x48: {  	_ =	shalt  }
0x49: {  	_ =	shalt  }
0x4a: {  	_ =	shalt  }
0x4b: {  	_ =	shalt  }
0x4c: {  	_ =	shalt  }
0x4d: {  	_ =	shalt  }
0x4e: {  	_ =	shalt  }
0x4f: {  	_ =	shalt  }
0x50: {  	_ =	shalt  }
0x51: {  	_ =	shalt  }
0x52: {  	_ =	shalt  }
0x53: {  	_ =	shalt  }
0x54: {  	_ =	shalt  }
0x55: {  	_ =	shalt  }
0x56: {  	_ =	shalt  }
0x57: {  	_ =	shalt  }
0x58: {  	_ =	shalt  }
0x59: {  	_ =	shalt  }
0x5a: {  	_ =	shalt  }
0x5b: {  	_ =	shalt  }
0x5c: {  	_ =	shalt  }
0x5d: {  	_ =	shalt  }
0x5e: {  	_ =	shalt  }
0x5f: {  	_ =	shalt  }
0x60: {  	_ =	shalt  }
0x61: {  	_ =	shalt  }
0x62: {  	_ =	shalt  }
0x63: {  	_ =	shalt  }
0x64: {  	_ =	shalt  }
0x65: {  	_ =	shalt  }
0x66: {  	_ =	shalt  }
0x67: {  	_ =	shalt  }
0x68: {  	_ =	shalt  }
0x69: {  	_ =	shalt  }
0x6a: {  	_ =	shalt  }
0x6b: {  	_ =	shalt  }
0x6c: {  	_ =	shalt  }
0x6d: {  	_ =	shalt  }
0x6e: {  	_ =	shalt  }
0x6f: {  	_ =	shalt  }
0x70: {  	_ =	shalt  }
0x71: {  	_ =	shalt  }
0x72: {  	_ =	shalt  }
0x73: {  	_ =	shalt  }
0x74: {  	_ =	shalt  }
0x75: {  	_ =	shalt  }
0x76: {  	_ =	shalt  }
0x77: {  	_ =	shalt  }
0x78: {  	_ =	shalt  }
0x79: {  	_ =	shalt  }
0x7a: {  	_ =	shalt  }
0x7b: {  	_ =	shalt  }
0x7c: {  	_ =	shalt  }
0x7d: {  	_ =	shalt  }
0x7e: {  	_ =	shalt  }
0x7f: {  	_ =	shalt  }
0x80: {  	_ =	shalt  }
0x81: {  	_ =	shalt  }
0x82: {  	_ =	shalt  }
0x83: {  	_ =	shalt  }
0x84: {  	_ =	shalt  }
0x85: {  	_ =	shalt  }
0x86: {  	_ =	shalt  }
0x87: {  	_ =	shalt  }
.Lfunc_end0:
.L_simem_size_0:
called_computation_lowered:
.L_overlay_start_0:
0x88: {  	s2 =	sld [smem:$0x3FD9]  }
0x89: {  	s3 =	sld [smem:$0x3FFE];
	_ =	sdelay $0x1  }
0x8a: {  	s1 =	srdreg.scid  }
0x8b: {  	s0 =	sand.u32 $0x1, s1  }
0x8c: {  	s18 =	sshll.u32 s0, $0xA;
	s2 =	sadd.s32 s3, s2  }
0x8d: {  	s2 =	sadd.s32 s2, s18  }
0x8e: {  	[smem:$0x3FC1] =	sst s2  }
0x8f: {  	_ = 	snop  }
0x90: {  	s2 =	sld [smem:$0x3FC9]  }
0x91: {  	s19 =	sld [smem:$0x3FC8]  }
0x92: {  	s4 =	sld [smem:$0x3FC7]  }
0x93: {  	s5 =	sld [smem:$0x3FC6]  }
0x94: {  	s6 =	sld [smem:$0x3FC5]  }
0x95: {  	s7 =	sld [smem:$0x3FC4]  }
0x96: {  	s8 =	sld [smem:$0x3FC3]  }
0x97: {  	s9 =	sld [smem:$0x3FD0];
	(tm) =	ssettm $0x1  }
0x98: {  	s10 =	sld [smem:$0x3FFB];
	_ =	sdelay $0x3  }
0x99: {  	_ =	strace s10  }
0x9a: {  	s10 =	sld [smem:$0x3FFC];
	_ =	sdelay $0x3  }
0x9b: {  	_ =	strace s10  }
0x9c: {  	s10 =	sld [smem:$0x3FFD];
	_ =	sdelay $0x3  }
0x9d: {  	_ =	strace s10  }
0x9e: {  	_ =	strace $0x8FFFFFFF  }
0x9f: {  	s20 =	sld [smem:$0x3FDB];
	_ =	sdelay $0x1  }
0xa0: {  	s11 =	simm.s32 $_scs_section_size  }
0xa1: {  	s12 =	simm.s32 $_size__tile_overlayer_lowered;
	s13 =	simm.s32 $_tile_overlayer_lowered  }
0xa2: {  	s23 =	simm.s32 $0x1BFF;
	s22 =	sshll.u32 s13, $0x1;
	s10 =	sadd.s32 s11, s20  }
0xa3: {  	s14 =	simm.s32 $0x0;
	s21 =	sshll.u32 s12, $0x1;
	s12 =	sadd.s32 s22, s10  }
0xa4: {  	[timem:s14], [sflag:s23] =	dma.local [hbm:s12], s21  }
0xa5: {  	_ =	swait.ge [sflag:s23], s21  }
0xa6: {  	s11 =	ssub.s32 $0x0, s21;
	[sflag:s23] =	ssyncset.done $0x0  }
0xa7: {  	[sflag:s23] =	ssyncadd.s32 s11;
	_ =	sdelay $0x1  }
0xa8: {  	s24 =	simm.s32 $0x1B8B  }
0xa9: {  	_ =	swait.ge [sflag:s24], $0x1  }
0xaa: {  	[sflag:s24] =	ssyncset.done $0x0  }
0xab: {  	s25 =	simm.s32 $0x1B8E;
	[sflag:s24] =	ssyncadd.s32 $0xFFFFFFFF  }
0xac: {  	s26 =	simm.s32 $execute0_lowered;
	[smem:$0x3FD2] =	sst s25  }
0xad: {  	s11 =	sshll.u32 s26, $0x1;
	_ =	strace $0x80000046;
	[dreg:$0x1] =	wrdreg $0xFFFFFFFF  }
0xae: {  	s28 =	simm.s32 $_size_execute0_lowered;
	s10 =	sadd.s32 s10, s11;
	[dreg:$0x0] =	wrdreg $0x0  }
0xaf: {  	s11 =	sshll.u32 s28, $0x1;
	[dreg:$0x2] =	wrdreg s10  }
0xb0: {  	[dreg:$0x3] =	wrdreg s11  }
0xb1: {  	[dreg:$0x4] =	wrdreg $0xC0  }
0xb2: {  	_ =	task [dreg:s14], $0x5FFFF  }
0xb3: {  	[dreg:$0x1] =	wrdreg $0xFFFFFFFF  }
0xb4: {  	[dreg:$0x0] =	wrdreg $0x60  }
0xb5: {  	[dreg:$0x2] =	wrdreg s2  }
0xb6: {  	[dreg:$0x3] =	wrdreg s19  }
0xb7: {  	[dreg:$0x4] =	wrdreg s4  }
0xb8: {  	[dreg:$0x5] =	wrdreg s5  }
0xb9: {  	[dreg:$0x6] =	wrdreg s6  }
0xba: {  	[dreg:$0x7] =	wrdreg s7  }
0xbb: {  	[dreg:$0x8] =	wrdreg s8  }
0xbc: {  	[dreg:$0x9] =	wrdreg s9  }
0xbd: {  	[dreg:$0xa] =	wrdreg $0x9  }
0xbe: {  	_ =	task.clear_ibuf [dreg:s14], $0xBFFFF;
	_ =	strace $0x90000046  }
0xbf: {  	s29 =	simm.s32 $0x9;
	_ =	strace $0x80000048  }
0xc0: {  	_ =	swait.ge [sflag:s29], $0x1  }
0xc1: {  	[sflag:s29] =	ssyncadd.s32 $0xFFFFFFFF  }
0xc2: {  	_ =	strace $0x90000048  }
0xc3: {  	_ =	sfence  }
0xc4: {  	s30 =	sld [smem:$0x0];
	_ =	sdelay $0x2  }
0xc5: {  	s31 =	sshll.u32 s1, $0xD;
	s1 =	sshrl.u32 s1, $0x2  }
0xc6: {  	s3 =	sand.u32 $0x4000, s31;
	s1 =	sadd.s32 s1, s30  }
0xc7: {  	s0 =	sor.u32 s3, s0;
	s1 =	sshll.u32 s1, $0x11  }
0xc8: {  	s0 =	sor.u32 s1, s0  }
0xc9: {  	s0 =	sadd.s32 $0x8F2B, s0  }
0xca: {  	[sflag:s0] =	ssyncadd.remote.s32 $0x1  }
0xcb: {  	_ =	sfence.sel $0xFFFF  }
0xcc: {  	[dreg:$0x0] =	wrdreg $0xFFFFFFFF;
	(pc) =	sbr.abs _section_cstart, $3  }
0xcd: {  	[dreg:$0x1] =	wrdreg $0xFFFFFFFF  }
0xce: {  	_ =	task.clear_ibuf [dreg:s14], $0x2FFFF;
	_ =	strace $0x9FFFFFFF  }
0xcf: {  	(tm) =	ssettm $0x7FFFFFFF  }
tec
execute0_lowered:
.L_overlay_start_1:
0x0: {  	(tag) =	ssettag $0x1  }
0x1: {  	s1 =	rddreg [dreg:$0x0]  }
0x2: {  	s3 =	rddreg [dreg:$0x1]  }
0x3: {  	s0 =	rddreg [dreg:$0x2]  }
0x4: {  	s2 =	rddreg [dreg:$0x3]  }
0x5: {  	s4 =	rddreg [dreg:$0x7]  }
0x6: {  	s5 =	srdreg.scid;
	s16 =	simm.s32 $0x0;
	s8 =	stileid.u32  }
0x7: {  	s28 =	simm.s32 $0x400;
	s29 =	simm.s32 $0x7A1400;
	s5 =	sand.u32 $0x1, s5  }
0x8: {  	s8 =	sshll.u32 s8, $0x7;
	s6 =	ssub.s32 $0x2, s5;
	s5 =	sshll.u32 s5, $0x6  }
0x9: {  	s13 =	simm.s32 $0x9B80;
	[smem:$0x7FF] =	sst s16;
	s5 =	sor.u32 s5, s8  }
0xa: {  	s9 =	simm.s32 $0xFB80;
	_ =	strace $0x80000047;
	s19 =	sadd.s32 s1, s5  }
0xb: {  	s7 =	sshrl.u32 s6, $0x1;
	s20 =	sadd.s32 s3, s5;
	[dreg:$0x9] =	wrdreg s19  }
0xc: {  	v1 =	vlaneseq.u32;
	s21 =	sor.u32 $0x10, s5;
	s30 =	sadd.s32 s4, s5;
	[dreg:$0xa] =	wrdreg s20  }
0xd: {  	v0 =	vmul.u32 $0x80, v1;
	s6 =	ssub.s32 s6, s7;
	s22 =	sadd.s32 s1, s21;
	[dreg:$0x11] =	wrdreg s30  }
0xe: {  	v1 =	vmul.u32 $0x10, v1;
	s23 =	sor.u32 $0x20, s5;
	s7 =	sadd.s32 s3, s21;
	[dreg:$0xb] =	wrdreg s22  }
0xf: {  	v2 =	vor.u32 $0x800, v0;
	s25 =	sor.u32 $0x30, s5;
	s24 =	sadd.s32 s1, s23;
	[dreg:$0xc] =	wrdreg s7  }
0x10: {  	s11 =	simm.s32 $0xAB80;
	v3 =	vor.u32 $0x1, v1;
	v4 =	vor.u32 $0x2, v1;
	v5 =	vor.u32 $0x3, v1;
	s1 =	sadd.s32 s1, s25;
	[dreg:$0xd] =	wrdreg s24  }
0x11: {  	s12 =	simm.s32 $0xBB80;
	v6 =	vor.u32 $0x4, v1;
	v7 =	vor.u32 $0x5, v1;
	v8 =	vor.u32 $0x6, v1;
	s26 =	sadd.s32 s3, s25;
	[dreg:$0xf] =	wrdreg s1  }
0x12: {  	v9 =	vor.u32 $0x7, v1;
	v10 =	vor.u32 $0x8, v1;
	v11 =	vor.u32 $0x9, v1;
	s4 =	simm.s32 $0xE;
	s31 =	smax.u32 s6, $0x1;
	[dreg:$0x10] =	wrdreg s26  }
0x13: {  	v12 =	vor.u32 $0xA, v1;
	v13 =	vor.u32 $0xB, v1;
	v17 =	vor.u32 $0xF, v1;
	s7 =	sadd.s32 s3, s23;
	[dreg:$0x12] =	wrdreg s31;
	s22 =	simm.s32 $0x8B80  }
0x14: {  	v14 =	vor.u32 $0xC, v1;
	v15 =	vor.u32 $0xD, v1;
	v16 =	vor.u32 $0xE, v1;
	s3 =	simm.s32 $0x0;
	[dreg:$0xe] =	wrdreg s7;
	s7 =	simm.s32 $0x8400  }
.LBB2_1:
0x15: {  	[dreg:$0x13] =	wrdreg s3  }
0x16: {  	s1 =	rddreg [dreg:$0x6];
	s21 =	simm.s32 $0x8900  }
0x17: {  	[tilespmem:s21], [sflag:$0xE] =	stream.linear.gather [hbm4b:s1+s16], $0x1, $0x38;
	[tilespmem:$0x14B80] =	vst v63  }
0x18: {  	_ =	swait.ge [sflag:s4], $0x1  }
0x19: {  	[sflag:s4] =	ssyncset.done $0x0  }
0x1a: {  	s23 =	rddreg [dreg:$0x9];
	[sflag:s4] =	ssyncadd.s32 $0xFFFFFFFF  }
0x1b: {  	[tilespmem:s16], [sflag:$0xE] =	stream.linear.gather [hbm4b:s23+s16], $0x80, $0x38;
	[tilespmem:$0x14B80] =	vst v63  }
0x1c: {  	_ =	swait.ge [sflag:s4], $0x80  }
0x1d: {  	[sflag:s4] =	ssyncset.done $0x0  }
0x1e: {  	s5 =	simm.s32 $0x200;
	s24 =	rddreg [dreg:$0xa];
	[sflag:s4] =	ssyncadd.s32 $0xFFFFFF80  }
0x1f: {  	[tilespmem:s5], [sflag:$0xE] =	stream.linear.gather [hbm4b:s24+s16], $0x80, $0x38;
	[tilespmem:$0x14B80] =	vst v63  }
0x20: {  	_ =	swait.ge [sflag:s4], $0x80  }
0x21: {  	[sflag:s4] =	ssyncset.done $0x0  }
0x22: {  	s6 =	simm.s32 $0x80;
	s25 =	rddreg [dreg:$0xb];
	[sflag:s4] =	ssyncadd.s32 $0xFFFFFF80  }
0x23: {  	[tilespmem:s6], [sflag:$0xE] =	stream.linear.gather [hbm4b:s25+s16], $0x80, $0x38;
	[tilespmem:$0x14B80] =	vst v63  }
0x24: {  	_ =	swait.ge [sflag:s4], $0x80  }
0x25: {  	[sflag:s4] =	ssyncset.done $0x0  }
0x26: {  	s8 =	simm.s32 $0x280;
	s26 =	rddreg [dreg:$0xc];
	[sflag:s4] =	ssyncadd.s32 $0xFFFFFF80  }
0x27: {  	[tilespmem:s8], [sflag:$0xE] =	stream.linear.gather [hbm4b:s26+s16], $0x80, $0x38;
	[tilespmem:$0x14B80] =	vst v63  }
0x28: {  	_ =	swait.ge [sflag:s4], $0x80  }
0x29: {  	[sflag:s4] =	ssyncset.done $0x0  }
0x2a: {  	s17 =	simm.s32 $0x100;
	s30 =	rddreg [dreg:$0xd];
	[sflag:s4] =	ssyncadd.s32 $0xFFFFFF80  }
0x2b: {  	[tilespmem:s17], [sflag:$0xE] =	stream.linear.gather [hbm4b:s30+s16], $0x80, $0x38;
	[tilespmem:$0x14B80] =	vst v63  }
0x2c: {  	_ =	swait.ge [sflag:s4], $0x80  }
0x2d: {  	[sflag:s4] =	ssyncset.done $0x0  }
0x2e: {  	s18 =	simm.s32 $0x300;
	s31 =	rddreg [dreg:$0xe];
	[sflag:s4] =	ssyncadd.s32 $0xFFFFFF80  }
0x2f: {  	[tilespmem:s18], [sflag:$0xE] =	stream.linear.gather [hbm4b:s31+s16], $0x80, $0x38;
	[tilespmem:$0x14B80] =	vst v63  }
0x30: {  	_ =	swait.ge [sflag:s4], $0x80  }
0x31: {  	[sflag:s4] =	ssyncset.done $0x0  }
0x32: {  	s19 =	simm.s32 $0x180;
	s3 =	rddreg [dreg:$0xf];
	[sflag:s4] =	ssyncadd.s32 $0xFFFFFF80  }
0x33: {  	[tilespmem:s19], [sflag:$0xE] =	stream.linear.gather [hbm4b:s3+s16], $0x80, $0x38;
	[tilespmem:$0x14B80] =	vst v63  }
0x34: {  	_ =	swait.ge [sflag:s4], $0x80  }
0x35: {  	[sflag:s4] =	ssyncset.done $0x0  }
0x36: {  	s20 =	simm.s32 $0x380;
	s10 =	rddreg [dreg:$0x10];
	[sflag:s4] =	ssyncadd.s32 $0xFFFFFF80  }
0x37: {  	[tilespmem:s20], [sflag:$0xE] =	stream.linear.gather [hbm4b:s10+s16], $0x80, $0x38;
	[tilespmem:$0x14B80] =	vst v63  }
0x38: {  	_ =	swait.ge [sflag:s4], $0x80  }
0x39: {  	[sflag:s4] =	ssyncset.done $0x0  }
0x3a: {  	[sflag:s4] =	ssyncadd.s32 $0xFFFFFF80  }
0x3b: {  	s15 =	simm.s32 $0x8500;
	s14 =	rddreg [dreg:$0x4]  }
0x3c: {  	[tilespmem:s15], [sflag:$0xD] =	stream.indirect.gather [hbm4b:s14+s6], $0x1, s16, s6, $0xb8;
	[tilespmem:$0x14B80] =	vst v63  }
0x3d: {  	s21 =	simm.s32 $0x8700;
	s16 =	rddreg [dreg:$0x5]  }
0x3e: {  	[tilespmem:s21], [sflag:$0xD] =	stream.indirect.gather [hbm4b:s16+s6], $0x1, s5, s6, $0xb8;
	[tilespmem:$0x14B80] =	vst v63  }
0x3f: {  	s23 =	simm.s32 $0x8580  }
0x40: {  	[tilespmem:s23], [sflag:$0xD] =	stream.indirect.gather [hbm4b:s14+s6], $0x1, s6, s6, $0xb8;
	[tilespmem:$0x14B80] =	vst v63  }
0x41: {  	s24 =	simm.s32 $0x8780  }
0x42: {  	[tilespmem:s24], [sflag:$0xD] =	stream.indirect.gather [hbm4b:s16+s6], $0x1, s8, s6, $0xb8;
	[tilespmem:$0x14B80] =	vst v63  }
0x43: {  	s25 =	simm.s32 $0x8600  }
0x44: {  	[tilespmem:s25], [sflag:$0xD] =	stream.indirect.gather [hbm4b:s14+s6], $0x1, s17, s6, $0xb8;
	[tilespmem:$0x14B80] =	vst v63  }
0x45: {  	s26 =	simm.s32 $0x8800  }
0x46: {  	[tilespmem:s26], [sflag:$0xD] =	stream.indirect.gather [hbm4b:s16+s6], $0x1, s18, s6, $0xb8;
	[tilespmem:$0x14B80] =	vst v63  }
0x47: {  	s30 =	simm.s32 $0x8680;
	s31 =	simm.s32 $0x8880  }
0x48: {  	[tilespmem:s30], [sflag:$0xD] =	stream.indirect.gather [hbm4b:s14+s6], $0x1, s19, s6, $0xb8;
	[tilespmem:$0x14B80] =	vst v63  }
0x49: {  	s5 =	simm.s32 $0x10B80;
	s21 =	simm.s32 $0x500;
	s23 =	simm.s32 $0x0  }
0x4a: {  	[tilespmem:s31], [sflag:$0xD] =	stream.indirect.gather [hbm4b:s16+s6], $0x1, s20, s6, $0xb8;
	[tilespmem:$0x14B80] =	vst v63  }
0x4b: {  	s19 =	simm.s32 $0x4500;
	s20 =	simm.s32 $0x12B80;
	s6 =	simm.s32 $0x11B80  }
.LBB2_2:
0x4c: {  	s1 =	sshra.s32 s23, $0x2  }
0x4d: {  	v19 =	vld [tilespmem:s1+$0x0];
	_ =	sdelay $0x1  }
0x4e: {  	v18 =	vld [tilespmem:s1+$0x200];
	_ =	sdelay $0x2  }
0x4f: {  	(v2sf) =	vpush v19, $0x0;
	_ =	sdelay $0x1  }
0x50: {  	(v2sf) =	vpush v18, $0x0  }
0x51: {  	(v2sf) =	vpush v19, $0x1;
	_ =	sdelay $0x1  }
0x52: {  	(v2sf) =	vpush v18, $0x1;
	_ =	sdelay $0x1  }
0x53: {  	(v2sf) =	vpush v19, $0x2;
	_ =	sdelay $0x1  }
0x54: {  	(v2sf) =	vpush v18, $0x2;
	_ =	sdelay $0x5  }
0x55: {  	s4 =	spop (v2sf);
	(v2sf) =	vpush v19, $0x3;
	_ =	sdelay $0x1  }
0x56: {  	s10 =	simm.s32 $0xEB80;
	s18 =	sand.u32 $0xFFFFF80, s4;
	s30 =	spop (v2sf);
	(v2sf) =	vpush v18, $0x3  }
0x57: {  	s1 =	sadd.s32 s0, s18;
	s24 =	sand.u32 $0xFFFFF80, s30;
	s8 =	spop (v2sf)  }
0x58: {  	(v2sf) =	vpush v19, $0x4;
	[tilespmem:s22], [sflag:$0x1] =	stream.strided.gather [hbm4b:s1+s28], $0x1000, s29, s28, $0x38;
	[tilespmem:$0x14B80] =	vst v63  }
0x59: {  	s1 =	sadd.s32 s2, s24;
	s25 =	sand.u32 $0xFFFFF80, s8;
	s31 =	spop (v2sf)  }
0x5a: {  	[tilespmem:s10], [sflag:$0x7] =	stream.strided.gather [hbm4b:s1+s28], $0x1000, s29, s28, $0x38;
	[tilespmem:$0x14B80] =	vst v63  }
0x5b: {  	s3 =	sand.u32 $0xFFFFF80, s31;
	s1 =	sadd.s32 s0, s25;
	s25 =	spop (v2sf)  }
0x5c: {  	(v2sf) =	vpush v18, $0x4;
	[tilespmem:s13], [sflag:$0x2] =	stream.strided.gather [hbm4b:s1+s28], $0x1000, s29, s28, $0x38;
	[tilespmem:$0x14B80] =	vst v63  }
0x5d: {  	(v2sf) =	vpush v19, $0x5;
	s16 =	spop (v2sf);
	s1 =	sadd.s32 s2, s3;
	s13 =	sand.u32 $0xFFFFF80, s25  }
0x5e: {  	[tilespmem:s9], [sflag:$0x8] =	stream.strided.gather [hbm4b:s1+s28], $0x1000, s29, s28, $0x38;
	[tilespmem:$0x14B80] =	vst v63  }
0x5f: {  	s14 =	sand.u32 $0xFFFFF80, s16;
	s1 =	sadd.s32 s0, s13  }
0x60: {  	[tilespmem:s11], [sflag:$0x3] =	stream.strided.gather [hbm4b:s1+s28], $0x1000, s29, s28, $0x38;
	[tilespmem:$0x14B80] =	vst v63  }
0x61: {  	s1 =	sadd.s32 s2, s14  }
0x62: {  	[tilespmem:s5], [sflag:$0x9] =	stream.strided.gather [hbm4b:s1+s28], $0x1000, s29, s28, $0x38;
	[tilespmem:$0x14B80] =	vst v63  }
0x63: {  	s3 =	spop (v2sf);
	(v2sf) =	vpush v18, $0x5  }
0x64: {  	s15 =	sand.u32 $0xFFFFF80, s3  }
0x65: {  	s17 =	spop (v2sf);
	(v2sf) =	vpush v19, $0x6;
	s1 =	sadd.s32 s0, s15  }
0x66: {  	[tilespmem:s12], [sflag:$0x4] =	stream.strided.gather [hbm4b:s1+s28], $0x1000, s29, s28, $0x38;
	[tilespmem:$0x14B80] =	vst v63  }
0x67: {  	s1 =	spop (v2sf);
	(v2sf) =	vpush v18, $0x6  }
0x68: {  	s18 =	sand.u32 $0xFFFFF80, s17  }
0x69: {  	s24 =	sadd.s32 s2, s18;
	s11 =	sand.u32 $0xFFFFF80, s1  }
0x6a: {  	[tilespmem:s6], [sflag:$0xA] =	stream.strided.gather [hbm4b:s24+s28], $0x1000, s29, s28, $0x38;
	[tilespmem:$0x14B80] =	vst v63  }
0x6b: {  	s18 =	spop (v2sf);
	s5 =	sadd.s32 s0, s11  }
0x6c: {  	s24 =	simm.s32 $0xCB80;
	s11 =	sand.u32 $0xFFFFF80, s18;
	s6 =	spop (v2sf)  }
0x6d: {  	[tilespmem:s24], [sflag:$0x5] =	stream.strided.gather [hbm4b:s5+s28], $0x1000, s29, s28, $0x38;
	[tilespmem:$0x14B80] =	vst v63  }
0x6e: {  	s5 =	sadd.s32 s2, s11;
	s24 =	sand.u32 $0xFFFFF80, s6  }
0x6f: {  	[tilespmem:s20], [sflag:$0xB] =	stream.strided.gather [hbm4b:s5+s28], $0x1000, s29, s28, $0x38;
	[tilespmem:$0x14B80] =	vst v63  }
0x70: {  	s9 =	simm.s32 $0xDB80;
	s24 =	sadd.s32 s0, s24  }
0x71: {  	[tilespmem:s9], [sflag:$0x6] =	stream.strided.gather [hbm4b:s24+s28], $0x1000, s29, s28, $0x38;
	[tilespmem:$0x14B80] =	vst v63  }
0x72: {  	s5 =	spop (v2sf)  }
0x73: {  	s15 =	simm.s32 $0x13B80;
	s20 =	sand.u32 $0xFFFFF80, s5  }
0x74: {  	s11 =	sand.u32 $0x7F, s4;
	s4 =	spop (v2sf);
	s24 =	sadd.s32 s2, s20  }
0x75: {  	v20 =	vor.u32 s11, v0;
	[tilespmem:s15], [sflag:$0xC] =	stream.strided.gather [hbm4b:s24+s28], $0x1000, s29, s28, $0x38;
	[tilespmem:$0x14B80] =	vst v63  }
0x76: {  	s12 =	simm.s32 $0x1;
	s24 =	spop (v2sf)  }
0x77: {  	_ =	swait.ge [sflag:s12], $0x1000  }
0x78: {  	[sflag:s12] =	ssyncset.done $0x0  }
0x79: {  	[sflag:s12] =	ssyncadd.s32 $0xFFFFF000  }
0x7a: {  	v20 =	vld.idx.msk [tilespmem:v20+s22+$0x0], $0xffff  }
0x7b: {  	v21 =	vor.u32 s11, v2;
	_ =	sdelay $0x3  }
0x7c: {  	[tilespmem:s21+$0xFFFFFF00] =	vst v20  }
0x7d: {  	v20 =	vld.idx.msk [tilespmem:v21+s22+$0x0], $0xffff;
	_ =	sdelay $0x2  }
0x7e: {  	s30 =	sand.u32 $0x7F, s30  }
0x7f: {  	v62 =	vor.u32 s30, v0  }
0x80: {  	s13 =	simm.s32 $0x7;
	[tilespmem:s21+$0xFFFFFF10] =	vst v20  }
0x81: {  	_ =	swait.ge [sflag:s13], $0x1000  }
0x82: {  	[sflag:s13] =	ssyncset.done $0x0  }
0x83: {  	[sflag:s13] =	ssyncadd.s32 $0xFFFFF000  }
0x84: {  	(v2sf) =	vpush v19, $0x7;
	v63 =	vld.idx.msk [tilespmem:v62+s10+$0x0], $0xffff  }
0x85: {  	v24 =	vor.u32 s30, v2;
	(v2sf) =	vpush v18, $0x7;
	_ =	sdelay $0x3  }
0x86: {  	[tilespmem:s19+$0xFFFFFF00] =	vst v63  }
0x87: {  	v20 =	vld.idx.msk [tilespmem:v24+s10+$0x0], $0xffff;
	_ =	sdelay $0x3  }
0x88: {  	s11 =	sand.u32 $0xFFFFF80, s4  }
0x89: {  	s20 =	sadd.s32 s0, s11;
	s30 =	sand.u32 $0xFFFFF80, s24;
	[tilespmem:s19+$0xFFFFFF10] =	vst v20  }
0x8a: {  	[tilespmem:s22], [sflag:$0x1] =	stream.strided.gather [hbm4b:s20+s28], $0x1000, s29, s28, $0x38;
	[tilespmem:$0x14B80] =	vst v63  }
0x8b: {  	s22 =	sand.u32 $0x7F, s8;
	s20 =	sadd.s32 s2, s30;
	s30 =	simm.s32 $0xEB80  }
0x8c: {  	[tilespmem:s30], [sflag:$0x7] =	stream.strided.gather [hbm4b:s20+s28], $0x1000, s29, s28, $0x38;
	[tilespmem:$0x14B80] =	vst v63  }
0x8d: {  	v25 =	vor.u32 s22, v0;
	s30 =	spop (v2sf)  }
0x8e: {  	s26 =	simm.s32 $0x2;
	s8 =	spop (v2sf)  }
0x8f: {  	_ =	swait.ge [sflag:s26], $0x1000  }
0x90: {  	[sflag:s26] =	ssyncset.done $0x0  }
0x91: {  	s10 =	simm.s32 $0x9B80;
	[sflag:s26] =	ssyncadd.s32 $0xFFFFF000  }
0x92: {  	v20 =	vld.idx.msk [tilespmem:v25+s10+$0x0], $0xffff  }
0x93: {  	v26 =	vor.u32 s22, v2;
	_ =	sdelay $0x3  }
0x94: {  	[tilespmem:s21+$0xFFFFFF20] =	vst v20  }
0x95: {  	v20 =	vld.idx.msk [tilespmem:v26+s10+$0x0], $0xffff;
	_ =	sdelay $0x2  }
0x96: {  	s20 =	sand.u32 $0x7F, s31  }
0x97: {  	v27 =	vor.u32 s20, v0  }
0x98: {  	s31 =	simm.s32 $0x8;
	[tilespmem:s21+$0xFFFFFF30] =	vst v20  }
0x99: {  	_ =	swait.ge [sflag:s31], $0x1000;
	s31 =	simm.s32 $0x8  }
0x9a: {  	[sflag:s31] =	ssyncset.done $0x0;
	s31 =	simm.s32 $0x8;
	(v2sf) =	vpush v19, $0x8  }
0x9b: {  	s11 =	simm.s32 $0xFB80;
	[sflag:s31] =	ssyncadd.s32 $0xFFFFF000  }
0x9c: {  	(v2sf) =	vpush v18, $0x8;
	v28 =	vld.idx.msk [tilespmem:v27+s11+$0x0], $0xffff  }
0x9d: {  	v29 =	vor.u32 s20, v2;
	_ =	sdelay $0x3  }
0x9e: {  	[tilespmem:s19+$0xFFFFFF20] =	vst v28  }
0x9f: {  	v20 =	vld.idx.msk [tilespmem:v29+s11+$0x0], $0xffff;
	_ =	sdelay $0x3  }
0xa0: {  	s22 =	sand.u32 $0xFFFFF80, s30  }
0xa1: {  	s20 =	sadd.s32 s0, s22;
	s22 =	sand.u32 $0x7F, s25;
	s31 =	sand.u32 $0xFFFFF80, s8;
	[tilespmem:s19+$0xFFFFFF30] =	vst v20  }
0xa2: {  	[tilespmem:s10], [sflag:$0x2] =	stream.strided.gather [hbm4b:s20+s28], $0x1000, s29, s28, $0x38;
	[tilespmem:$0x14B80] =	vst v63  }
0xa3: {  	s10 =	simm.s32 $0xFB80;
	s20 =	sadd.s32 s2, s31;
	s31 =	spop (v2sf)  }
0xa4: {  	v30 =	vor.u32 s22, v0;
	[tilespmem:s10], [sflag:$0x8] =	stream.strided.gather [hbm4b:s20+s28], $0x1000, s29, s28, $0x38;
	[tilespmem:$0x14B80] =	vst v63  }
0xa5: {  	s25 =	spop (v2sf);
	s20 =	simm.s32 $0x3  }
0xa6: {  	_ =	swait.ge [sflag:s20], $0x1000;
	s20 =	simm.s32 $0x3  }
0xa7: {  	[sflag:s20] =	ssyncset.done $0x0;
	s20 =	simm.s32 $0x3  }
0xa8: {  	s11 =	simm.s32 $0xAB80;
	[sflag:s20] =	ssyncadd.s32 $0xFFFFF000  }
0xa9: {  	v20 =	vld.idx.msk [tilespmem:v30+s11+$0x0], $0xffff  }
0xaa: {  	v31 =	vor.u32 s22, v2;
	_ =	sdelay $0x3  }
0xab: {  	[tilespmem:s21+$0xFFFFFF40] =	vst v20  }
0xac: {  	v20 =	vld.idx.msk [tilespmem:v31+s11+$0x0], $0xffff;
	_ =	sdelay $0x2  }
0xad: {  	s16 =	sand.u32 $0x7F, s16  }
0xae: {  	v32 =	vor.u32 s16, v0  }
0xaf: {  	s20 =	simm.s32 $0x9;
	[tilespmem:s21+$0xFFFFFF50] =	vst v20  }
0xb0: {  	s22 =	simm.s32 $0x9;
	_ =	swait.ge [sflag:s20], $0x1000  }
0xb1: {  	s20 =	simm.s32 $0x9;
	[sflag:s22] =	ssyncset.done $0x0;
	(v2sf) =	vpush v19, $0x9  }
0xb2: {  	s22 =	simm.s32 $0x10B80;
	[sflag:s20] =	ssyncadd.s32 $0xFFFFF000  }
0xb3: {  	(v2sf) =	vpush v18, $0x9;
	v33 =	vld.idx.msk [tilespmem:v32+s22+$0x0], $0xffff  }
0xb4: {  	v34 =	vor.u32 s16, v2;
	_ =	sdelay $0x3  }
0xb5: {  	s16 =	simm.s32 $0x10B80;
	[tilespmem:s19+$0xFFFFFF40] =	vst v33  }
0xb6: {  	v20 =	vld.idx.msk [tilespmem:v34+s16+$0x0], $0xffff;
	_ =	sdelay $0x3  }
0xb7: {  	s20 =	sand.u32 $0xFFFFF80, s31;
	s22 =	sand.u32 $0xFFFFF80, s25  }
0xb8: {  	s10 =	sadd.s32 s2, s22;
	s16 =	sadd.s32 s0, s20;
	[tilespmem:s19+$0xFFFFFF50] =	vst v20  }
0xb9: {  	[tilespmem:s11], [sflag:$0x3] =	stream.strided.gather [hbm4b:s16+s28], $0x1000, s29, s28, $0x38;
	[tilespmem:$0x14B80] =	vst v63  }
0xba: {  	s20 =	sand.u32 $0x7F, s3;
	s16 =	simm.s32 $0x10B80;
	s3 =	spop (v2sf)  }
0xbb: {  	v35 =	vor.u32 s20, v0;
	[tilespmem:s16], [sflag:$0x9] =	stream.strided.gather [hbm4b:s10+s28], $0x1000, s29, s28, $0x38;
	[tilespmem:$0x14B80] =	vst v63  }
0xbc: {  	s22 =	simm.s32 $0x4;
	s16 =	spop (v2sf)  }
0xbd: {  	_ =	swait.ge [sflag:s22], $0x1000;
	s22 =	simm.s32 $0x4  }
0xbe: {  	[sflag:s22] =	ssyncset.done $0x0;
	s22 =	simm.s32 $0x4  }
0xbf: {  	s14 =	simm.s32 $0xBB80;
	[sflag:s22] =	ssyncadd.s32 $0xFFFFF000  }
0xc0: {  	v20 =	vld.idx.msk [tilespmem:v35+s14+$0x0], $0xffff  }
0xc1: {  	v36 =	vor.u32 s20, v2;
	_ =	sdelay $0x3  }
0xc2: {  	[tilespmem:s21+$0xFFFFFF60] =	vst v20  }
0xc3: {  	v20 =	vld.idx.msk [tilespmem:v36+s14+$0x0], $0xffff;
	_ =	sdelay $0x2  }
0xc4: {  	s17 =	sand.u32 $0x7F, s17  }
0xc5: {  	v37 =	vor.u32 s17, v0  }
0xc6: {  	s22 =	simm.s32 $0xA;
	[tilespmem:s21+$0xFFFFFF70] =	vst v20  }
0xc7: {  	s20 =	simm.s32 $0xA;
	_ =	swait.ge [sflag:s22], $0x1000  }
0xc8: {  	s22 =	simm.s32 $0xA;
	[sflag:s20] =	ssyncset.done $0x0  }
0xc9: {  	s10 =	simm.s32 $0x11B80;
	(v2sf) =	vpush v19, $0xA;
	[sflag:s22] =	ssyncadd.s32 $0xFFFFF000  }
0xca: {  	v38 =	vld.idx.msk [tilespmem:v37+s10+$0x0], $0xffff  }
0xcb: {  	v39 =	vor.u32 s17, v2;
	(v2sf) =	vpush v18, $0xA;
	_ =	sdelay $0x3  }
0xcc: {  	s22 =	simm.s32 $0x11B80;
	[tilespmem:s19+$0xFFFFFF60] =	vst v38  }
0xcd: {  	v20 =	vld.idx.msk [tilespmem:v39+s22+$0x0], $0xffff;
	_ =	sdelay $0x3  }
0xce: {  	s10 =	sand.u32 $0xFFFFF80, s3  }
0xcf: {  	s17 =	sadd.s32 s0, s10;
	[tilespmem:s19+$0xFFFFFF70] =	vst v20  }
0xd0: {  	[tilespmem:s14], [sflag:$0x4] =	stream.strided.gather [hbm4b:s17+s28], $0x1000, s29, s28, $0x38;
	[tilespmem:$0x14B80] =	vst v63  }
0xd1: {  	s20 =	sand.u32 $0x7F, s1;
	s14 =	sand.u32 $0xFFFFF80, s16  }
0xd2: {  	s22 =	sadd.s32 s2, s14;
	s14 =	simm.s32 $0x11B80;
	s1 =	spop (v2sf)  }
0xd3: {  	v40 =	vor.u32 s20, v0;
	[tilespmem:s14], [sflag:$0xA] =	stream.strided.gather [hbm4b:s22+s28], $0x1000, s29, s28, $0x38;
	[tilespmem:$0x14B80] =	vst v63  }
0xd4: {  	s17 =	spop (v2sf);
	s22 =	simm.s32 $0x5  }
0xd5: {  	_ =	swait.ge [sflag:s22], $0x1000;
	s22 =	simm.s32 $0x5  }
0xd6: {  	[sflag:s22] =	ssyncset.done $0x0;
	s22 =	simm.s32 $0x5  }
0xd7: {  	[sflag:s22] =	ssyncadd.s32 $0xFFFFF000;
	s22 =	simm.s32 $0xCB80  }
0xd8: {  	v20 =	vld.idx.msk [tilespmem:v40+s22+$0x0], $0xffff  }
0xd9: {  	v41 =	vor.u32 s20, v2;
	_ =	sdelay $0x3  }
0xda: {  	s20 =	simm.s32 $0xCB80;
	[tilespmem:s21+$0xFFFFFF80] =	vst v20  }
0xdb: {  	v20 =	vld.idx.msk [tilespmem:v41+s20+$0x0], $0xffff;
	_ =	sdelay $0x2  }
0xdc: {  	s18 =	sand.u32 $0x7F, s18  }
0xdd: {  	v42 =	vor.u32 s18, v0  }
0xde: {  	s22 =	simm.s32 $0xB;
	[tilespmem:s21+$0xFFFFFF90] =	vst v20  }
0xdf: {  	s20 =	simm.s32 $0xB;
	_ =	swait.ge [sflag:s22], $0x1000  }
0xe0: {  	s22 =	simm.s32 $0xB;
	[sflag:s20] =	ssyncset.done $0x0  }
0xe1: {  	s9 =	simm.s32 $0x12B80;
	[sflag:s22] =	ssyncadd.s32 $0xFFFFF000  }
0xe2: {  	(v2sf) =	vpush v19, $0xB;
	v43 =	vld.idx.msk [tilespmem:v42+s9+$0x0], $0xffff  }
0xe3: {  	v44 =	vor.u32 s18, v2;
	(v2sf) =	vpush v18, $0xB;
	_ =	sdelay $0x3  }
0xe4: {  	[tilespmem:s19+$0xFFFFFF80] =	vst v43  }
0xe5: {  	v20 =	vld.idx.msk [tilespmem:v44+s9+$0x0], $0xffff;
	_ =	sdelay $0x3  }
0xe6: {  	s20 =	sand.u32 $0xFFFFF80, s1  }
0xe7: {  	s14 =	sand.u32 $0xFFFFF80, s17;
	s18 =	sadd.s32 s0, s20;
	s22 =	simm.s32 $0xCB80;
	[tilespmem:s19+$0xFFFFFF90] =	vst v20  }
0xe8: {  	[tilespmem:s22], [sflag:$0x5] =	stream.strided.gather [hbm4b:s18+s28], $0x1000, s29, s28, $0x38;
	[tilespmem:$0x14B80] =	vst v63  }
0xe9: {  	s20 =	sand.u32 $0x7F, s6;
	s18 =	sadd.s32 s2, s14  }
0xea: {  	[tilespmem:s9], [sflag:$0xB] =	stream.strided.gather [hbm4b:s18+s28], $0x1000, s29, s28, $0x38;
	[tilespmem:$0x14B80] =	vst v63  }
0xeb: {  	v45 =	vor.u32 s20, v0;
	s18 =	spop (v2sf)  }
0xec: {  	s22 =	simm.s32 $0x6;
	s6 =	spop (v2sf)  }
0xed: {  	s14 =	simm.s32 $0x6;
	_ =	swait.ge [sflag:s22], $0x1000  }
0xee: {  	s22 =	simm.s32 $0x6;
	[sflag:s14] =	ssyncset.done $0x0  }
0xef: {  	s10 =	simm.s32 $0xDB80;
	[sflag:s22] =	ssyncadd.s32 $0xFFFFF000  }
0xf0: {  	v20 =	vld.idx.msk [tilespmem:v45+s10+$0x0], $0xffff  }
0xf1: {  	v46 =	vor.u32 s20, v2;
	_ =	sdelay $0x3  }
0xf2: {  	[tilespmem:s21+$0xFFFFFFA0] =	vst v20  }
0xf3: {  	v20 =	vld.idx.msk [tilespmem:v46+s10+$0x0], $0xffff;
	_ =	sdelay $0x2  }
0xf4: {  	s5 =	sand.u32 $0x7F, s5  }
0xf5: {  	v47 =	vor.u32 s5, v0  }
0xf6: {  	s14 =	simm.s32 $0xC;
	[tilespmem:s21+$0xFFFFFFB0] =	vst v20  }
0xf7: {  	s20 =	simm.s32 $0xC;
	_ =	swait.ge [sflag:s14], $0x1000  }
0xf8: {  	s22 =	simm.s32 $0xC;
	[sflag:s20] =	ssyncset.done $0x0;
	(v2sf) =	vpush v19, $0xC  }
0xf9: {  	[sflag:s22] =	ssyncadd.s32 $0xFFFFF000  }
0xfa: {  	(v2sf) =	vpush v18, $0xC;
	v48 =	vld.idx.msk [tilespmem:v47+s15+$0x0], $0xffff  }
0xfb: {  	v49 =	vor.u32 s5, v2;
	_ =	sdelay $0x3  }
0xfc: {  	[tilespmem:s19+$0xFFFFFFA0] =	vst v48  }
0xfd: {  	v20 =	vld.idx.msk [tilespmem:v49+s15+$0x0], $0xffff;
	_ =	sdelay $0x3  }
0xfe: {  	s14 =	sand.u32 $0xFFFFF80, s18  }
0xff: {  	s5 =	sadd.s32 s0, s14;
	s20 =	sand.u32 $0xFFFFF80, s6;
	[tilespmem:s19+$0xFFFFFFB0] =	vst v20  }
0x100: {  	[tilespmem:s10], [sflag:$0x6] =	stream.strided.gather [hbm4b:s5+s28], $0x1000, s29, s28, $0x38;
	[tilespmem:$0x14B80] =	vst v63  }
0x101: {  	s22 =	sand.u32 $0x7F, s4;
	s9 =	sadd.s32 s2, s20;
	s5 =	spop (v2sf)  }
0x102: {  	v50 =	vor.u32 s22, v0;
	[tilespmem:s15], [sflag:$0xC] =	stream.strided.gather [hbm4b:s9+s28], $0x1000, s29, s28, $0x38;
	[tilespmem:$0x14B80] =	vst v63  }
0x103: {  	s4 =	spop (v2sf)  }
0x104: {  	_ =	swait.ge [sflag:s12], $0x1000  }
0x105: {  	[sflag:s12] =	ssyncset.done $0x0  }
0x106: {  	[sflag:s12] =	ssyncadd.s32 $0xFFFFF000;
	s12 =	simm.s32 $0x8B80  }
0x107: {  	v20 =	vld.idx.msk [tilespmem:v50+s12+$0x0], $0xffff  }
0x108: {  	v51 =	vor.u32 s22, v2;
	_ =	sdelay $0x3  }
0x109: {  	s14 =	simm.s32 $0x8B80;
	[tilespmem:s21+$0xFFFFFFC0] =	vst v20  }
0x10a: {  	v20 =	vld.idx.msk [tilespmem:v51+s14+$0x0], $0xffff;
	_ =	sdelay $0x2  }
0x10b: {  	s15 =	sand.u32 $0x7F, s24  }
0x10c: {  	v52 =	vor.u32 s15, v0  }
0x10d: {  	[tilespmem:s21+$0xFFFFFFD0] =	vst v20  }
0x10e: {  	_ =	swait.ge [sflag:s13], $0x1000  }
0x10f: {  	[sflag:s13] =	ssyncset.done $0x0;
	(v2sf) =	vpush v19, $0xD  }
0x110: {  	s22 =	simm.s32 $0xEB80;
	[sflag:s13] =	ssyncadd.s32 $0xFFFFF000  }
0x111: {  	(v2sf) =	vpush v18, $0xD;
	v53 =	vld.idx.msk [tilespmem:v52+s22+$0x0], $0xffff  }
0x112: {  	v54 =	vor.u32 s15, v2;
	_ =	sdelay $0x3  }
0x113: {  	s24 =	simm.s32 $0xEB80;
	[tilespmem:s19+$0xFFFFFFC0] =	vst v53  }
0x114: {  	v20 =	vld.idx.msk [tilespmem:v54+s24+$0x0], $0xffff;
	_ =	sdelay $0x2  }
0x115: {  	s9 =	sand.u32 $0xFFFFF80, s5  }
0x116: {  	s20 =	sadd.s32 s0, s9  }
0x117: {  	s9 =	simm.s32 $0xEB80;
	s12 =	simm.s32 $0x8B80;
	s13 =	sand.u32 $0xFFFFF80, s4;
	[tilespmem:s19+$0xFFFFFFD0] =	vst v20  }
0x118: {  	[tilespmem:s12], [sflag:$0x1] =	stream.strided.gather [hbm4b:s20+s28], $0x1000, s29, s28, $0x38;
	[tilespmem:$0x14B80] =	vst v63  }
0x119: {  	s14 =	sand.u32 $0x7F, s30;
	s20 =	sadd.s32 s2, s13;
	s30 =	spop (v2sf)  }
0x11a: {  	v55 =	vor.u32 s14, v0;
	[tilespmem:s9], [sflag:$0x7] =	stream.strided.gather [hbm4b:s20+s28], $0x1000, s29, s28, $0x38;
	[tilespmem:$0x14B80] =	vst v63  }
0x11b: {  	s24 =	spop (v2sf)  }
0x11c: {  	_ =	swait.ge [sflag:s26], $0x1000  }
0x11d: {  	[sflag:s26] =	ssyncset.done $0x0  }
0x11e: {  	s15 =	simm.s32 $0x9B80;
	[sflag:s26] =	ssyncadd.s32 $0xFFFFF000  }
0x11f: {  	v20 =	vld.idx.msk [tilespmem:v55+s15+$0x0], $0xffff  }
0x120: {  	v56 =	vor.u32 s14, v2;
	_ =	sdelay $0x3  }
0x121: {  	[tilespmem:s21+$0xFFFFFFE0] =	vst v20  }
0x122: {  	v20 =	vld.idx.msk [tilespmem:v56+s15+$0x0], $0xffff;
	_ =	sdelay $0x2  }
0x123: {  	s8 =	sand.u32 $0x7F, s8  }
0x124: {  	v57 =	vor.u32 s8, v0  }
0x125: {  	s22 =	simm.s32 $0x8;
	[tilespmem:s21+$0xFFFFFFF0] =	vst v20  }
0x126: {  	s26 =	simm.s32 $0x8;
	_ =	swait.ge [sflag:s22], $0x1000  }
0x127: {  	s13 =	simm.s32 $0x8;
	[sflag:s26] =	ssyncset.done $0x0;
	(v2sf) =	vpush v19, $0xE  }
0x128: {  	s14 =	simm.s32 $0xFB80;
	[sflag:s13] =	ssyncadd.s32 $0xFFFFF000  }
0x129: {  	(v2sf) =	vpush v18, $0xE;
	v58 =	vld.idx.msk [tilespmem:v57+s14+$0x0], $0xffff  }
0x12a: {  	v59 =	vor.u32 s8, v2;
	_ =	sdelay $0x3  }
0x12b: {  	[tilespmem:s19+$0xFFFFFFE0] =	vst v58  }
0x12c: {  	v20 =	vld.idx.msk [tilespmem:v59+s14+$0x0], $0xffff;
	_ =	sdelay $0x3  }
0x12d: {  	s20 =	sand.u32 $0xFFFFF80, s30  }
0x12e: {  	s8 =	sadd.s32 s0, s20;
	s22 =	sand.u32 $0xFFFFF80, s24;
	[tilespmem:s19+$0xFFFFFFF0] =	vst v20  }
0x12f: {  	[tilespmem:s15], [sflag:$0x2] =	stream.strided.gather [hbm4b:s8+s28], $0x1000, s29, s28, $0x38;
	[tilespmem:$0x14B80] =	vst v63  }
0x130: {  	s26 =	sand.u32 $0x7F, s31;
	s8 =	sadd.s32 s2, s22;
	s31 =	spop (v2sf)  }
0x131: {  	v60 =	vor.u32 s26, v0;
	[tilespmem:s14], [sflag:$0x8] =	stream.strided.gather [hbm4b:s8+s28], $0x1000, s29, s28, $0x38;
	[tilespmem:$0x14B80] =	vst v63  }
0x132: {  	s13 =	simm.s32 $0x3;
	s8 =	spop (v2sf)  }
0x133: {  	s14 =	simm.s32 $0x3;
	_ =	swait.ge [sflag:s13], $0x1000  }
0x134: {  	s22 =	simm.s32 $0x3;
	[sflag:s14] =	ssyncset.done $0x0  }
0x135: {  	[sflag:s22] =	ssyncadd.s32 $0xFFFFF000  }
0x136: {  	v20 =	vld.idx.msk [tilespmem:v60+s11+$0x0], $0xffff  }
0x137: {  	v61 =	vor.u32 s26, v2;
	_ =	sdelay $0x3  }
0x138: {  	[tilespmem:s21+$0x0] =	vst v20  }
0x139: {  	v20 =	vld.idx.msk [tilespmem:v61+s11+$0x0], $0xffff;
	_ =	sdelay $0x2  }
0x13a: {  	s25 =	sand.u32 $0x7F, s25  }
0x13b: {  	v62 =	vor.u32 s25, v0  }
0x13c: {  	s26 =	simm.s32 $0x9;
	[tilespmem:s21+$0x10] =	vst v20  }
0x13d: {  	s13 =	simm.s32 $0x9;
	_ =	swait.ge [sflag:s26], $0x1000  }
0x13e: {  	s14 =	simm.s32 $0x9;
	[sflag:s13] =	ssyncset.done $0x0;
	(v2sf) =	vpush v19, $0xF  }
0x13f: {  	s22 =	simm.s32 $0x10B80;
	[sflag:s14] =	ssyncadd.s32 $0xFFFFF000  }
0x140: {  	(v2sf) =	vpush v18, $0xF;
	v19 =	vld.idx.msk [tilespmem:v62+s22+$0x0], $0xffff  }
0x141: {  	v63 =	vor.u32 s25, v2;
	_ =	sdelay $0x3  }
0x142: {  	s25 =	simm.s32 $0x10B80;
	[tilespmem:s19+$0x0] =	vst v19  }
0x143: {  	v18 =	vld.idx.msk [tilespmem:v63+s25+$0x0], $0xffff;
	_ =	sdelay $0x3  }
0x144: {  	s12 =	sand.u32 $0xFFFFF80, s8;
	s26 =	sand.u32 $0xFFFFF80, s31  }
0x145: {  	s20 =	sadd.s32 s0, s26;
	s13 =	sadd.s32 s2, s12;
	[tilespmem:s19+$0x10] =	vst v18  }
0x146: {  	[tilespmem:s11], [sflag:$0x3] =	stream.strided.gather [hbm4b:s20+s28], $0x1000, s29, s28, $0x38;
	[tilespmem:$0x14B80] =	vst v63  }
0x147: {  	s14 =	simm.s32 $0x10B80;
	s22 =	sand.u32 $0x7F, s3;
	s25 =	spop (v2sf)  }
0x148: {  	v18 =	vor.u32 s22, v0;
	[tilespmem:s14], [sflag:$0x9] =	stream.strided.gather [hbm4b:s13+s28], $0x1000, s29, s28, $0x38;
	[tilespmem:$0x14B80] =	vst v63  }
0x149: {  	s26 =	simm.s32 $0x4;
	s3 =	spop (v2sf)  }
0x14a: {  	_ =	swait.ge [sflag:s26], $0x1000;
	s26 =	simm.s32 $0x4  }
0x14b: {  	[sflag:s26] =	ssyncset.done $0x0;
	s26 =	simm.s32 $0x4  }
0x14c: {  	s12 =	simm.s32 $0xBB80;
	[sflag:s26] =	ssyncadd.s32 $0xFFFFF000  }
0x14d: {  	v18 =	vld.idx.msk [tilespmem:v18+s12+$0x0], $0xffff  }
0x14e: {  	v19 =	vor.u32 s22, v2;
	_ =	sdelay $0x3  }
0x14f: {  	[tilespmem:s21+$0x20] =	vst v18  }
0x150: {  	v18 =	vld.idx.msk [tilespmem:v19+s12+$0x0], $0xffff;
	_ =	sdelay $0x2  }
0x151: {  	s16 =	sand.u32 $0x7F, s16  }
0x152: {  	v19 =	vor.u32 s16, v0  }
0x153: {  	s26 =	simm.s32 $0xA;
	[tilespmem:s21+$0x30] =	vst v18  }
0x154: {  	_ =	swait.ge [sflag:s26], $0x1000;
	s26 =	simm.s32 $0xA  }
0x155: {  	[sflag:s26] =	ssyncset.done $0x0;
	s26 =	simm.s32 $0xA  }
0x156: {  	s13 =	simm.s32 $0x11B80;
	[sflag:s26] =	ssyncadd.s32 $0xFFFFF000  }
0x157: {  	v18 =	vld.idx.msk [tilespmem:v19+s13+$0x0], $0xffff  }
0x158: {  	v19 =	vor.u32 s16, v2;
	_ =	sdelay $0x3  }
0x159: {  	s26 =	simm.s32 $0x11B80;
	[tilespmem:s19+$0x20] =	vst v18  }
0x15a: {  	v18 =	vld.idx.msk [tilespmem:v19+s26+$0x0], $0xffff;
	_ =	sdelay $0x3  }
0x15b: {  	s13 =	sand.u32 $0xFFFFF80, s25  }
0x15c: {  	s16 =	sadd.s32 s0, s13;
	s26 =	sand.u32 $0xFFFFF80, s3;
	[tilespmem:s19+$0x30] =	vst v18  }
0x15d: {  	[tilespmem:s12], [sflag:$0x4] =	stream.strided.gather [hbm4b:s16+s28], $0x1000, s29, s28, $0x38;
	[tilespmem:$0x14B80] =	vst v63  }
0x15e: {  	s1 =	sand.u32 $0x7F, s1;
	s13 =	simm.s32 $0x11B80;
	s16 =	sadd.s32 s2, s26  }
0x15f: {  	v18 =	vor.u32 s1, v0;
	[tilespmem:s13], [sflag:$0xA] =	stream.strided.gather [hbm4b:s16+s28], $0x1000, s29, s28, $0x38;
	[tilespmem:$0x14B80] =	vst v63  }
0x160: {  	s13 =	simm.s32 $0x5  }
0x161: {  	_ =	swait.ge [sflag:s13], $0x1000  }
0x162: {  	[sflag:s13] =	ssyncset.done $0x0  }
0x163: {  	s16 =	simm.s32 $0xCB80;
	[sflag:s13] =	ssyncadd.s32 $0xFFFFF000  }
0x164: {  	v18 =	vld.idx.msk [tilespmem:v18+s16+$0x0], $0xffff  }
0x165: {  	v19 =	vor.u32 s1, v2;
	_ =	sdelay $0x3  }
0x166: {  	[tilespmem:s21+$0x40] =	vst v18  }
0x167: {  	v18 =	vld.idx.msk [tilespmem:v19+s16+$0x0], $0xffff;
	_ =	sdelay $0x2  }
0x168: {  	s17 =	sand.u32 $0x7F, s17  }
0x169: {  	v19 =	vor.u32 s17, v0  }
0x16a: {  	s26 =	simm.s32 $0xB;
	[tilespmem:s21+$0x50] =	vst v18  }
0x16b: {  	_ =	swait.ge [sflag:s26], $0x1000  }
0x16c: {  	[sflag:s26] =	ssyncset.done $0x0  }
0x16d: {  	s20 =	simm.s32 $0x12B80;
	[sflag:s26] =	ssyncadd.s32 $0xFFFFF000  }
0x16e: {  	v18 =	vld.idx.msk [tilespmem:v19+s20+$0x0], $0xffff  }
0x16f: {  	v19 =	vor.u32 s17, v2;
	_ =	sdelay $0x3  }
0x170: {  	[tilespmem:s19+$0x40] =	vst v18  }
0x171: {  	v18 =	vld.idx.msk [tilespmem:v19+s20+$0x0], $0xffff;
	_ =	sdelay $0x2  }
0x172: {  	s17 =	sand.u32 $0x7F, s18  }
0x173: {  	v19 =	vor.u32 s17, v0  }
0x174: {  	s26 =	simm.s32 $0x6;
	[tilespmem:s19+$0x50] =	vst v18  }
0x175: {  	_ =	swait.ge [sflag:s26], $0x1000  }
0x176: {  	[sflag:s26] =	ssyncset.done $0x0  }
0x177: {  	[sflag:s26] =	ssyncadd.s32 $0xFFFFF000  }
0x178: {  	v18 =	vld.idx.msk [tilespmem:v19+s10+$0x0], $0xffff  }
0x179: {  	v19 =	vor.u32 s17, v2;
	_ =	sdelay $0x3  }
0x17a: {  	[tilespmem:s21+$0x60] =	vst v18  }
0x17b: {  	v18 =	vld.idx.msk [tilespmem:v19+s10+$0x0], $0xffff;
	_ =	sdelay $0x2  }
0x17c: {  	s26 =	sand.u32 $0x7F, s6  }
0x17d: {  	v19 =	vor.u32 s26, v0  }
0x17e: {  	s16 =	simm.s32 $0xC;
	[tilespmem:s21+$0x70] =	vst v18  }
0x17f: {  	_ =	swait.ge [sflag:s16], $0x1000  }
0x180: {  	[sflag:s16] =	ssyncset.done $0x0  }
0x181: {  	s18 =	simm.s32 $0x13B80;
	[sflag:s16] =	ssyncadd.s32 $0xFFFFF000  }
0x182: {  	v18 =	vld.idx.msk [tilespmem:v19+s18+$0x0], $0xffff  }
0x183: {  	v19 =	vor.u32 s26, v2;
	_ =	sdelay $0x3  }
0x184: {  	[tilespmem:s19+$0x60] =	vst v18  }
0x185: {  	v18 =	vld.idx.msk [tilespmem:v19+s18+$0x0], $0xffff;
	_ =	sdelay $0x2  }
0x186: {  	s10 =	sand.u32 $0x7F, s5  }
0x187: {  	v19 =	vor.u32 s10, v0  }
0x188: {  	s14 =	simm.s32 $0x1;
	[tilespmem:s19+$0x70] =	vst v18  }
0x189: {  	_ =	swait.ge [sflag:s14], $0x1000  }
0x18a: {  	[sflag:s14] =	ssyncset.done $0x0  }
0x18b: {  	s22 =	simm.s32 $0x8B80;
	[sflag:s14] =	ssyncadd.s32 $0xFFFFF000  }
0x18c: {  	v18 =	vld.idx.msk [tilespmem:v19+s22+$0x0], $0xffff  }
0x18d: {  	v19 =	vor.u32 s10, v2;
	_ =	sdelay $0x3  }
0x18e: {  	[tilespmem:s21+$0x80] =	vst v18  }
0x18f: {  	v18 =	vld.idx.msk [tilespmem:v19+s22+$0x0], $0xffff;
	_ =	sdelay $0x2  }
0x190: {  	s14 =	sand.u32 $0x7F, s4  }
0x191: {  	v19 =	vor.u32 s14, v0  }
0x192: {  	s13 =	simm.s32 $0x7;
	[tilespmem:s21+$0x90] =	vst v18  }
0x193: {  	_ =	swait.ge [sflag:s13], $0x1000  }
0x194: {  	[sflag:s13] =	ssyncset.done $0x0  }
0x195: {  	[sflag:s13] =	ssyncadd.s32 $0xFFFFF000  }
0x196: {  	v18 =	vld.idx.msk [tilespmem:v19+s9+$0x0], $0xffff  }
0x197: {  	v19 =	vor.u32 s14, v2;
	_ =	sdelay $0x3  }
0x198: {  	[tilespmem:s19+$0x80] =	vst v18  }
0x199: {  	v18 =	vld.idx.msk [tilespmem:v19+s9+$0x0], $0xffff;
	_ =	sdelay $0x2  }
0x19a: {  	s18 =	sand.u32 $0x7F, s30  }
0x19b: {  	v19 =	vor.u32 s18, v0  }
0x19c: {  	s17 =	simm.s32 $0x2;
	[tilespmem:s19+$0x90] =	vst v18  }
0x19d: {  	_ =	swait.ge [sflag:s17], $0x1000  }
0x19e: {  	[sflag:s17] =	ssyncset.done $0x0  }
0x19f: {  	[sflag:s17] =	ssyncadd.s32 $0xFFFFF000  }
0x1a0: {  	v18 =	vld.idx.msk [tilespmem:v19+s15+$0x0], $0xffff  }
0x1a1: {  	v19 =	vor.u32 s18, v2;
	_ =	sdelay $0x3  }
0x1a2: {  	[tilespmem:s21+$0xA0] =	vst v18  }
0x1a3: {  	v18 =	vld.idx.msk [tilespmem:v19+s15+$0x0], $0xffff;
	_ =	sdelay $0x2  }
0x1a4: {  	s26 =	sand.u32 $0x7F, s24  }
0x1a5: {  	v19 =	vor.u32 s26, v0  }
0x1a6: {  	s16 =	simm.s32 $0x8;
	[tilespmem:s21+$0xB0] =	vst v18  }
0x1a7: {  	_ =	swait.ge [sflag:s16], $0x1000  }
0x1a8: {  	[sflag:s16] =	ssyncset.done $0x0  }
0x1a9: {  	[sflag:s16] =	ssyncadd.s32 $0xFFFFF000;
	s16 =	simm.s32 $0xFB80  }
0x1aa: {  	v18 =	vld.idx.msk [tilespmem:v19+s16+$0x0], $0xffff  }
0x1ab: {  	v19 =	vor.u32 s26, v2;
	_ =	sdelay $0x3  }
0x1ac: {  	[tilespmem:s19+$0xA0] =	vst v18  }
0x1ad: {  	v18 =	vld.idx.msk [tilespmem:v19+s16+$0x0], $0xffff;
	_ =	sdelay $0x2  }
0x1ae: {  	s17 =	sand.u32 $0x7F, s31  }
0x1af: {  	v19 =	vor.u32 s17, v0  }
0x1b0: {  	s15 =	simm.s32 $0x3;
	[tilespmem:s19+$0xB0] =	vst v18  }
0x1b1: {  	_ =	swait.ge [sflag:s15], $0x1000  }
0x1b2: {  	[sflag:s15] =	ssyncset.done $0x0  }
0x1b3: {  	[sflag:s15] =	ssyncadd.s32 $0xFFFFF000  }
0x1b4: {  	v18 =	vld.idx.msk [tilespmem:v19+s11+$0x0], $0xffff  }
0x1b5: {  	v19 =	vor.u32 s17, v2;
	_ =	sdelay $0x3  }
0x1b6: {  	[tilespmem:s21+$0xC0] =	vst v18  }
0x1b7: {  	v18 =	vld.idx.msk [tilespmem:v19+s11+$0x0], $0xffff;
	_ =	sdelay $0x2  }
0x1b8: {  	s18 =	sand.u32 $0x7F, s8  }
0x1b9: {  	v19 =	vor.u32 s18, v0  }
0x1ba: {  	s30 =	simm.s32 $0x9;
	[tilespmem:s21+$0xD0] =	vst v18  }
0x1bb: {  	_ =	swait.ge [sflag:s30], $0x1000  }
0x1bc: {  	[sflag:s30] =	ssyncset.done $0x0  }
0x1bd: {  	s5 =	simm.s32 $0x10B80;
	[sflag:s30] =	ssyncadd.s32 $0xFFFFF000  }
0x1be: {  	v18 =	vld.idx.msk [tilespmem:v19+s5+$0x0], $0xffff  }
0x1bf: {  	v19 =	vor.u32 s18, v2;
	_ =	sdelay $0x3  }
0x1c0: {  	[tilespmem:s19+$0xC0] =	vst v18  }
0x1c1: {  	v18 =	vld.idx.msk [tilespmem:v19+s5+$0x0], $0xffff;
	_ =	sdelay $0x2  }
0x1c2: {  	s30 =	sand.u32 $0x7F, s25  }
0x1c3: {  	v19 =	vor.u32 s30, v0  }
0x1c4: {  	s26 =	simm.s32 $0x4;
	[tilespmem:s19+$0xD0] =	vst v18  }
0x1c5: {  	_ =	swait.ge [sflag:s26], $0x1000  }
0x1c6: {  	[sflag:s26] =	ssyncset.done $0x0  }
0x1c7: {  	[sflag:s26] =	ssyncadd.s32 $0xFFFFF000  }
0x1c8: {  	v18 =	vld.idx.msk [tilespmem:v19+s12+$0x0], $0xffff  }
0x1c9: {  	v19 =	vor.u32 s30, v2;
	_ =	sdelay $0x3  }
0x1ca: {  	[tilespmem:s21+$0xE0] =	vst v18  }
0x1cb: {  	v18 =	vld.idx.msk [tilespmem:v19+s12+$0x0], $0xffff;
	_ =	sdelay $0x2  }
0x1cc: {  	s31 =	sand.u32 $0x7F, s3  }
0x1cd: {  	v19 =	vor.u32 s31, v0  }
0x1ce: {  	s24 =	simm.s32 $0xA;
	[tilespmem:s21+$0xF0] =	vst v18  }
0x1cf: {  	_ =	swait.ge [sflag:s24], $0x1000  }
0x1d0: {  	[sflag:s24] =	ssyncset.done $0x0  }
0x1d1: {  	s6 =	simm.s32 $0x11B80;
	[sflag:s24] =	ssyncadd.s32 $0xFFFFF000  }
0x1d2: {  	v18 =	vld.idx.msk [tilespmem:v19+s6+$0x0], $0xffff  }
0x1d3: {  	v19 =	vor.u32 s31, v2;
	_ =	sdelay $0x3  }
0x1d4: {  	[tilespmem:s19+$0xE0] =	vst v18  }
0x1d5: {  	p0 =	sne.s32 s23, $0x7C0;
	v18 =	vld.idx.msk [tilespmem:v19+s6+$0x0], $0xffff  }
.Ltmp0:
0x1d6: {  	_ = 	snop;
	(pc) =	sbr.rel @p0 .LBB2_2-.Ltmp0, $3  }
0x1d7: {  	_ =	sdelay $0x1  }
0x1d8: {  	s23 =	sadd.s32 $0x40, s23;
	s13 =	simm.s32 $0x9B80  }
0x1d9: {  	s9 =	simm.s32 $0xFB80;
	s21 =	sadd.s32 $0x200, s21;
	[tilespmem:s19+$0xF0] =	vst v18;
	s19 =	sadd.s32 $0x200, s19  }
0x1da: {  	s1 =	simm.s32 $0xD  }
0x1db: {  	_ =	swait.ge [sflag:s1], $0x80  }
0x1dc: {  	[sflag:s1] =	ssyncset.done $0x0  }
0x1dd: {  	[sflag:s1] =	ssyncadd.s32 $0xFFFFFF80  }
0x1de: {  	_ =	swait.ge [sflag:s1], $0x80  }
0x1df: {  	[sflag:s1] =	ssyncset.done $0x0  }
0x1e0: {  	[sflag:s1] =	ssyncadd.s32 $0xFFFFFF80  }
0x1e1: {  	_ =	swait.ge [sflag:s1], $0x80  }
0x1e2: {  	[sflag:s1] =	ssyncset.done $0x0  }
0x1e3: {  	[sflag:s1] =	ssyncadd.s32 $0xFFFFFF80  }
0x1e4: {  	_ =	swait.ge [sflag:s1], $0x80  }
0x1e5: {  	[sflag:s1] =	ssyncset.done $0x0  }
0x1e6: {  	[sflag:s1] =	ssyncadd.s32 $0xFFFFFF80  }
0x1e7: {  	_ =	swait.ge [sflag:s1], $0x80  }
0x1e8: {  	[sflag:s1] =	ssyncset.done $0x0  }
0x1e9: {  	[sflag:s1] =	ssyncadd.s32 $0xFFFFFF80  }
0x1ea: {  	_ =	swait.ge [sflag:s1], $0x80  }
0x1eb: {  	[sflag:s1] =	ssyncset.done $0x0  }
0x1ec: {  	[sflag:s1] =	ssyncadd.s32 $0xFFFFFF80  }
0x1ed: {  	_ =	swait.ge [sflag:s1], $0x80  }
0x1ee: {  	[sflag:s1] =	ssyncset.done $0x0  }
0x1ef: {  	[sflag:s1] =	ssyncadd.s32 $0xFFFFFF80  }
0x1f0: {  	_ =	swait.ge [sflag:s1], $0x80  }
0x1f1: {  	[sflag:s1] =	ssyncset.done $0x0  }
0x1f2: {  	s21 =	simm.s32 $0x500;
	[sflag:s1] =	ssyncadd.s32 $0xFFFFFF80  }
0x1f3: {  	s19 =	simm.s32 $0x4500;
	v18 =	vld [tilespmem:s21+$0xFFFFFF00]  }
0x1f4: {  	v19 =	vld [tilespmem:s19+$0xFFFFFF10]  }
0x1f5: {  	v20 =	vld [tilespmem:s21+$0xFFFFFF10]  }
0x1f6: {  	v21 =	vld [tilespmem:s19+$0xFFFFFF00];
	_ =	sdelay $0x4  }
0x1f7: {  	v19 =	vmul.f32 v19, v20;
	v18 =	vmul.f32 v21, v18;
	_ =	sdelay $0x1  }
0x1f8: {  	v19 =	vadd.f32 v19, v18;
	_ =	sdelay $0x1  }
0x1f9: {  	v18 =	vld.msk [tilespmem:$0x8900 ss:$0x0], $0xffff;
	[tilespmem:v1+s7+$0x0] =	vst.idx.msk $0xffff, v19  }
0x1fa: {  	v19 =	vld [tilespmem:s19+$0xFFFFFF30]  }
0x1fb: {  	v20 =	vld [tilespmem:s21+$0xFFFFFF20]  }
0x1fc: {  	v21 =	vld [tilespmem:s21+$0xFFFFFF30]  }
0x1fd: {  	v22 =	vld [tilespmem:s19+$0xFFFFFF20];
	_ =	sdelay $0x4  }
0x1fe: {  	v19 =	vmul.f32 v19, v21;
	v20 =	vmul.f32 v22, v20;
	_ =	sdelay $0x1  }
0x1ff: {  	v19 =	vadd.f32 v19, v20;
	_ =	sdelay $0x1  }
0x200: {  	[tilespmem:v3+s7+$0x0] =	vst.idx.msk $0xffff, v19  }
0x201: {  	v19 =	vld [tilespmem:s21+$0xFFFFFF40]  }
0x202: {  	v20 =	vld [tilespmem:s19+$0xFFFFFF40]  }
0x203: {  	v21 =	vld [tilespmem:s21+$0xFFFFFF50]  }
0x204: {  	v22 =	vld [tilespmem:s19+$0xFFFFFF50];
	_ =	sdelay $0x4  }
0x205: {  	v19 =	vmul.f32 v20, v19;
	v20 =	vmul.f32 v22, v21;
	_ =	sdelay $0x1  }
0x206: {  	v19 =	vadd.f32 v20, v19;
	_ =	sdelay $0x1  }
0x207: {  	[tilespmem:v4+s7+$0x0] =	vst.idx.msk $0xffff, v19  }
0x208: {  	v19 =	vld [tilespmem:s21+$0xFFFFFF70]  }
0x209: {  	v20 =	vld [tilespmem:s19+$0xFFFFFF60]  }
0x20a: {  	v21 =	vld [tilespmem:s21+$0xFFFFFF60]  }
0x20b: {  	v22 =	vld [tilespmem:s19+$0xFFFFFF70];
	_ =	sdelay $0x4  }
0x20c: {  	v20 =	vmul.f32 v20, v21;
	v19 =	vmul.f32 v22, v19;
	_ =	sdelay $0x1  }
0x20d: {  	v19 =	vadd.f32 v19, v20;
	_ =	sdelay $0x1  }
0x20e: {  	[tilespmem:v5+s7+$0x0] =	vst.idx.msk $0xffff, v19  }
0x20f: {  	v19 =	vld [tilespmem:s19+$0xFFFFFF90]  }
0x210: {  	v20 =	vld [tilespmem:s19+$0xFFFFFF80]  }
0x211: {  	v21 =	vld [tilespmem:s21+$0xFFFFFF80]  }
0x212: {  	v22 =	vld [tilespmem:s21+$0xFFFFFF90];
	_ =	sdelay $0x4  }
0x213: {  	v20 =	vmul.f32 v20, v21;
	v19 =	vmul.f32 v19, v22;
	_ =	sdelay $0x1  }
0x214: {  	v19 =	vadd.f32 v19, v20;
	_ =	sdelay $0x1  }
0x215: {  	[tilespmem:v6+s7+$0x0] =	vst.idx.msk $0xffff, v19  }
0x216: {  	v19 =	vld [tilespmem:s19+$0xFFFFFFA0]  }
0x217: {  	v20 =	vld [tilespmem:s19+$0xFFFFFFB0]  }
0x218: {  	v21 =	vld [tilespmem:s21+$0xFFFFFFA0]  }
0x219: {  	v22 =	vld [tilespmem:s21+$0xFFFFFFB0];
	_ =	sdelay $0x4  }
0x21a: {  	v19 =	vmul.f32 v19, v21;
	v20 =	vmul.f32 v20, v22;
	_ =	sdelay $0x1  }
0x21b: {  	v19 =	vadd.f32 v20, v19;
	_ =	sdelay $0x1  }
0x21c: {  	[tilespmem:v7+s7+$0x0] =	vst.idx.msk $0xffff, v19  }
0x21d: {  	v19 =	vld [tilespmem:s19+$0xFFFFFFC0]  }
0x21e: {  	v20 =	vld [tilespmem:s19+$0xFFFFFFD0]  }
0x21f: {  	v21 =	vld [tilespmem:s21+$0xFFFFFFC0]  }
0x220: {  	v22 =	vld [tilespmem:s21+$0xFFFFFFD0];
	_ =	sdelay $0x4  }
0x221: {  	v19 =	vmul.f32 v19, v21;
	v20 =	vmul.f32 v20, v22;
	_ =	sdelay $0x1  }
0x222: {  	v19 =	vadd.f32 v20, v19;
	_ =	sdelay $0x1  }
0x223: {  	[tilespmem:v8+s7+$0x0] =	vst.idx.msk $0xffff, v19  }
0x224: {  	v19 =	vld [tilespmem:s21+$0xFFFFFFE0]  }
0x225: {  	v20 =	vld [tilespmem:s19+$0xFFFFFFE0]  }
0x226: {  	v21 =	vld [tilespmem:s19+$0xFFFFFFF0]  }
0x227: {  	v22 =	vld [tilespmem:s21+$0xFFFFFFF0];
	_ =	sdelay $0x4  }
0x228: {  	v19 =	vmul.f32 v20, v19;
	v20 =	vmul.f32 v21, v22;
	_ =	sdelay $0x1  }
0x229: {  	v19 =	vadd.f32 v20, v19;
	_ =	sdelay $0x1  }
0x22a: {  	[tilespmem:v9+s7+$0x0] =	vst.idx.msk $0xffff, v19  }
0x22b: {  	v19 =	vld [tilespmem:s19+$0x0]  }
0x22c: {  	v20 =	vld [tilespmem:s19+$0x10]  }
0x22d: {  	v21 =	vld [tilespmem:s21+$0x10]  }
0x22e: {  	v22 =	vld [tilespmem:s21+$0x0];
	_ =	sdelay $0x4  }
0x22f: {  	v20 =	vmul.f32 v20, v21;
	v19 =	vmul.f32 v19, v22;
	_ =	sdelay $0x1  }
0x230: {  	v19 =	vadd.f32 v20, v19;
	_ =	sdelay $0x1  }
0x231: {  	[tilespmem:v10+s7+$0x0] =	vst.idx.msk $0xffff, v19  }
0x232: {  	v19 =	vld [tilespmem:s19+$0x20]  }
0x233: {  	v20 =	vld [tilespmem:s19+$0x30]  }
0x234: {  	v21 =	vld [tilespmem:s21+$0x30]  }
0x235: {  	v22 =	vld [tilespmem:s21+$0x20];
	_ =	sdelay $0x4  }
0x236: {  	v20 =	vmul.f32 v20, v21;
	v19 =	vmul.f32 v19, v22;
	_ =	sdelay $0x1  }
0x237: {  	v19 =	vadd.f32 v20, v19;
	_ =	sdelay $0x1  }
0x238: {  	[tilespmem:v11+s7+$0x0] =	vst.idx.msk $0xffff, v19  }
0x239: {  	v19 =	vld [tilespmem:s19+$0x40]  }
0x23a: {  	v20 =	vld [tilespmem:s21+$0x40]  }
0x23b: {  	v21 =	vld [tilespmem:s21+$0x50]  }
0x23c: {  	v22 =	vld [tilespmem:s19+$0x50];
	_ =	sdelay $0x4  }
0x23d: {  	v19 =	vmul.f32 v19, v20;
	v20 =	vmul.f32 v22, v21;
	_ =	sdelay $0x1  }
0x23e: {  	v19 =	vadd.f32 v20, v19;
	_ =	sdelay $0x1  }
0x23f: {  	[tilespmem:v12+s7+$0x0] =	vst.idx.msk $0xffff, v19  }
0x240: {  	v19 =	vld [tilespmem:s21+$0x70]  }
0x241: {  	v20 =	vld [tilespmem:s19+$0x60]  }
0x242: {  	v21 =	vld [tilespmem:s21+$0x60]  }
0x243: {  	v22 =	vld [tilespmem:s19+$0x70];
	_ =	sdelay $0x4  }
0x244: {  	v20 =	vmul.f32 v20, v21;
	v19 =	vmul.f32 v22, v19;
	_ =	sdelay $0x1  }
0x245: {  	v19 =	vadd.f32 v19, v20;
	_ =	sdelay $0x1  }
0x246: {  	[tilespmem:v13+s7+$0x0] =	vst.idx.msk $0xffff, v19  }
0x247: {  	v19 =	vld [tilespmem:s19+$0x90]  }
0x248: {  	v20 =	vld [tilespmem:s21+$0x80]  }
0x249: {  	v21 =	vld [tilespmem:s19+$0x80]  }
0x24a: {  	v22 =	vld [tilespmem:s21+$0x90];
	_ =	sdelay $0x4  }
0x24b: {  	v20 =	vmul.f32 v21, v20;
	v19 =	vmul.f32 v19, v22;
	_ =	sdelay $0x1  }
0x24c: {  	v19 =	vadd.f32 v19, v20;
	_ =	sdelay $0x1  }
0x24d: {  	[tilespmem:v14+s7+$0x0] =	vst.idx.msk $0xffff, v19  }
0x24e: {  	v19 =	vld [tilespmem:s19+$0xA0]  }
0x24f: {  	v20 =	vld [tilespmem:s19+$0xB0]  }
0x250: {  	v21 =	vld [tilespmem:s21+$0xA0]  }
0x251: {  	v22 =	vld [tilespmem:s21+$0xB0];
	_ =	sdelay $0x4  }
0x252: {  	v19 =	vmul.f32 v19, v21;
	v20 =	vmul.f32 v20, v22;
	_ =	sdelay $0x1  }
0x253: {  	v19 =	vadd.f32 v20, v19;
	_ =	sdelay $0x1  }
0x254: {  	[tilespmem:v15+s7+$0x0] =	vst.idx.msk $0xffff, v19  }
0x255: {  	v19 =	vld [tilespmem:s21+$0xC0]  }
0x256: {  	v20 =	vld [tilespmem:s19+$0xC0]  }
0x257: {  	v21 =	vld [tilespmem:s19+$0xD0]  }
0x258: {  	v22 =	vld [tilespmem:s21+$0xD0];
	_ =	sdelay $0x4  }
0x259: {  	v19 =	vmul.f32 v20, v19;
	v20 =	vmul.f32 v21, v22;
	_ =	sdelay $0x1  }
0x25a: {  	v19 =	vadd.f32 v20, v19;
	_ =	sdelay $0x1  }
0x25b: {  	[tilespmem:v16+s7+$0x0] =	vst.idx.msk $0xffff, v19  }
0x25c: {  	v19 =	vld [tilespmem:s21+$0xE0]  }
0x25d: {  	v20 =	vld [tilespmem:s19+$0xE0]  }
0x25e: {  	v21 =	vld [tilespmem:s21+$0xF0]  }
0x25f: {  	v22 =	vld [tilespmem:s19+$0xF0];
	_ =	sdelay $0x4  }
0x260: {  	s23 =	simm.s32 $0x0;
	s24 =	simm.s32 $0x40;
	v19 =	vmul.f32 v20, v19;
	v20 =	vmul.f32 v22, v21  }
.LBB2_4:
0x261: {  	p0 =	sne.s32 s24, $0x7C0;
	s19 =	sadd.s32 $0x200, s19;
	s21 =	sadd.s32 $0x200, s21  }
0x262: {  	s3 =	smov.u32 s24;
	s24 =	sadd.s32 $0x40, s24;
	v19 =	vadd.f32 v20, v19;
	_ =	sdelay $0x1  }
0x263: {  	s1 =	sshra.s32 s23, $0x2;
	s23 =	smov.u32 s3;
	[tilespmem:v17+s7+$0x0] =	vst.idx.msk $0xffff, v19  }
0x264: {  	v19 =	vld [tilespmem:s1+$0x8500]  }
0x265: {  	v20 =	vld [tilespmem:s1+$0x8700]  }
0x266: {  	v21 =	vld [tilespmem:$0x8400]  }
0x267: {  	v22 =	vld [tilespmem:$0x8410]  }
0x268: {  	v23 =	vld [tilespmem:$0x8420]  }
0x269: {  	v24 =	vld [tilespmem:$0x8430]  }
0x26a: {  	v19 =	vadd.f32 v20, v19;
	v20 =	vld [tilespmem:$0x8440]  }
0x26b: {  	v25 =	vld [tilespmem:$0x8450]  }
0x26c: {  	v19 =	vadd.f32 v19, v18;
	v26 =	vld [tilespmem:$0x8460]  }
0x26d: {  	v27 =	vld [tilespmem:$0x8470]  }
0x26e: {  	v19 =	vadd.f32 v19, v21;
	v21 =	vld [tilespmem:$0x8480]  }
0x26f: {  	v28 =	vld [tilespmem:$0x8490]  }
0x270: {  	v19 =	vadd.f32 v19, v22;
	v22 =	vld [tilespmem:$0x84A0]  }
0x271: {  	v29 =	vld [tilespmem:$0x84B0]  }
0x272: {  	v19 =	vadd.f32 v19, v23;
	v23 =	vld [tilespmem:$0x84C0]  }
0x273: {  	v30 =	vld [tilespmem:$0x84D0]  }
0x274: {  	v19 =	vadd.f32 v19, v24;
	v24 =	vld [tilespmem:$0x84E0]  }
0x275: {  	v31 =	vld [tilespmem:$0x84F0]  }
0x276: {  	v19 =	vadd.f32 v19, v20;
	_ =	sdelay $0x1  }
0x277: {  	v19 =	vadd.f32 v19, v25;
	_ =	sdelay $0x1  }
0x278: {  	v19 =	vadd.f32 v19, v26;
	_ =	sdelay $0x1  }
0x279: {  	v19 =	vadd.f32 v19, v27;
	_ =	sdelay $0x1  }
0x27a: {  	v19 =	vadd.f32 v19, v21;
	_ =	sdelay $0x1  }
0x27b: {  	v19 =	vadd.f32 v19, v28;
	_ =	sdelay $0x1  }
0x27c: {  	v19 =	vadd.f32 v19, v22;
	_ =	sdelay $0x1  }
0x27d: {  	v19 =	vadd.f32 v19, v29;
	_ =	sdelay $0x1  }
0x27e: {  	v19 =	vadd.f32 v19, v23;
	_ =	sdelay $0x1  }
0x27f: {  	v19 =	vadd.f32 v19, v30;
	_ =	sdelay $0x1  }
0x280: {  	v19 =	vadd.f32 v19, v24;
	_ =	sdelay $0x1  }
0x281: {  	v19 =	vadd.f32 v19, v31;
	_ =	sdelay $0x1  }
0x282: {  	[tilespmem:s1+$0x8980] =	vst v19  }
0x283: {  	v19 =	vld [tilespmem:s21+$0xFFFFFF00]  }
0x284: {  	v20 =	vld [tilespmem:s19+$0xFFFFFF10]  }
0x285: {  	v21 =	vld [tilespmem:s21+$0xFFFFFF10]  }
0x286: {  	v22 =	vld [tilespmem:s19+$0xFFFFFF00];
	_ =	sdelay $0x3  }
0x287: {  	v20 =	vmul.f32 v20, v21  }
0x288: {  	v19 =	vmul.f32 v22, v19;
	_ =	sdelay $0x1  }
0x289: {  	v19 =	vadd.f32 v20, v19;
	_ =	sdelay $0x1  }
0x28a: {  	[tilespmem:v1+s7+$0x0] =	vst.idx.msk $0xffff, v19  }
0x28b: {  	v19 =	vld [tilespmem:s19+$0xFFFFFF30]  }
0x28c: {  	v20 =	vld [tilespmem:s21+$0xFFFFFF20]  }
0x28d: {  	v21 =	vld [tilespmem:s21+$0xFFFFFF30]  }
0x28e: {  	v22 =	vld [tilespmem:s19+$0xFFFFFF20];
	_ =	sdelay $0x3  }
0x28f: {  	v19 =	vmul.f32 v19, v21  }
0x290: {  	v20 =	vmul.f32 v22, v20;
	_ =	sdelay $0x1  }
0x291: {  	v19 =	vadd.f32 v19, v20;
	_ =	sdelay $0x1  }
0x292: {  	[tilespmem:v3+s7+$0x0] =	vst.idx.msk $0xffff, v19  }
0x293: {  	v19 =	vld [tilespmem:s21+$0xFFFFFF40]  }
0x294: {  	v20 =	vld [tilespmem:s19+$0xFFFFFF40]  }
0x295: {  	v21 =	vld [tilespmem:s21+$0xFFFFFF50]  }
0x296: {  	v22 =	vld [tilespmem:s19+$0xFFFFFF50];
	_ =	sdelay $0x2  }
0x297: {  	v19 =	vmul.f32 v20, v19;
	_ =	sdelay $0x1  }
0x298: {  	v20 =	vmul.f32 v22, v21;
	_ =	sdelay $0x1  }
0x299: {  	v19 =	vadd.f32 v20, v19;
	_ =	sdelay $0x1  }
0x29a: {  	[tilespmem:v4+s7+$0x0] =	vst.idx.msk $0xffff, v19  }
0x29b: {  	v19 =	vld [tilespmem:s21+$0xFFFFFF70]  }
0x29c: {  	v20 =	vld [tilespmem:s19+$0xFFFFFF60]  }
0x29d: {  	v21 =	vld [tilespmem:s21+$0xFFFFFF60]  }
0x29e: {  	v22 =	vld [tilespmem:s19+$0xFFFFFF70];
	_ =	sdelay $0x3  }
0x29f: {  	v20 =	vmul.f32 v20, v21  }
0x2a0: {  	v19 =	vmul.f32 v22, v19;
	_ =	sdelay $0x1  }
0x2a1: {  	v19 =	vadd.f32 v19, v20;
	_ =	sdelay $0x1  }
0x2a2: {  	[tilespmem:v5+s7+$0x0] =	vst.idx.msk $0xffff, v19  }
0x2a3: {  	v19 =	vld [tilespmem:s19+$0xFFFFFF90]  }
0x2a4: {  	v20 =	vld [tilespmem:s19+$0xFFFFFF80]  }
0x2a5: {  	v21 =	vld [tilespmem:s21+$0xFFFFFF80]  }
0x2a6: {  	v22 =	vld [tilespmem:s21+$0xFFFFFF90];
	_ =	sdelay $0x3  }
0x2a7: {  	v20 =	vmul.f32 v20, v21  }
0x2a8: {  	v19 =	vmul.f32 v19, v22;
	_ =	sdelay $0x1  }
0x2a9: {  	v19 =	vadd.f32 v19, v20;
	_ =	sdelay $0x1  }
0x2aa: {  	[tilespmem:v6+s7+$0x0] =	vst.idx.msk $0xffff, v19  }
0x2ab: {  	v19 =	vld [tilespmem:s19+$0xFFFFFFA0]  }
0x2ac: {  	v20 =	vld [tilespmem:s19+$0xFFFFFFB0]  }
0x2ad: {  	v21 =	vld [tilespmem:s21+$0xFFFFFFA0]  }
0x2ae: {  	v22 =	vld [tilespmem:s21+$0xFFFFFFB0];
	_ =	sdelay $0x3  }
0x2af: {  	v19 =	vmul.f32 v19, v21  }
0x2b0: {  	v20 =	vmul.f32 v20, v22;
	_ =	sdelay $0x1  }
0x2b1: {  	v19 =	vadd.f32 v20, v19;
	_ =	sdelay $0x1  }
0x2b2: {  	[tilespmem:v7+s7+$0x0] =	vst.idx.msk $0xffff, v19  }
0x2b3: {  	v19 =	vld [tilespmem:s19+$0xFFFFFFC0]  }
0x2b4: {  	v20 =	vld [tilespmem:s19+$0xFFFFFFD0]  }
0x2b5: {  	v21 =	vld [tilespmem:s21+$0xFFFFFFC0]  }
0x2b6: {  	v22 =	vld [tilespmem:s21+$0xFFFFFFD0];
	_ =	sdelay $0x3  }
0x2b7: {  	v19 =	vmul.f32 v19, v21  }
0x2b8: {  	v20 =	vmul.f32 v20, v22;
	_ =	sdelay $0x1  }
0x2b9: {  	v19 =	vadd.f32 v20, v19;
	_ =	sdelay $0x1  }
0x2ba: {  	[tilespmem:v8+s7+$0x0] =	vst.idx.msk $0xffff, v19  }
0x2bb: {  	v19 =	vld [tilespmem:s21+$0xFFFFFFE0]  }
0x2bc: {  	v20 =	vld [tilespmem:s19+$0xFFFFFFE0]  }
0x2bd: {  	v21 =	vld [tilespmem:s19+$0xFFFFFFF0]  }
0x2be: {  	v22 =	vld [tilespmem:s21+$0xFFFFFFF0];
	_ =	sdelay $0x2  }
0x2bf: {  	v19 =	vmul.f32 v20, v19;
	_ =	sdelay $0x1  }
0x2c0: {  	v20 =	vmul.f32 v21, v22;
	_ =	sdelay $0x1  }
0x2c1: {  	v19 =	vadd.f32 v20, v19;
	_ =	sdelay $0x1  }
0x2c2: {  	[tilespmem:v9+s7+$0x0] =	vst.idx.msk $0xffff, v19  }
0x2c3: {  	v19 =	vld [tilespmem:s19+$0x0]  }
0x2c4: {  	v20 =	vld [tilespmem:s19+$0x10]  }
0x2c5: {  	v21 =	vld [tilespmem:s21+$0x10]  }
0x2c6: {  	v22 =	vld [tilespmem:s21+$0x0];
	_ =	sdelay $0x3  }
0x2c7: {  	v20 =	vmul.f32 v20, v21  }
0x2c8: {  	v19 =	vmul.f32 v19, v22;
	_ =	sdelay $0x1  }
0x2c9: {  	v19 =	vadd.f32 v20, v19;
	_ =	sdelay $0x1  }
0x2ca: {  	[tilespmem:v10+s7+$0x0] =	vst.idx.msk $0xffff, v19  }
0x2cb: {  	v19 =	vld [tilespmem:s19+$0x20]  }
0x2cc: {  	v20 =	vld [tilespmem:s19+$0x30]  }
0x2cd: {  	v21 =	vld [tilespmem:s21+$0x30]  }
0x2ce: {  	v22 =	vld [tilespmem:s21+$0x20];
	_ =	sdelay $0x3  }
0x2cf: {  	v20 =	vmul.f32 v20, v21  }
0x2d0: {  	v19 =	vmul.f32 v19, v22;
	_ =	sdelay $0x1  }
0x2d1: {  	v19 =	vadd.f32 v20, v19;
	_ =	sdelay $0x1  }
0x2d2: {  	[tilespmem:v11+s7+$0x0] =	vst.idx.msk $0xffff, v19  }
0x2d3: {  	v19 =	vld [tilespmem:s19+$0x40]  }
0x2d4: {  	v20 =	vld [tilespmem:s21+$0x40]  }
0x2d5: {  	v21 =	vld [tilespmem:s21+$0x50]  }
0x2d6: {  	v22 =	vld [tilespmem:s19+$0x50];
	_ =	sdelay $0x2  }
0x2d7: {  	v19 =	vmul.f32 v19, v20;
	_ =	sdelay $0x1  }
0x2d8: {  	v20 =	vmul.f32 v22, v21;
	_ =	sdelay $0x1  }
0x2d9: {  	v19 =	vadd.f32 v20, v19;
	_ =	sdelay $0x1  }
0x2da: {  	[tilespmem:v12+s7+$0x0] =	vst.idx.msk $0xffff, v19  }
0x2db: {  	v19 =	vld [tilespmem:s21+$0x70]  }
0x2dc: {  	v20 =	vld [tilespmem:s19+$0x60]  }
0x2dd: {  	v21 =	vld [tilespmem:s21+$0x60]  }
0x2de: {  	v22 =	vld [tilespmem:s19+$0x70];
	_ =	sdelay $0x3  }
0x2df: {  	v20 =	vmul.f32 v20, v21  }
0x2e0: {  	v19 =	vmul.f32 v22, v19;
	_ =	sdelay $0x1  }
0x2e1: {  	v19 =	vadd.f32 v19, v20;
	_ =	sdelay $0x1  }
0x2e2: {  	[tilespmem:v13+s7+$0x0] =	vst.idx.msk $0xffff, v19  }
0x2e3: {  	v19 =	vld [tilespmem:s19+$0x90]  }
0x2e4: {  	v20 =	vld [tilespmem:s21+$0x80]  }
0x2e5: {  	v21 =	vld [tilespmem:s19+$0x80]  }
0x2e6: {  	v22 =	vld [tilespmem:s21+$0x90];
	_ =	sdelay $0x3  }
0x2e7: {  	v20 =	vmul.f32 v21, v20  }
0x2e8: {  	v19 =	vmul.f32 v19, v22;
	_ =	sdelay $0x1  }
0x2e9: {  	v19 =	vadd.f32 v19, v20;
	_ =	sdelay $0x1  }
0x2ea: {  	[tilespmem:v14+s7+$0x0] =	vst.idx.msk $0xffff, v19  }
0x2eb: {  	v19 =	vld [tilespmem:s19+$0xA0]  }
0x2ec: {  	v20 =	vld [tilespmem:s19+$0xB0]  }
0x2ed: {  	v21 =	vld [tilespmem:s21+$0xA0]  }
0x2ee: {  	v22 =	vld [tilespmem:s21+$0xB0];
	_ =	sdelay $0x3  }
0x2ef: {  	v19 =	vmul.f32 v19, v21  }
0x2f0: {  	v20 =	vmul.f32 v20, v22;
	_ =	sdelay $0x1  }
0x2f1: {  	v19 =	vadd.f32 v20, v19;
	_ =	sdelay $0x1  }
0x2f2: {  	[tilespmem:v15+s7+$0x0] =	vst.idx.msk $0xffff, v19  }
0x2f3: {  	v19 =	vld [tilespmem:s21+$0xC0]  }
0x2f4: {  	v20 =	vld [tilespmem:s19+$0xC0]  }
0x2f5: {  	v21 =	vld [tilespmem:s19+$0xD0]  }
0x2f6: {  	v22 =	vld [tilespmem:s21+$0xD0];
	_ =	sdelay $0x2  }
0x2f7: {  	v19 =	vmul.f32 v20, v19;
	_ =	sdelay $0x1  }
0x2f8: {  	v20 =	vmul.f32 v21, v22;
	_ =	sdelay $0x1  }
0x2f9: {  	v19 =	vadd.f32 v20, v19;
	_ =	sdelay $0x1  }
0x2fa: {  	[tilespmem:v16+s7+$0x0] =	vst.idx.msk $0xffff, v19  }
0x2fb: {  	v19 =	vld [tilespmem:s21+$0xE0]  }
0x2fc: {  	v20 =	vld [tilespmem:s19+$0xE0]  }
0x2fd: {  	v21 =	vld [tilespmem:s21+$0xF0]  }
0x2fe: {  	v22 =	vld [tilespmem:s19+$0xF0]  }
.Ltmp1:
0x2ff: {  	(pc) =	sbr.rel @p0 .LBB2_4-.Ltmp1, $3  }
0x300: {  	_ = 	snop  }
0x301: {  	v19 =	vmul.f32 v20, v19;
	_ =	sdelay $0x1  }
0x302: {  	v20 =	vmul.f32 v22, v21  }
0x303: {  	_ =	sdelay $0x1  }
0x304: {  	v19 =	vadd.f32 v20, v19;
	_ =	sdelay $0x1  }
0x305: {  	s1 =	sshra.s32 s23, $0x2;
	[tilespmem:v17+s7+$0x0] =	vst.idx.msk $0xffff, v19  }
0x306: {  	v19 =	vld [tilespmem:s1+$0x8500]  }
0x307: {  	v53 =	vld [tilespmem:s1+$0x8700];
	_ =	sdelay $0x3  }
0x308: {  	v21 =	vld [tilespmem:$0x8400]  }
0x309: {  	v19 =	vadd.f32 v53, v19  }
0x30a: {  	v54 =	vld [tilespmem:$0x8410]  }
0x30b: {  	v18 =	vadd.f32 v19, v18  }
0x30c: {  	v19 =	vld [tilespmem:$0x8420]  }
0x30d: {  	v18 =	vadd.f32 v18, v21  }
0x30e: {  	v55 =	vld [tilespmem:$0x8430]  }
0x30f: {  	v18 =	vadd.f32 v18, v54  }
0x310: {  	v56 =	vld [tilespmem:$0x8440]  }
0x311: {  	v18 =	vadd.f32 v18, v19  }
0x312: {  	v19 =	vld [tilespmem:$0x8450]  }
0x313: {  	v18 =	vadd.f32 v18, v55  }
0x314: {  	v57 =	vld [tilespmem:$0x8460]  }
0x315: {  	v18 =	vadd.f32 v18, v56  }
0x316: {  	v58 =	vld [tilespmem:$0x8470]  }
0x317: {  	v18 =	vadd.f32 v18, v19  }
0x318: {  	v19 =	vld [tilespmem:$0x8480]  }
0x319: {  	v18 =	vadd.f32 v18, v57  }
0x31a: {  	v59 =	vld [tilespmem:$0x8490]  }
0x31b: {  	v18 =	vadd.f32 v18, v58  }
0x31c: {  	v60 =	vld [tilespmem:$0x84A0]  }
0x31d: {  	v18 =	vadd.f32 v18, v19  }
0x31e: {  	v19 =	vld [tilespmem:$0x84B0]  }
0x31f: {  	v18 =	vadd.f32 v18, v59  }
0x320: {  	v61 =	vld [tilespmem:$0x84C0]  }
0x321: {  	v18 =	vadd.f32 v18, v60  }
0x322: {  	v62 =	vld [tilespmem:$0x84D0]  }
0x323: {  	v18 =	vadd.f32 v18, v19  }
0x324: {  	v19 =	vld [tilespmem:$0x84E0]  }
0x325: {  	v18 =	vadd.f32 v18, v61  }
0x326: {  	v63 =	vld [tilespmem:$0x84F0]  }
0x327: {  	v18 =	vadd.f32 v18, v62;
	_ =	sdelay $0x1  }
0x328: {  	v18 =	vadd.f32 v18, v19;
	_ =	sdelay $0x1  }
0x329: {  	v18 =	vadd.f32 v18, v63  }
0x32a: {  	s16 =	simm.s32 $0x0  }
0x32b: {  	s26 =	rddreg [dreg:$0x11];
	s3 =	simm.s32 $0x8980;
	s4 =	simm.s32 $0xE;
	[tilespmem:s1+$0x8980] =	vst v18  }
0x32c: {  	[hbm4b:s26+s16] =	stream.linear.scatter [tilespmem:s3], [sflag:$0xE], $0x200, $0x38;
	[tilespmem:$0x14B80] =	vst v63  }
0x32d: {  	_ =	swait.ge [sflag:s4], $0x200  }
0x32e: {  	s30 =	rddreg [dreg:$0x13]  }
0x32f: {  	s31 =	rddreg [dreg:$0x12];
	s3 =	sadd.s32 $0x1, s30  }
0x330: {  	p0 =	sne.s32 s3, s31  }
.Ltmp2:
0x331: {  	_ = 	snop;
	(pc) =	sbr.rel @p0 .LBB2_1-.Ltmp2, $3  }
0x332: {  	_ =	sdelay $0x1  }
0x333: {  	[sflag:s4] =	ssyncset.done $0x0  }
0x334: {  	[sflag:s4] =	ssyncadd.s32 $0xFFFFFE00  }
0x335: {  	_ =	sfence.sel $0x180000  }
0x336: {  	[bflag:$0x0] =	sbarrier.arrive $0xFFFF  }
0x337: {  	_ =	strace $0x90000047  }
0x338: {  	s0 =	stileid.u32;
	[bflag:$0x2] =	sbarrier.arrive $0xFFFF  }
0x339: {  	p0 =	sne.s32 s0, $0x0;
	s0 =	rddreg [dreg:$0x8]  }
0x33a: {  	s0 =	sadd.s32 @!p0 $0x100000, s0  }
0x33b: {  	[sflag:s0] =	ssyncadd.tile.s32 @!p0 $0x1;
	_ =	shalt  }
.Lfunc_end2:
_tile_overlayer_lowered:
.L_overlay_start_2:
0x33c: {  	(tag) =	ssettag $0x2  }
0x33d: {  	s0 =	rddreg [dreg:$0x0];
	s2 =	stileid.u32  }
0x33e: {  	s1 =	rddreg [dreg:$0x1];
	p0 =	sne.s32 s2, $0x0  }
0x33f: {  	s3 =	rddreg [dreg:$0x2];
	[bflag:$0x3] =	sbarrier.arrive $0xFFFF;
	s2 =	simm.s32 @!p0 $0x1C0E  }
0x340: {  	[timem:s3], [sflag:s2] =	dma.local @!p0 [hbm:s0], s1  }
0x341: {  	s0 =	simm.s32 @!p0 $0xE  }
0x342: {  	_ =	swait.ge @!p0 [sflag:s0], s1  }
0x343: {  	s1 =	ssub.s32 @!p0 $0x0, s1;
	[sflag:s0] =	ssyncset.done @!p0 $0x0  }
0x344: {  	[sflag:s0] =	ssyncadd.s32 @!p0 s1  }
0x345: {  	[bflag:$0x3] =	sbarrier.arrive $0xFFFF  }
0x346: {  	_ =	shalt  }

</sc_bundles>
